<compile_context>
chip_gen: v7x
topology: tpu7x:2x2x1
jax: 0.10.2.dev20260603
libtpu: 0.0.44.dev20260713+nightly
codegen_flags: <defaults>
</compile_context>

<pallas_src>
import functools

import jax
import jax.numpy as jnp
from jax import lax
from jax.experimental import pallas as pl
from jax.experimental.pallas import tpu as pltpu
from jax.experimental.pallas import tpu_sc as plsc

_N = 5000
_B = 512
_NB = 10
_NT = _B * _NB
_TH = 0.7
_CW = 2560
_D = 16
_NW = 32
_BPW = _NT // _NW


@functools.cache
def _make_sc_gather():
    @functools.partial(
        pl.kernel,
        mesh=plsc.VectorSubcoreMesh(core_axis_name="c", subcore_axis_name="s"),
        compiler_params=pltpu.CompilerParams(use_tc_tiling_on_sc=False),
        out_type=jax.ShapeDtypeStruct((_NT, _D), jnp.float32),
        scratch_types=[
            pltpu.VMEM((_BPW,), jnp.int32),
            pltpu.VMEM((_BPW, _D), jnp.float32),
            pltpu.SemaphoreType.DMA,
        ],
    )
    def sc_gather(table_hbm, idx_hbm, out_hbm, idx_v, rows_v, sem):
        wid = lax.axis_index("s") * 2 + lax.axis_index("c")
        base = wid * _BPW
        pltpu.sync_copy(idx_hbm.at[pl.ds(base, _BPW)], idx_v)
        pltpu.async_copy(table_hbm.at[idx_v], rows_v, sem).wait()
        pltpu.sync_copy(rows_v, out_hbm.at[pl.ds(base, _BPW)])

    return sc_gather


def _sc_gather(table, idx):
    return _make_sc_gather()(table, idx)


def _overlap(px1, py1, px2, py2, pa, rows_ref, off, w):
    x1r = rows_ref[0:1, off:off + w]
    y1r = rows_ref[1:2, off:off + w]
    x2r = rows_ref[2:3, off:off + w]
    y2r = rows_ref[3:4, off:off + w]
    ar = rows_ref[5:6, off:off + w]
    ix1 = jnp.maximum(px1, x1r)
    iy1 = jnp.maximum(py1, y1r)
    ix2 = jnp.minimum(px2, x2r)
    iy2 = jnp.minimum(py2, y2r)
    inter = jnp.maximum(ix2 - ix1, 0.0) * jnp.maximum(iy2 - iy1, 0.0)
    union = pa + ar - inter
    return ((inter / union) > _TH).astype(jnp.float32)


def _nms_body(rows_ref, cols_ref, keep_ref):
    rid = lax.broadcasted_iota(jnp.int32, (_B, _B), 0)
    cid = lax.broadcasted_iota(jnp.int32, (_B, _B), 1)
    tri = (rid < cid).astype(jnp.float32)
    lcol = lax.broadcasted_iota(jnp.int32, (1, _CW), 1)

    def nms_pass(exact):
        keep_ref[...] = jnp.ones((1, _NT), jnp.float32)
        acc = jnp.zeros((1, _B), jnp.float32)

        for i in range(_NB):
            base = i * _B
            c = cols_ref[i, :, :]
            px1 = c[:, 0:1]
            py1 = c[:, 1:2]
            px2 = c[:, 2:3]
            py2 = c[:, 3:4]
            pa = c[:, 5:6]

            rest = _NT - base
            widths = []
            while rest > 0:
                widths.append(min(_CW, rest))
                rest -= widths[-1]

            ov0 = _overlap(px1, py1, px2, py2, pa, rows_ref, base, widths[0])
            om = ov0[:, 0:_B] * tri
            pre = keep_ref[0:1, base:base + _B]

            def fix(kv, om=om, pre=pre):
                s = lax.dot_general(kv, om, (((1,), (0,)), ((), ())),
                                    preferred_element_type=jnp.float32)
                return pre * (s == 0.0).astype(jnp.float32)

            if exact:
                kv_a = fix(pre)
                kv = fix(kv_a)

                def fix_cond(carry):
                    return carry[1]

                def fix_body(carry, fix=fix):
                    nk = fix(carry[0])
                    return (nk, jnp.any(nk != carry[0]))

                kv_f, _ = lax.while_loop(fix_cond, fix_body,
                                         (kv, jnp.any(kv != kv_a)))
            else:
                kv = fix(fix(pre))
                kv_f = fix(kv)
                acc = acc + jnp.abs(kv_f - kv)
            keep_ref[0:1, base:base + _B] = kv_f

            off = base
            for ci, w in enumerate(widths):
                ov = ov0 if ci == 0 else _overlap(px1, py1, px2, py2, pa,
                                                  rows_ref, off, w)
                s_all = lax.dot_general(kv_f, ov, (((1,), (0,)), ((), ())),
                                        preferred_element_type=jnp.float32)
                sup = s_all > 0.0
                if ci == 0:
                    sup = sup & (lcol[:, 0:w] >= _B)
                keep_ref[0:1, off:off + w] = (
                    keep_ref[0:1, off:off + w] * (1.0 - sup.astype(jnp.float32)))
                off += w
        return acc

    acc = nms_pass(exact=False)

    @pl.when(jnp.any(acc > 0.0))
    def _redo():
        nms_pass(exact=True)


def _nms_keep(rows, cols):
    return pl.pallas_call(
        _nms_body,
        out_shape=jax.ShapeDtypeStruct((1, _NT), jnp.float32),
    )(rows, cols)


def kernel(boxes, scores):
    order = jnp.argsort(-scores).astype(jnp.int32)
    area = (boxes[:, 2] - boxes[:, 0]) * (boxes[:, 3] - boxes[:, 1])
    table = jnp.concatenate(
        [boxes, scores[:, None], area[:, None],
         jnp.zeros((_N, _D - 6), boxes.dtype)],
        axis=1)
    table = jnp.pad(table, ((0, 8), (0, 0)))
    idx = jnp.concatenate(
        [order, jnp.full((_NT - _N,), _N, jnp.int32)])

    gp = _sc_gather(table, idx)
    cols = gp.reshape(_NB, _B, _D)
    rows = gp[:, 0:8].T

    keep = _nms_keep(rows, cols)
    out = gp[:_N, 0:5] * keep[0, :_N, None]
    return out

# --- scband reference (transcript-rebuilt; emitter-appended) ---
"""Pipeline reference for scband-rpn-52390011076626 (READ-ONLY COPY).

The authoritative reference and input builder live on the scoring server;
editing this copy changes nothing except your own understanding.
"""

import jax, jax.numpy as jnp
import numpy as np

N = 5000
IOU_THRESH = 0.7


def setup_inputs(seed: int = 0) -> dict:
    key = jax.random.key(seed)
    k1, k2, k3, k4, k5 = jax.random.split(key, 5)
    # Valid XYXY boxes: random centers in a 1024x1024 image, sizes 8..256 px
    cx = jax.random.uniform(k1, (N,), minval=0.0, maxval=1024.0)
    cy = jax.random.uniform(k2, (N,), minval=0.0, maxval=1024.0)
    w = jax.random.uniform(k3, (N,), minval=8.0, maxval=256.0)
    h = jax.random.uniform(k4, (N,), minval=8.0, maxval=256.0)
    boxes = jnp.stack([cx - 0.5 * w, cy - 0.5 * h, cx + 0.5 * w, cy + 0.5 * h], axis=1).astype(jnp.float32)
    scores = jax.random.uniform(k5, (N,), dtype=jnp.float32)
    return {"boxes": boxes, "scores": scores}


def _pairwise_iou(boxes1, boxes2):
    # Faithful translation of the module's iou(): XYXY pairwise IoU, shape (M, N)
    x1 = jnp.maximum(boxes1[:, None, 0], boxes2[None, :, 0])
    y1 = jnp.maximum(boxes1[:, None, 1], boxes2[None, :, 1])
    x2 = jnp.minimum(boxes1[:, None, 2], boxes2[None, :, 2])
    y2 = jnp.minimum(boxes1[:, None, 3], boxes2[None, :, 3])
    inter = jnp.maximum(x2 - x1, 0.0) * jnp.maximum(y2 - y1, 0.0)
    area1 = (boxes1[:, 2] - boxes1[:, 0]) * (boxes1[:, 3] - boxes1[:, 1])
    area2 = (boxes2[:, 2] - boxes2[:, 0]) * (boxes2[:, 3] - boxes2[:, 1])
    union = area1[:, None] + area2[None, :] - inter
    return inter / union


def reference(boxes, scores):
    # Greedy class-agnostic NMS as used by RPN proposal filtering.
    n = boxes.shape[0]
    order = jnp.argsort(-scores)            # sort by descending score
    boxes_s = jnp.take(boxes, order, axis=0)
    scores_s = jnp.take(scores, order)
    iou_mat = _pairwise_iou(jax.lax.stop_gradient(boxes_s), jax.lax.stop_gradient(boxes_s))
    idxs = jnp.arange(n)

    def body(i, keep):
        # suppress later boxes overlapping box i (if box i is still kept)
        suppress = (iou_mat[i] > IOU_THRESH) & keep[i] & (idxs > i)
        return keep & (~suppress)

    keep = jax.lax.fori_loop(0, n, body, jnp.ones((n,), dtype=bool))
    kf = keep.astype(boxes_s.dtype)
    # fixed-shape output: surviving boxes and scores, suppressed entries zeroed
    out = jnp.concatenate([boxes_s * kf[:, None], (scores_s * kf)[:, None]], axis=1)
    return out

if __name__ == "__main__":
    import jax
    _d = setup_inputs()
    print(jax.jit(kernel)(*tuple(_d.values())))

</pallas_src>

<mosaic_0001>
#map = affine_map<(d0, d1) -> (0, 0)>
#map1 = affine_map<(d0, d1) -> (0)>
module attributes {stable_mosaic.version = 14 : i64} {
  func.func @sc_gather(%arg0: i32, %arg1: i32, %arg2: memref<5008x16xf32, #tpu.memory_space<hbm>>, %arg3: memref<5120xi32, #tpu.memory_space<hbm>>, %arg4: memref<5120x16xf32, #tpu.memory_space<hbm>>, %arg5: memref<160xi32, #tpu.memory_space<vmem>>, %arg6: memref<160x16xf32, #tpu.memory_space<vmem>>, %arg7: memref<!tpu.dma_semaphore, #tpu.memory_space<semaphore_mem>>) attributes {dimension_semantics = [#tpu.dimension_semantics<core_parallel>, #tpu.dimension_semantics<subcore_parallel>], iteration_bounds = array<i64: 2, 16>, scalar_prefetch = 0 : i64, scratch_operands = 3 : i64, tpu.core_type = #tpu.core_type<sc_vector_subcore>, window_params = [{transform_indices = #map}, {transform_indices = #map1}, {transform_indices = #map}]} {
    %mul3A = arith.constant 2 : i32
    %mul3A_0 = arith.muli %arg1, %mul3A : i32
    %add3A = arith.addi %mul3A_0, %arg0 : i32
    %mul3A_1 = arith.constant 160 : i32
    %mul3A_2 = arith.muli %add3A, %mul3A_1 : i32
    "tpu.region"() ({
      %run_scoped3A = tpu.sem_alloc : memref<!tpu.dma_semaphore, #tpu.memory_space<semaphore_mem>>
      %dma_start3A_7 = tpu.memref_slice %arg3[%mul3A_2] : memref<5120xi32, #tpu.memory_space<hbm>> -> memref<160xi32, #tpu.memory_space<hbm>>
      %dma_start3A_8 = tpu.memref_slice %arg3[%mul3A_2] : memref<5120xi32, #tpu.memory_space<hbm>> -> memref<160xi32, #tpu.memory_space<hbm>>
      tpu.enqueue_dma source(%dma_start3A_8 : memref<160xi32, #tpu.memory_space<hbm>>) target(%arg5 : memref<160xi32, #tpu.memory_space<vmem>>) target_semaphore(%run_scoped3A : memref<!tpu.dma_semaphore, #tpu.memory_space<semaphore_mem>>)
      %dma_wait3A_9 = tpu.memref_slice %arg3[%mul3A_2] : memref<5120xi32, #tpu.memory_space<hbm>> -> memref<160xi32, #tpu.memory_space<hbm>>
      %dma_wait3A_10 = tpu.memref_slice %arg3[%mul3A_2] : memref<5120xi32, #tpu.memory_space<hbm>> -> memref<160xi32, #tpu.memory_space<hbm>>
      tpu.wait_dma2 semaphore(%run_scoped3A : memref<!tpu.dma_semaphore, #tpu.memory_space<semaphore_mem>>) src(%dma_wait3A_10 : memref<160xi32, #tpu.memory_space<hbm>>) dst(%arg5 : memref<160xi32, #tpu.memory_space<vmem>>)
      tpu.yield
    }) : () -> ()
    %dma_start3A = arith.constant 0 : i32
    %dma_start3A_3 = arith.constant 0 : i32
    %dma_start3A_4 = tpu.memref_slice %arg2[%dma_start3A, %dma_start3A_3] : memref<5008x16xf32, #tpu.memory_space<hbm>> -> memref<5008x16xf32, #tpu.memory_space<hbm>>
    tpu.enqueue_indirect_dma source(%dma_start3A_4 : memref<5008x16xf32, #tpu.memory_space<hbm>>) target(%arg6 : memref<160x16xf32, #tpu.memory_space<vmem>>) offsets(%arg5 : memref<160xi32, #tpu.memory_space<vmem>>) semaphore(%arg7 : memref<!tpu.dma_semaphore, #tpu.memory_space<semaphore_mem>>)
    %dma_wait3A = arith.constant 0 : i32
    %dma_wait3A_5 = arith.constant 0 : i32
    %dma_wait3A_6 = tpu.memref_slice %arg2[%dma_wait3A, %dma_wait3A_5] : memref<5008x16xf32, #tpu.memory_space<hbm>> -> memref<5008x16xf32, #tpu.memory_space<hbm>>
    tpu.wait_indirect_dma semaphore(%arg7 : memref<!tpu.dma_semaphore, #tpu.memory_space<semaphore_mem>>) src(%dma_wait3A_6 : memref<5008x16xf32, #tpu.memory_space<hbm>>) dst(%arg6 : memref<160x16xf32, #tpu.memory_space<vmem>>)
    "tpu.region"() ({
      %run_scoped3A = tpu.sem_alloc : memref<!tpu.dma_semaphore, #tpu.memory_space<semaphore_mem>>
      %dma_start3A_7 = arith.constant 0 : i32
      %dma_start3A_8 = tpu.memref_slice %arg4[%mul3A_2, %dma_start3A_7] : memref<5120x16xf32, #tpu.memory_space<hbm>> -> memref<160x16xf32, #tpu.memory_space<hbm>>
      %dma_start3A_9 = arith.constant 0 : i32
      %dma_start3A_10 = tpu.memref_slice %arg4[%mul3A_2, %dma_start3A_9] : memref<5120x16xf32, #tpu.memory_space<hbm>> -> memref<160x16xf32, #tpu.memory_space<hbm>>
      tpu.enqueue_dma source(%arg6 : memref<160x16xf32, #tpu.memory_space<vmem>>) target(%dma_start3A_10 : memref<160x16xf32, #tpu.memory_space<hbm>>) target_semaphore(%run_scoped3A : memref<!tpu.dma_semaphore, #tpu.memory_space<semaphore_mem>>)
      %dma_wait3A_11 = arith.constant 0 : i32
      %dma_wait3A_12 = tpu.memref_slice %arg4[%mul3A_2, %dma_wait3A_11] : memref<5120x16xf32, #tpu.memory_space<hbm>> -> memref<160x16xf32, #tpu.memory_space<hbm>>
      %dma_wait3A_13 = arith.constant 0 : i32
      %dma_wait3A_14 = tpu.memref_slice %arg4[%mul3A_2, %dma_wait3A_13] : memref<5120x16xf32, #tpu.memory_space<hbm>> -> memref<160x16xf32, #tpu.memory_space<hbm>>
      tpu.wait_dma2 semaphore(%run_scoped3A : memref<!tpu.dma_semaphore, #tpu.memory_space<semaphore_mem>>) src(%arg6 : memref<160x16xf32, #tpu.memory_space<vmem>>) dst(%dma_wait3A_14 : memref<160x16xf32, #tpu.memory_space<hbm>>)
      tpu.yield
    }) : () -> ()
    return
  }
}

module attributes {stable_mosaic.version = 14 : i64} {
  func.func @_nms_body(%arg0: memref<8x5120xf32, #tpu.memory_space<vmem>>, %arg1: memref<10x512x16xf32, #tpu.memory_space<vmem>>, %arg2: memref<1x5120xf32, #tpu.memory_space<vmem>>) attributes {dimension_semantics = [], scalar_prefetch = 0 : i64, scratch_operands = 0 : i64, tpu.core_type = #tpu.core_type<tc>} {
    %iota3A = tpu.iota {dimensions = array<i32: 0>} : vector<512x512xi32>
    %iota3A_0 = tpu.iota {dimensions = array<i32: 1>} : vector<512x512xi32>
    %lt3A = arith.cmpi slt, %iota3A, %iota3A_0 : vector<512x512xi32>
    %convert_element_type3A = arith.extui %lt3A : vector<512x512xi1> to vector<512x512xi32>
    %convert_element_type3A_1 = arith.sitofp %convert_element_type3A : vector<512x512xi32> to vector<512x512xf32>
    %iota3A_2 = tpu.iota {dimensions = array<i32: 1>} : vector<1x2560xi32>
    %broadcast_in_dim3A = arith.constant 1.000000e+00 : f32
    %broadcast_in_dim3A_3 = vector.broadcast %broadcast_in_dim3A : f32 to vector<1x5120xf32>
    %swap3A = arith.constant 0 : index
    %swap3A_4 = arith.constant 0 : index
    %swap3A_5 = vector.load %arg2[%swap3A, %swap3A_4] : memref<1x5120xf32, #tpu.memory_space<vmem>>, vector<1x5120xf32>
    tpu.vector_store %arg2[%swap3A, %swap3A_4], %broadcast_in_dim3A_3 {strides = array<i32>} : memref<1x5120xf32, #tpu.memory_space<vmem>>, vector<1x5120xf32>,
    %broadcast_in_dim3A_6 = arith.constant 0.000000e+00 : f32
    %broadcast_in_dim3A_7 = vector.broadcast %broadcast_in_dim3A_6 : f32 to vector<1x512xf32>
    %get3A = arith.constant 0 : index
    %get3A_8 = arith.constant 0 : index
    %get3A_9 = arith.constant 0 : index
    %get3A_10 = vector.load %arg1[%get3A, %get3A_8, %get3A_9] : memref<10x512x16xf32, #tpu.memory_space<vmem>>, vector<1x512x16xf32>
    %get3A_11 = vector.shape_cast %get3A_10 : vector<1x512x16xf32> to vector<512x16xf32>
    %slice3A = vector.extract_strided_slice %get3A_11 {offsets = [0, 0], sizes = [512, 1], strides = [1, 1]} : vector<512x16xf32> to vector<512x1xf32>
    %slice3A_12 = vector.extract_strided_slice %get3A_11 {offsets = [0, 1], sizes = [512, 1], strides = [1, 1]} : vector<512x16xf32> to vector<512x1xf32>
    %slice3A_13 = vector.extract_strided_slice %get3A_11 {offsets = [0, 2], sizes = [512, 1], strides = [1, 1]} : vector<512x16xf32> to vector<512x1xf32>
    %slice3A_14 = vector.extract_strided_slice %get3A_11 {offsets = [0, 3], sizes = [512, 1], strides = [1, 1]} : vector<512x16xf32> to vector<512x1xf32>
    %slice3A_15 = vector.extract_strided_slice %get3A_11 {offsets = [0, 5], sizes = [512, 1], strides = [1, 1]} : vector<512x16xf32> to vector<512x1xf32>
    %get3A_16 = arith.constant 0 : index
    %get3A_17 = arith.constant 0 : index
    %get3A_18 = vector.load %arg0[%get3A_16, %get3A_17] : memref<8x5120xf32, #tpu.memory_space<vmem>>, vector<1x2560xf32>
    %get3A_19 = arith.constant 1 : index
    %get3A_20 = arith.constant 0 : index
    %get3A_21 = vector.load %arg0[%get3A_19, %get3A_20] : memref<8x5120xf32, #tpu.memory_space<vmem>>, vector<1x2560xf32>
    %get3A_22 = arith.constant 2 : index
    %get3A_23 = arith.constant 0 : index
    %get3A_24 = vector.load %arg0[%get3A_22, %get3A_23] : memref<8x5120xf32, #tpu.memory_space<vmem>>, vector<1x2560xf32>
    %get3A_25 = arith.constant 3 : index
    %get3A_26 = arith.constant 0 : index
    %get3A_27 = vector.load %arg0[%get3A_25, %get3A_26] : memref<8x5120xf32, #tpu.memory_space<vmem>>, vector<1x2560xf32>
    %get3A_28 = arith.constant 5 : index
    %get3A_29 = arith.constant 0 : index
    %get3A_30 = vector.load %arg0[%get3A_28, %get3A_29] : memref<8x5120xf32, #tpu.memory_space<vmem>>, vector<1x2560xf32>
    %max3A = vector.broadcast %slice3A : vector<512x1xf32> to vector<512x2560xf32>
    %max3A_31 = vector.broadcast %get3A_18 : vector<1x2560xf32> to vector<512x2560xf32>
    %max3A_32 = arith.maximumf %max3A, %max3A_31 : vector<512x2560xf32>
    %max3A_33 = vector.broadcast %slice3A_12 : vector<512x1xf32> to vector<512x2560xf32>
    %max3A_34 = vector.broadcast %get3A_21 : vector<1x2560xf32> to vector<512x2560xf32>
    %max3A_35 = arith.maximumf %max3A_33, %max3A_34 : vector<512x2560xf32>
    %min3A = vector.broadcast %slice3A_13 : vector<512x1xf32> to vector<512x2560xf32>
    %min3A_36 = vector.broadcast %get3A_24 : vector<1x2560xf32> to vector<512x2560xf32>
    %min3A_37 = arith.minimumf %min3A, %min3A_36 : vector<512x2560xf32>
    %min3A_38 = vector.broadcast %slice3A_14 : vector<512x1xf32> to vector<512x2560xf32>
    %min3A_39 = vector.broadcast %get3A_27 : vector<1x2560xf32> to vector<512x2560xf32>
    %min3A_40 = arith.minimumf %min3A_38, %min3A_39 : vector<512x2560xf32>
    %sub3A = arith.subf %min3A_37, %max3A_32 : vector<512x2560xf32>
    %max3A_41 = arith.constant 0.000000e+00 : f32
    %max3A_42 = vector.broadcast %max3A_41 : f32 to vector<512x2560xf32>
    %max3A_43 = arith.maximumf %sub3A, %max3A_42 : vector<512x2560xf32>
    %sub3A_44 = arith.subf %min3A_40, %max3A_35 : vector<512x2560xf32>
    %max3A_45 = arith.constant 0.000000e+00 : f32
    %max3A_46 = vector.broadcast %max3A_45 : f32 to vector<512x2560xf32>
    %max3A_47 = arith.maximumf %sub3A_44, %max3A_46 : vector<512x2560xf32>
    %mul3A = arith.mulf %max3A_43, %max3A_47 : vector<512x2560xf32>
    %add3A = vector.broadcast %slice3A_15 : vector<512x1xf32> to vector<512x2560xf32>
    %add3A_48 = vector.broadcast %get3A_30 : vector<1x2560xf32> to vector<512x2560xf32>
    %add3A_49 = arith.addf %add3A, %add3A_48 : vector<512x2560xf32>
    %sub3A_50 = arith.subf %add3A_49, %mul3A : vector<512x2560xf32>
    %div3A = arith.divf %mul3A, %sub3A_50 : vector<512x2560xf32>
    %gt3A = arith.constant 0.699999988 : f32
    %gt3A_51 = vector.broadcast %gt3A : f32 to vector<512x2560xf32>
    %gt3A_52 = arith.cmpf ogt, %div3A, %gt3A_51 : vector<512x2560xf32>
    %convert_element_type3A_53 = arith.extui %gt3A_52 : vector<512x2560xi1> to vector<512x2560xi32>
    %convert_element_type3A_54 = arith.sitofp %convert_element_type3A_53 : vector<512x2560xi32> to vector<512x2560xf32>
    %slice3A_55 = vector.extract_strided_slice %convert_element_type3A_54 {offsets = [0, 0], sizes = [512, 512], strides = [1, 1]} : vector<512x2560xf32> to vector<512x512xf32>
    %mul3A_56 = arith.mulf %slice3A_55, %convert_element_type3A_1 : vector<512x512xf32>
    %get3A_57 = arith.constant 0 : index
    %get3A_58 = arith.constant 0 : index
    %get3A_59 = vector.load %arg2[%get3A_57, %get3A_58] : memref<1x5120xf32, #tpu.memory_space<vmem>>, vector<1x512xf32>
    %dot_general3A = arith.constant dense<0.000000e+00> : vector<1x512xf32>
    %dot_general3A_60 = tpu.matmul %get3A_59, %mul3A_56, %dot_general3A {dimension_numbers = #tpu.dot_dimension_numbers<[1], [0], [0], [1], [0, 0, 1, 1], [], []>, transpose_lhs_hint = false} : vector<1x512xf32>, vector<512x512xf32>, vector<1x512xf32> -> vector<1x512xf32>
    %eq3A = arith.constant 0.000000e+00 : f32
    %eq3A_61 = vector.broadcast %eq3A : f32 to vector<1x512xf32>
    %eq3A_62 = arith.cmpf oeq, %dot_general3A_60, %eq3A_61 : vector<1x512xf32>
    %convert_element_type3A_63 = arith.extui %eq3A_62 : vector<1x512xi1> to vector<1x512xi32>
    %convert_element_type3A_64 = arith.sitofp %convert_element_type3A_63 : vector<1x512xi32> to vector<1x512xf32>
    %mul3A_65 = arith.mulf %get3A_59, %convert_element_type3A_64 : vector<1x512xf32>
    %dot_general3A_66 = arith.constant dense<0.000000e+00> : vector<1x512xf32>
    %dot_general3A_67 = tpu.matmul %mul3A_65, %mul3A_56, %dot_general3A_66 {dimension_numbers = #tpu.dot_dimension_numbers<[1], [0], [0], [1], [0, 0, 1, 1], [], []>, transpose_lhs_hint = false} : vector<1x512xf32>, vector<512x512xf32>, vector<1x512xf32> -> vector<1x512xf32>
    %eq3A_68 = arith.constant 0.000000e+00 : f32
    %eq3A_69 = vector.broadcast %eq3A_68 : f32 to vector<1x512xf32>
    %eq3A_70 = arith.cmpf oeq, %dot_general3A_67, %eq3A_69 : vector<1x512xf32>
    %convert_element_type3A_71 = arith.extui %eq3A_70 : vector<1x512xi1> to vector<1x512xi32>
    %convert_element_type3A_72 = arith.sitofp %convert_element_type3A_71 : vector<1x512xi32> to vector<1x512xf32>
    %mul3A_73 = arith.mulf %get3A_59, %convert_element_type3A_72 : vector<1x512xf32>
    %dot_general3A_74 = arith.constant dense<0.000000e+00> : vector<1x512xf32>
    %dot_general3A_75 = tpu.matmul %mul3A_73, %mul3A_56, %dot_general3A_74 {dimension_numbers = #tpu.dot_dimension_numbers<[1], [0], [0], [1], [0, 0, 1, 1], [], []>, transpose_lhs_hint = false} : vector<1x512xf32>, vector<512x512xf32>, vector<1x512xf32> -> vector<1x512xf32>
    %eq3A_76 = arith.constant 0.000000e+00 : f32
    %eq3A_77 = vector.broadcast %eq3A_76 : f32 to vector<1x512xf32>
    %eq3A_78 = arith.cmpf oeq, %dot_general3A_75, %eq3A_77 : vector<1x512xf32>
    %convert_element_type3A_79 = arith.extui %eq3A_78 : vector<1x512xi1> to vector<1x512xi32>
    %convert_element_type3A_80 = arith.sitofp %convert_element_type3A_79 : vector<1x512xi32> to vector<1x512xf32>
    %mul3A_81 = arith.mulf %get3A_59, %convert_element_type3A_80 : vector<1x512xf32>
    %sub3A_82 = arith.subf %mul3A_81, %mul3A_73 : vector<1x512xf32>
    %abs3A = math.absf %sub3A_82 : vector<1x512xf32>
    %add3A_83 = arith.addf %broadcast_in_dim3A_7, %abs3A : vector<1x512xf32>
    %swap3A_84 = arith.constant 0 : index
    %swap3A_85 = arith.constant 0 : index
    %swap3A_86 = vector.load %arg2[%swap3A_84, %swap3A_85] : memref<1x5120xf32, #tpu.memory_space<vmem>>, vector<1x512xf32>
    tpu.vector_store %arg2[%swap3A_84, %swap3A_85], %mul3A_81 {strides = array<i32>} : memref<1x5120xf32, #tpu.memory_space<vmem>>, vector<1x512xf32>,
    %dot_general3A_87 = arith.constant dense<0.000000e+00> : vector<1x2560xf32>
    %dot_general3A_88 = tpu.matmul %mul3A_81, %convert_element_type3A_54, %dot_general3A_87 {dimension_numbers = #tpu.dot_dimension_numbers<[1], [0], [0], [1], [0, 0, 1, 1], [], []>, transpose_lhs_hint = false} : vector<1x512xf32>, vector<512x2560xf32>, vector<1x2560xf32> -> vector<1x2560xf32>
    %gt3A_89 = arith.constant 0.000000e+00 : f32
    %gt3A_90 = vector.broadcast %gt3A_89 : f32 to vector<1x2560xf32>
    %gt3A_91 = arith.cmpf ogt, %dot_general3A_88, %gt3A_90 : vector<1x2560xf32>
    %ge3A = arith.constant 512 : i32
    %ge3A_92 = vector.broadcast %ge3A : i32 to vector<1x2560xi32>
    %ge3A_93 = arith.cmpi sge, %iota3A_2, %ge3A_92 : vector<1x2560xi32>
    %and3A = arith.andi %gt3A_91, %ge3A_93 : vector<1x2560xi1>
    %get3A_94 = arith.constant 0 : index
    %get3A_95 = arith.constant 0 : index
    %get3A_96 = vector.load %arg2[%get3A_94, %get3A_95] : memref<1x5120xf32, #tpu.memory_space<vmem>>, vector<1x2560xf32>
    %convert_element_type3A_97 = arith.extui %and3A : vector<1x2560xi1> to vector<1x2560xi32>
    %convert_element_type3A_98 = arith.sitofp %convert_element_type3A_97 : vector<1x2560xi32> to vector<1x2560xf32>
    %sub3A_99 = arith.constant 1.000000e+00 : f32
    %sub3A_100 = vector.broadcast %sub3A_99 : f32 to vector<1x2560xf32>
    %sub3A_101 = arith.subf %sub3A_100, %convert_element_type3A_98 : vector<1x2560xf32>
    %mul3A_102 = arith.mulf %get3A_96, %sub3A_101 : vector<1x2560xf32>
    %swap3A_103 = arith.constant 0 : index
    %swap3A_104 = arith.constant 0 : index
    %swap3A_105 = vector.load %arg2[%swap3A_103, %swap3A_104] : memref<1x5120xf32, #tpu.memory_space<vmem>>, vector<1x2560xf32>
    tpu.vector_store %arg2[%swap3A_103, %swap3A_104], %mul3A_102 {strides = array<i32>} : memref<1x5120xf32, #tpu.memory_space<vmem>>, vector<1x2560xf32>,
    %get3A_106 = arith.constant 0 : index
    %get3A_107 = arith.constant 2560 : index
    %get3A_108 = vector.load %arg0[%get3A_106, %get3A_107] : memref<8x5120xf32, #tpu.memory_space<vmem>>, vector<1x2560xf32>
    %get3A_109 = arith.constant 1 : index
    %get3A_110 = arith.constant 2560 : index
    %get3A_111 = vector.load %arg0[%get3A_109, %get3A_110] : memref<8x5120xf32, #tpu.memory_space<vmem>>, vector<1x2560xf32>
    %get3A_112 = arith.constant 2 : index
    %get3A_113 = arith.constant 2560 : index
    %get3A_114 = vector.load %arg0[%get3A_112, %get3A_113] : memref<8x5120xf32, #tpu.memory_space<vmem>>, vector<1x2560xf32>
    %get3A_115 = arith.constant 3 : index
    %get3A_116 = arith.constant 2560 : index
    %get3A_117 = vector.load %arg0[%get3A_115, %get3A_116] : memref<8x5120xf32, #tpu.memory_space<vmem>>, vector<1x2560xf32>
    %get3A_118 = arith.constant 5 : index
    %get3A_119 = arith.constant 2560 : index
    %get3A_120 = vector.load %arg0[%get3A_118, %get3A_119] : memref<8x5120xf32, #tpu.memory_space<vmem>>, vector<1x2560xf32>
    %max3A_121 = vector.broadcast %slice3A : vector<512x1xf32> to vector<512x2560xf32>
    %max3A_122 = vector.broadcast %get3A_108 : vector<1x2560xf32> to vector<512x2560xf32>
    %max3A_123 = arith.maximumf %max3A_121, %max3A_122 : vector<512x2560xf32>
    %max3A_124 = vector.broadcast %slice3A_12 : vector<512x1xf32> to vector<512x2560xf32>
    %max3A_125 = vector.broadcast %get3A_111 : vector<1x2560xf32> to vector<512x2560xf32>
    %max3A_126 = arith.maximumf %max3A_124, %max3A_125 : vector<512x2560xf32>
    %min3A_127 = vector.broadcast %slice3A_13 : vector<512x1xf32> to vector<512x2560xf32>
    %min3A_128 = vector.broadcast %get3A_114 : vector<1x2560xf32> to vector<512x2560xf32>
    %min3A_129 = arith.minimumf %min3A_127, %min3A_128 : vector<512x2560xf32>
    %min3A_130 = vector.broadcast %slice3A_14 : vector<512x1xf32> to vector<512x2560xf32>
    %min3A_131 = vector.broadcast %get3A_117 : vector<1x2560xf32> to vector<512x2560xf32>
    %min3A_132 = arith.minimumf %min3A_130, %min3A_131 : vector<512x2560xf32>
    %sub3A_133 = arith.subf %min3A_129, %max3A_123 : vector<512x2560xf32>
    %max3A_134 = arith.constant 0.000000e+00 : f32
    %max3A_135 = vector.broadcast %max3A_134 : f32 to vector<512x2560xf32>
    %max3A_136 = arith.maximumf %sub3A_133, %max3A_135 : vector<512x2560xf32>
    %sub3A_137 = arith.subf %min3A_132, %max3A_126 : vector<512x2560xf32>
    %max3A_138 = arith.constant 0.000000e+00 : f32
    %max3A_139 = vector.broadcast %max3A_138 : f32 to vector<512x2560xf32>
    %max3A_140 = arith.maximumf %sub3A_137, %max3A_139 : vector<512x2560xf32>
    %mul3A_141 = arith.mulf %max3A_136, %max3A_140 : vector<512x2560xf32>
    %add3A_142 = vector.broadcast %slice3A_15 : vector<512x1xf32> to vector<512x2560xf32>
    %add3A_143 = vector.broadcast %get3A_120 : vector<1x2560xf32> to vector<512x2560xf32>
    %add3A_144 = arith.addf %add3A_142, %add3A_143 : vector<512x2560xf32>
    %sub3A_145 = arith.subf %add3A_144, %mul3A_141 : vector<512x2560xf32>
    %div3A_146 = arith.divf %mul3A_141, %sub3A_145 : vector<512x2560xf32>
    %gt3A_147 = arith.constant 0.699999988 : f32
    %gt3A_148 = vector.broadcast %gt3A_147 : f32 to vector<512x2560xf32>
    %gt3A_149 = arith.cmpf ogt, %div3A_146, %gt3A_148 : vector<512x2560xf32>
    %convert_element_type3A_150 = arith.extui %gt3A_149 : vector<512x2560xi1> to vector<512x2560xi32>
    %convert_element_type3A_151 = arith.sitofp %convert_element_type3A_150 : vector<512x2560xi32> to vector<512x2560xf32>
    %dot_general3A_152 = arith.constant dense<0.000000e+00> : vector<1x2560xf32>
    %dot_general3A_153 = tpu.matmul %mul3A_81, %convert_element_type3A_151, %dot_general3A_152 {dimension_numbers = #tpu.dot_dimension_numbers<[1], [0], [0], [1], [0, 0, 1, 1], [], []>, transpose_lhs_hint = false} : vector<1x512xf32>, vector<512x2560xf32>, vector<1x2560xf32> -> vector<1x2560xf32>
    %gt3A_154 = arith.constant 0.000000e+00 : f32
    %gt3A_155 = vector.broadcast %gt3A_154 : f32 to vector<1x2560xf32>
    %gt3A_156 = arith.cmpf ogt, %dot_general3A_153, %gt3A_155 : vector<1x2560xf32>
    %get3A_157 = arith.constant 0 : index
    %get3A_158 = arith.constant 2560 : index
    %get3A_159 = vector.load %arg2[%get3A_157, %get3A_158] : memref<1x5120xf32, #tpu.memory_space<vmem>>, vector<1x2560xf32>
    %convert_element_type3A_160 = arith.extui %gt3A_156 : vector<1x2560xi1> to vector<1x2560xi32>
    %convert_element_type3A_161 = arith.sitofp %convert_element_type3A_160 : vector<1x2560xi32> to vector<1x2560xf32>
    %sub3A_162 = arith.constant 1.000000e+00 : f32
    %sub3A_163 = vector.broadcast %sub3A_162 : f32 to vector<1x2560xf32>
    %sub3A_164 = arith.subf %sub3A_163, %convert_element_type3A_161 : vector<1x2560xf32>
    %mul3A_165 = arith.mulf %get3A_159, %sub3A_164 : vector<1x2560xf32>
    %swap3A_166 = arith.constant 0 : index
    %swap3A_167 = arith.constant 2560 : index
    %swap3A_168 = vector.load %arg2[%swap3A_166, %swap3A_167] : memref<1x5120xf32, #tpu.memory_space<vmem>>, vector<1x2560xf32>
    tpu.vector_store %arg2[%swap3A_166, %swap3A_167], %mul3A_165 {strides = array<i32>} : memref<1x5120xf32, #tpu.memory_space<vmem>>, vector<1x2560xf32>,
    %get3A_169 = arith.constant 1 : index
    %get3A_170 = arith.constant 0 : index
    %get3A_171 = arith.constant 0 : index
    %get3A_172 = vector.load %arg1[%get3A_169, %get3A_170, %get3A_171] : memref<10x512x16xf32, #tpu.memory_space<vmem>>, vector<1x512x16xf32>
    %get3A_173 = vector.shape_cast %get3A_172 : vector<1x512x16xf32> to vector<512x16xf32>
    %slice3A_174 = vector.extract_strided_slice %get3A_173 {offsets = [0, 0], sizes = [512, 1], strides = [1, 1]} : vector<512x16xf32> to vector<512x1xf32>
    %slice3A_175 = vector.extract_strided_slice %get3A_173 {offsets = [0, 1], sizes = [512, 1], strides = [1, 1]} : vector<512x16xf32> to vector<512x1xf32>
    %slice3A_176 = vector.extract_strided_slice %get3A_173 {offsets = [0, 2], sizes = [512, 1], strides = [1, 1]} : vector<512x16xf32> to vector<512x1xf32>
    %slice3A_177 = vector.extract_strided_slice %get3A_173 {offsets = [0, 3], sizes = [512, 1], strides = [1, 1]} : vector<512x16xf32> to vector<512x1xf32>
    %slice3A_178 = vector.extract_strided_slice %get3A_173 {offsets = [0, 5], sizes = [512, 1], strides = [1, 1]} : vector<512x16xf32> to vector<512x1xf32>
    %get3A_179 = arith.constant 0 : index
    %get3A_180 = arith.constant 512 : index
    %get3A_181 = vector.load %arg0[%get3A_179, %get3A_180] : memref<8x5120xf32, #tpu.memory_space<vmem>>, vector<1x2560xf32>
    %get3A_182 = arith.constant 1 : index
    %get3A_183 = arith.constant 512 : index
    %get3A_184 = vector.load %arg0[%get3A_182, %get3A_183] : memref<8x5120xf32, #tpu.memory_space<vmem>>, vector<1x2560xf32>
    %get3A_185 = arith.constant 2 : index
    %get3A_186 = arith.constant 512 : index
    %get3A_187 = vector.load %arg0[%get3A_185, %get3A_186] : memref<8x5120xf32, #tpu.memory_space<vmem>>, vector<1x2560xf32>
    %get3A_188 = arith.constant 3 : index
    %get3A_189 = arith.constant 512 : index
    %get3A_190 = vector.load %arg0[%get3A_188, %get3A_189] : memref<8x5120xf32, #tpu.memory_space<vmem>>, vector<1x2560xf32>
    %get3A_191 = arith.constant 5 : index
    %get3A_192 = arith.constant 512 : index
    %get3A_193 = vector.load %arg0[%get3A_191, %get3A_192] : memref<8x5120xf32, #tpu.memory_space<vmem>>, vector<1x2560xf32>
    %max3A_194 = vector.broadcast %slice3A_174 : vector<512x1xf32> to vector<512x2560xf32>
    %max3A_195 = vector.broadcast %get3A_181 : vector<1x2560xf32> to vector<512x2560xf32>
    %max3A_196 = arith.maximumf %max3A_194, %max3A_195 : vector<512x2560xf32>
    %max3A_197 = vector.broadcast %slice3A_175 : vector<512x1xf32> to vector<512x2560xf32>
    %max3A_198 = vector.broadcast %get3A_184 : vector<1x2560xf32> to vector<512x2560xf32>
    %max3A_199 = arith.maximumf %max3A_197, %max3A_198 : vector<512x2560xf32>
    %min3A_200 = vector.broadcast %slice3A_176 : vector<512x1xf32> to vector<512x2560xf32>
    %min3A_201 = vector.broadcast %get3A_187 : vector<1x2560xf32> to vector<512x2560xf32>
    %min3A_202 = arith.minimumf %min3A_200, %min3A_201 : vector<512x2560xf32>
    %min3A_203 = vector.broadcast %slice3A_177 : vector<512x1xf32> to vector<512x2560xf32>
    %min3A_204 = vector.broadcast %get3A_190 : vector<1x2560xf32> to vector<512x2560xf32>
    %min3A_205 = arith.minimumf %min3A_203, %min3A_204 : vector<512x2560xf32>
    %sub3A_206 = arith.subf %min3A_202, %max3A_196 : vector<512x2560xf32>
    %max3A_207 = arith.constant 0.000000e+00 : f32
    %max3A_208 = vector.broadcast %max3A_207 : f32 to vector<512x2560xf32>
    %max3A_209 = arith.maximumf %sub3A_206, %max3A_208 : vector<512x2560xf32>
    %sub3A_210 = arith.subf %min3A_205, %max3A_199 : vector<512x2560xf32>
    %max3A_211 = arith.constant 0.000000e+00 : f32
    %max3A_212 = vector.broadcast %max3A_211 : f32 to vector<512x2560xf32>
    %max3A_213 = arith.maximumf %sub3A_210, %max3A_212 : vector<512x2560xf32>
    %mul3A_214 = arith.mulf %max3A_209, %max3A_213 : vector<512x2560xf32>
    %add3A_215 = vector.broadcast %slice3A_178 : vector<512x1xf32> to vector<512x2560xf32>
    %add3A_216 = vector.broadcast %get3A_193 : vector<1x2560xf32> to vector<512x2560xf32>
    %add3A_217 = arith.addf %add3A_215, %add3A_216 : vector<512x2560xf32>
    %sub3A_218 = arith.subf %add3A_217, %mul3A_214 : vector<512x2560xf32>
    %div3A_219 = arith.divf %mul3A_214, %sub3A_218 : vector<512x2560xf32>
    %gt3A_220 = arith.constant 0.699999988 : f32
    %gt3A_221 = vector.broadcast %gt3A_220 : f32 to vector<512x2560xf32>
    %gt3A_222 = arith.cmpf ogt, %div3A_219, %gt3A_221 : vector<512x2560xf32>
    %convert_element_type3A_223 = arith.extui %gt3A_222 : vector<512x2560xi1> to vector<512x2560xi32>
    %convert_element_type3A_224 = arith.sitofp %convert_element_type3A_223 : vector<512x2560xi32> to vector<512x2560xf32>
    %slice3A_225 = vector.extract_strided_slice %convert_element_type3A_224 {offsets = [0, 0], sizes = [512, 512], strides = [1, 1]} : vector<512x2560xf32> to vector<512x512xf32>
    %mul3A_226 = arith.mulf %slice3A_225, %convert_element_type3A_1 : vector<512x512xf32>
    %get3A_227 = arith.constant 0 : index
    %get3A_228 = arith.constant 512 : index
    %get3A_229 = vector.load %arg2[%get3A_227, %get3A_228] : memref<1x5120xf32, #tpu.memory_space<vmem>>, vector<1x512xf32>
    %dot_general3A_230 = arith.constant dense<0.000000e+00> : vector<1x512xf32>
    %dot_general3A_231 = tpu.matmul %get3A_229, %mul3A_226, %dot_general3A_230 {dimension_numbers = #tpu.dot_dimension_numbers<[1], [0], [0], [1], [0, 0, 1, 1], [], []>, transpose_lhs_hint = false} : vector<1x512xf32>, vector<512x512xf32>, vector<1x512xf32> -> vector<1x512xf32>
    %eq3A_232 = arith.constant 0.000000e+00 : f32
    %eq3A_233 = vector.broadcast %eq3A_232 : f32 to vector<1x512xf32>
    %eq3A_234 = arith.cmpf oeq, %dot_general3A_231, %eq3A_233 : vector<1x512xf32>
    %convert_element_type3A_235 = arith.extui %eq3A_234 : vector<1x512xi1> to vector<1x512xi32>
    %convert_element_type3A_236 = arith.sitofp %convert_element_type3A_235 : vector<1x512xi32> to vector<1x512xf32>
    %mul3A_237 = arith.mulf %get3A_229, %convert_element_type3A_236 : vector<1x512xf32>
    %dot_general3A_238 = arith.constant dense<0.000000e+00> : vector<1x512xf32>
    %dot_general3A_239 = tpu.matmul %mul3A_237, %mul3A_226, %dot_general3A_238 {dimension_numbers = #tpu.dot_dimension_numbers<[1], [0], [0], [1], [0, 0, 1, 1], [], []>, transpose_lhs_hint = false} : vector<1x512xf32>, vector<512x512xf32>, vector<1x512xf32> -> vector<1x512xf32>
    %eq3A_240 = arith.constant 0.000000e+00 : f32
    %eq3A_241 = vector.broadcast %eq3A_240 : f32 to vector<1x512xf32>
    %eq3A_242 = arith.cmpf oeq, %dot_general3A_239, %eq3A_241 : vector<1x512xf32>
    %convert_element_type3A_243 = arith.extui %eq3A_242 : vector<1x512xi1> to vector<1x512xi32>
    %convert_element_type3A_244 = arith.sitofp %convert_element_type3A_243 : vector<1x512xi32> to vector<1x512xf32>
    %mul3A_245 = arith.mulf %get3A_229, %convert_element_type3A_244 : vector<1x512xf32>
    %dot_general3A_246 = arith.constant dense<0.000000e+00> : vector<1x512xf32>
    %dot_general3A_247 = tpu.matmul %mul3A_245, %mul3A_226, %dot_general3A_246 {dimension_numbers = #tpu.dot_dimension_numbers<[1], [0], [0], [1], [0, 0, 1, 1], [], []>, transpose_lhs_hint = false} : vector<1x512xf32>, vector<512x512xf32>, vector<1x512xf32> -> vector<1x512xf32>
    %eq3A_248 = arith.constant 0.000000e+00 : f32
    %eq3A_249 = vector.broadcast %eq3A_248 : f32 to vector<1x512xf32>
    %eq3A_250 = arith.cmpf oeq, %dot_general3A_247, %eq3A_249 : vector<1x512xf32>
    %convert_element_type3A_251 = arith.extui %eq3A_250 : vector<1x512xi1> to vector<1x512xi32>
    %convert_element_type3A_252 = arith.sitofp %convert_element_type3A_251 : vector<1x512xi32> to vector<1x512xf32>
    %mul3A_253 = arith.mulf %get3A_229, %convert_element_type3A_252 : vector<1x512xf32>
    %sub3A_254 = arith.subf %mul3A_253, %mul3A_245 : vector<1x512xf32>
    %abs3A_255 = math.absf %sub3A_254 : vector<1x512xf32>
    %add3A_256 = arith.addf %add3A_83, %abs3A_255 : vector<1x512xf32>
    %swap3A_257 = arith.constant 0 : index
    %swap3A_258 = arith.constant 512 : index
    %swap3A_259 = vector.load %arg2[%swap3A_257, %swap3A_258] : memref<1x5120xf32, #tpu.memory_space<vmem>>, vector<1x512xf32>
    tpu.vector_store %arg2[%swap3A_257, %swap3A_258], %mul3A_253 {strides = array<i32>} : memref<1x5120xf32, #tpu.memory_space<vmem>>, vector<1x512xf32>,
    %dot_general3A_260 = arith.constant dense<0.000000e+00> : vector<1x2560xf32>
    %dot_general3A_261 = tpu.matmul %mul3A_253, %convert_element_type3A_224, %dot_general3A_260 {dimension_numbers = #tpu.dot_dimension_numbers<[1], [0], [0], [1], [0, 0, 1, 1], [], []>, transpose_lhs_hint = false} : vector<1x512xf32>, vector<512x2560xf32>, vector<1x2560xf32> -> vector<1x2560xf32>
    %gt3A_262 = arith.constant 0.000000e+00 : f32
    %gt3A_263 = vector.broadcast %gt3A_262 : f32 to vector<1x2560xf32>
    %gt3A_264 = arith.cmpf ogt, %dot_general3A_261, %gt3A_263 : vector<1x2560xf32>
    %ge3A_265 = arith.constant 512 : i32
    %ge3A_266 = vector.broadcast %ge3A_265 : i32 to vector<1x2560xi32>
    %ge3A_267 = arith.cmpi sge, %iota3A_2, %ge3A_266 : vector<1x2560xi32>
    %and3A_268 = arith.andi %gt3A_264, %ge3A_267 : vector<1x2560xi1>
    %get3A_269 = arith.constant 0 : index
    %get3A_270 = arith.constant 512 : index
    %get3A_271 = vector.load %arg2[%get3A_269, %get3A_270] : memref<1x5120xf32, #tpu.memory_space<vmem>>, vector<1x2560xf32>
    %convert_element_type3A_272 = arith.extui %and3A_268 : vector<1x2560xi1> to vector<1x2560xi32>
    %convert_element_type3A_273 = arith.sitofp %convert_element_type3A_272 : vector<1x2560xi32> to vector<1x2560xf32>
    %sub3A_274 = arith.constant 1.000000e+00 : f32
    %sub3A_275 = vector.broadcast %sub3A_274 : f32 to vector<1x2560xf32>
    %sub3A_276 = arith.subf %sub3A_275, %convert_element_type3A_273 : vector<1x2560xf32>
    %mul3A_277 = arith.mulf %get3A_271, %sub3A_276 : vector<1x2560xf32>
    %swap3A_278 = arith.constant 0 : index
    %swap3A_279 = arith.constant 512 : index
    %swap3A_280 = vector.load %arg2[%swap3A_278, %swap3A_279] : memref<1x5120xf32, #tpu.memory_space<vmem>>, vector<1x2560xf32>
    tpu.vector_store %arg2[%swap3A_278, %swap3A_279], %mul3A_277 {strides = array<i32>} : memref<1x5120xf32, #tpu.memory_space<vmem>>, vector<1x2560xf32>,
    %get3A_281 = arith.constant 0 : index
    %get3A_282 = arith.constant 3072 : index
    %get3A_283 = vector.load %arg0[%get3A_281, %get3A_282] : memref<8x5120xf32, #tpu.memory_space<vmem>>, vector<1x2048xf32>
    %get3A_284 = arith.constant 1 : index
    %get3A_285 = arith.constant 3072 : index
    %get3A_286 = vector.load %arg0[%get3A_284, %get3A_285] : memref<8x5120xf32, #tpu.memory_space<vmem>>, vector<1x2048xf32>
    %get3A_287 = arith.constant 2 : index
    %get3A_288 = arith.constant 3072 : index
    %get3A_289 = vector.load %arg0[%get3A_287, %get3A_288] : memref<8x5120xf32, #tpu.memory_space<vmem>>, vector<1x2048xf32>
    %get3A_290 = arith.constant 3 : index
    %get3A_291 = arith.constant 3072 : index
    %get3A_292 = vector.load %arg0[%get3A_290, %get3A_291] : memref<8x5120xf32, #tpu.memory_space<vmem>>, vector<1x2048xf32>
    %get3A_293 = arith.constant 5 : index
    %get3A_294 = arith.constant 3072 : index
    %get3A_295 = vector.load %arg0[%get3A_293, %get3A_294] : memref<8x5120xf32, #tpu.memory_space<vmem>>, vector<1x2048xf32>
    %max3A_296 = vector.broadcast %slice3A_174 : vector<512x1xf32> to vector<512x2048xf32>
    %max3A_297 = vector.broadcast %get3A_283 : vector<1x2048xf32> to vector<512x2048xf32>
    %max3A_298 = arith.maximumf %max3A_296, %max3A_297 : vector<512x2048xf32>
    %max3A_299 = vector.broadcast %slice3A_175 : vector<512x1xf32> to vector<512x2048xf32>
    %max3A_300 = vector.broadcast %get3A_286 : vector<1x2048xf32> to vector<512x2048xf32>
    %max3A_301 = arith.maximumf %max3A_299, %max3A_300 : vector<512x2048xf32>
    %min3A_302 = vector.broadcast %slice3A_176 : vector<512x1xf32> to vector<512x2048xf32>
    %min3A_303 = vector.broadcast %get3A_289 : vector<1x2048xf32> to vector<512x2048xf32>
    %min3A_304 = arith.minimumf %min3A_302, %min3A_303 : vector<512x2048xf32>
    %min3A_305 = vector.broadcast %slice3A_177 : vector<512x1xf32> to vector<512x2048xf32>
    %min3A_306 = vector.broadcast %get3A_292 : vector<1x2048xf32> to vector<512x2048xf32>
    %min3A_307 = arith.minimumf %min3A_305, %min3A_306 : vector<512x2048xf32>
    %sub3A_308 = arith.subf %min3A_304, %max3A_298 : vector<512x2048xf32>
    %max3A_309 = arith.constant 0.000000e+00 : f32
    %max3A_310 = vector.broadcast %max3A_309 : f32 to vector<512x2048xf32>
    %max3A_311 = arith.maximumf %sub3A_308, %max3A_310 : vector<512x2048xf32>
    %sub3A_312 = arith.subf %min3A_307, %max3A_301 : vector<512x2048xf32>
    %max3A_313 = arith.constant 0.000000e+00 : f32
    %max3A_314 = vector.broadcast %max3A_313 : f32 to vector<512x2048xf32>
    %max3A_315 = arith.maximumf %sub3A_312, %max3A_314 : vector<512x2048xf32>
    %mul3A_316 = arith.mulf %max3A_311, %max3A_315 : vector<512x2048xf32>
    %add3A_317 = vector.broadcast %slice3A_178 : vector<512x1xf32> to vector<512x2048xf32>
    %add3A_318 = vector.broadcast %get3A_295 : vector<1x2048xf32> to vector<512x2048xf32>
    %add3A_319 = arith.addf %add3A_317, %add3A_318 : vector<512x2048xf32>
    %sub3A_320 = arith.subf %add3A_319, %mul3A_316 : vector<512x2048xf32>
    %div3A_321 = arith.divf %mul3A_316, %sub3A_320 : vector<512x2048xf32>
    %gt3A_322 = arith.constant 0.699999988 : f32
    %gt3A_323 = vector.broadcast %gt3A_322 : f32 to vector<512x2048xf32>
    %gt3A_324 = arith.cmpf ogt, %div3A_321, %gt3A_323 : vector<512x2048xf32>
    %convert_element_type3A_325 = arith.extui %gt3A_324 : vector<512x2048xi1> to vector<512x2048xi32>
    %convert_element_type3A_326 = arith.sitofp %convert_element_type3A_325 : vector<512x2048xi32> to vector<512x2048xf32>
    %dot_general3A_327 = arith.constant dense<0.000000e+00> : vector<1x2048xf32>
    %dot_general3A_328 = tpu.matmul %mul3A_253, %convert_element_type3A_326, %dot_general3A_327 {dimension_numbers = #tpu.dot_dimension_numbers<[1], [0], [0], [1], [0, 0, 1, 1], [], []>, transpose_lhs_hint = false} : vector<1x512xf32>, vector<512x2048xf32>, vector<1x2048xf32> -> vector<1x2048xf32>
    %gt3A_329 = arith.constant 0.000000e+00 : f32
    %gt3A_330 = vector.broadcast %gt3A_329 : f32 to vector<1x2048xf32>
    %gt3A_331 = arith.cmpf ogt, %dot_general3A_328, %gt3A_330 : vector<1x2048xf32>
    %get3A_332 = arith.constant 0 : index
    %get3A_333 = arith.constant 3072 : index
    %get3A_334 = vector.load %arg2[%get3A_332, %get3A_333] : memref<1x5120xf32, #tpu.memory_space<vmem>>, vector<1x2048xf32>
    %convert_element_type3A_335 = arith.extui %gt3A_331 : vector<1x2048xi1> to vector<1x2048xi32>
    %convert_element_type3A_336 = arith.sitofp %convert_element_type3A_335 : vector<1x2048xi32> to vector<1x2048xf32>
    %sub3A_337 = arith.constant 1.000000e+00 : f32
    %sub3A_338 = vector.broadcast %sub3A_337 : f32 to vector<1x2048xf32>
    %sub3A_339 = arith.subf %sub3A_338, %convert_element_type3A_336 : vector<1x2048xf32>
    %mul3A_340 = arith.mulf %get3A_334, %sub3A_339 : vector<1x2048xf32>
    %swap3A_341 = arith.constant 0 : index
    %swap3A_342 = arith.constant 3072 : index
    %swap3A_343 = vector.load %arg2[%swap3A_341, %swap3A_342] : memref<1x5120xf32, #tpu.memory_space<vmem>>, vector<1x2048xf32>
    tpu.vector_store %arg2[%swap3A_341, %swap3A_342], %mul3A_340 {strides = array<i32>} : memref<1x5120xf32, #tpu.memory_space<vmem>>, vector<1x2048xf32>,
    %get3A_344 = arith.constant 2 : index
    %get3A_345 = arith.constant 0 : index
    %get3A_346 = arith.constant 0 : index
    %get3A_347 = vector.load %arg1[%get3A_344, %get3A_345, %get3A_346] : memref<10x512x16xf32, #tpu.memory_space<vmem>>, vector<1x512x16xf32>
    %get3A_348 = vector.shape_cast %get3A_347 : vector<1x512x16xf32> to vector<512x16xf32>
    %slice3A_349 = vector.extract_strided_slice %get3A_348 {offsets = [0, 0], sizes = [512, 1], strides = [1, 1]} : vector<512x16xf32> to vector<512x1xf32>
    %slice3A_350 = vector.extract_strided_slice %get3A_348 {offsets = [0, 1], sizes = [512, 1], strides = [1, 1]} : vector<512x16xf32> to vector<512x1xf32>
    %slice3A_351 = vector.extract_strided_slice %get3A_348 {offsets = [0, 2], sizes = [512, 1], strides = [1, 1]} : vector<512x16xf32> to vector<512x1xf32>
    %slice3A_352 = vector.extract_strided_slice %get3A_348 {offsets = [0, 3], sizes = [512, 1], strides = [1, 1]} : vector<512x16xf32> to vector<512x1xf32>
    %slice3A_353 = vector.extract_strided_slice %get3A_348 {offsets = [0, 5], sizes = [512, 1], strides = [1, 1]} : vector<512x16xf32> to vector<512x1xf32>
    %get3A_354 = arith.constant 0 : index
    %get3A_355 = arith.constant 1024 : index
    %get3A_356 = vector.load %arg0[%get3A_354, %get3A_355] : memref<8x5120xf32, #tpu.memory_space<vmem>>, vector<1x2560xf32>
    %get3A_357 = arith.constant 1 : index
    %get3A_358 = arith.constant 1024 : index
    %get3A_359 = vector.load %arg0[%get3A_357, %get3A_358] : memref<8x5120xf32, #tpu.memory_space<vmem>>, vector<1x2560xf32>
    %get3A_360 = arith.constant 2 : index
    %get3A_361 = arith.constant 1024 : index
    %get3A_362 = vector.load %arg0[%get3A_360, %get3A_361] : memref<8x5120xf32, #tpu.memory_space<vmem>>, vector<1x2560xf32>
    %get3A_363 = arith.constant 3 : index
    %get3A_364 = arith.constant 1024 : index
    %get3A_365 = vector.load %arg0[%get3A_363, %get3A_364] : memref<8x5120xf32, #tpu.memory_space<vmem>>, vector<1x2560xf32>
    %get3A_366 = arith.constant 5 : index
    %get3A_367 = arith.constant 1024 : index
    %get3A_368 = vector.load %arg0[%get3A_366, %get3A_367] : memref<8x5120xf32, #tpu.memory_space<vmem>>, vector<1x2560xf32>
    %max3A_369 = vector.broadcast %slice3A_349 : vector<512x1xf32> to vector<512x2560xf32>
    %max3A_370 = vector.broadcast %get3A_356 : vector<1x2560xf32> to vector<512x2560xf32>
    %max3A_371 = arith.maximumf %max3A_369, %max3A_370 : vector<512x2560xf32>
    %max3A_372 = vector.broadcast %slice3A_350 : vector<512x1xf32> to vector<512x2560xf32>
    %max3A_373 = vector.broadcast %get3A_359 : vector<1x2560xf32> to vector<512x2560xf32>
    %max3A_374 = arith.maximumf %max3A_372, %max3A_373 : vector<512x2560xf32>
    %min3A_375 = vector.broadcast %slice3A_351 : vector<512x1xf32> to vector<512x2560xf32>
    %min3A_376 = vector.broadcast %get3A_362 : vector<1x2560xf32> to vector<512x2560xf32>
    %min3A_377 = arith.minimumf %min3A_375, %min3A_376 : vector<512x2560xf32>
    %min3A_378 = vector.broadcast %slice3A_352 : vector<512x1xf32> to vector<512x2560xf32>
    %min3A_379 = vector.broadcast %get3A_365 : vector<1x2560xf32> to vector<512x2560xf32>
    %min3A_380 = arith.minimumf %min3A_378, %min3A_379 : vector<512x2560xf32>
    %sub3A_381 = arith.subf %min3A_377, %max3A_371 : vector<512x2560xf32>
    %max3A_382 = arith.constant 0.000000e+00 : f32
    %max3A_383 = vector.broadcast %max3A_382 : f32 to vector<512x2560xf32>
    %max3A_384 = arith.maximumf %sub3A_381, %max3A_383 : vector<512x2560xf32>
    %sub3A_385 = arith.subf %min3A_380, %max3A_374 : vector<512x2560xf32>
    %max3A_386 = arith.constant 0.000000e+00 : f32
    %max3A_387 = vector.broadcast %max3A_386 : f32 to vector<512x2560xf32>
    %max3A_388 = arith.maximumf %sub3A_385, %max3A_387 : vector<512x2560xf32>
    %mul3A_389 = arith.mulf %max3A_384, %max3A_388 : vector<512x2560xf32>
    %add3A_390 = vector.broadcast %slice3A_353 : vector<512x1xf32> to vector<512x2560xf32>
    %add3A_391 = vector.broadcast %get3A_368 : vector<1x2560xf32> to vector<512x2560xf32>
    %add3A_392 = arith.addf %add3A_390, %add3A_391 : vector<512x2560xf32>
    %sub3A_393 = arith.subf %add3A_392, %mul3A_389 : vector<512x2560xf32>
    %div3A_394 = arith.divf %mul3A_389, %sub3A_393 : vector<512x2560xf32>
    %gt3A_395 = arith.constant 0.699999988 : f32
    %gt3A_396 = vector.broadcast %gt3A_395 : f32 to vector<512x2560xf32>
    %gt3A_397 = arith.cmpf ogt, %div3A_394, %gt3A_396 : vector<512x2560xf32>
    %convert_element_type3A_398 = arith.extui %gt3A_397 : vector<512x2560xi1> to vector<512x2560xi32>
    %convert_element_type3A_399 = arith.sitofp %convert_element_type3A_398 : vector<512x2560xi32> to vector<512x2560xf32>
    %slice3A_400 = vector.extract_strided_slice %convert_element_type3A_399 {offsets = [0, 0], sizes = [512, 512], strides = [1, 1]} : vector<512x2560xf32> to vector<512x512xf32>
    %mul3A_401 = arith.mulf %slice3A_400, %convert_element_type3A_1 : vector<512x512xf32>
    %get3A_402 = arith.constant 0 : index
    %get3A_403 = arith.constant 1024 : index
    %get3A_404 = vector.load %arg2[%get3A_402, %get3A_403] : memref<1x5120xf32, #tpu.memory_space<vmem>>, vector<1x512xf32>
    %dot_general3A_405 = arith.constant dense<0.000000e+00> : vector<1x512xf32>
    %dot_general3A_406 = tpu.matmul %get3A_404, %mul3A_401, %dot_general3A_405 {dimension_numbers = #tpu.dot_dimension_numbers<[1], [0], [0], [1], [0, 0, 1, 1], [], []>, transpose_lhs_hint = false} : vector<1x512xf32>, vector<512x512xf32>, vector<1x512xf32> -> vector<1x512xf32>
    %eq3A_407 = arith.constant 0.000000e+00 : f32
    %eq3A_408 = vector.broadcast %eq3A_407 : f32 to vector<1x512xf32>
    %eq3A_409 = arith.cmpf oeq, %dot_general3A_406, %eq3A_408 : vector<1x512xf32>
    %convert_element_type3A_410 = arith.extui %eq3A_409 : vector<1x512xi1> to vector<1x512xi32>
    %convert_element_type3A_411 = arith.sitofp %convert_element_type3A_410 : vector<1x512xi32> to vector<1x512xf32>
    %mul3A_412 = arith.mulf %get3A_404, %convert_element_type3A_411 : vector<1x512xf32>
    %dot_general3A_413 = arith.constant dense<0.000000e+00> : vector<1x512xf32>
    %dot_general3A_414 = tpu.matmul %mul3A_412, %mul3A_401, %dot_general3A_413 {dimension_numbers = #tpu.dot_dimension_numbers<[1], [0], [0], [1], [0, 0, 1, 1], [], []>, transpose_lhs_hint = false} : vector<1x512xf32>, vector<512x512xf32>, vector<1x512xf32> -> vector<1x512xf32>
    %eq3A_415 = arith.constant 0.000000e+00 : f32
    %eq3A_416 = vector.broadcast %eq3A_415 : f32 to vector<1x512xf32>
    %eq3A_417 = arith.cmpf oeq, %dot_general3A_414, %eq3A_416 : vector<1x512xf32>
    %convert_element_type3A_418 = arith.extui %eq3A_417 : vector<1x512xi1> to vector<1x512xi32>
    %convert_element_type3A_419 = arith.sitofp %convert_element_type3A_418 : vector<1x512xi32> to vector<1x512xf32>
    %mul3A_420 = arith.mulf %get3A_404, %convert_element_type3A_419 : vector<1x512xf32>
    %dot_general3A_421 = arith.constant dense<0.000000e+00> : vector<1x512xf32>
    %dot_general3A_422 = tpu.matmul %mul3A_420, %mul3A_401, %dot_general3A_421 {dimension_numbers = #tpu.dot_dimension_numbers<[1], [0], [0], [1], [0, 0, 1, 1], [], []>, transpose_lhs_hint = false} : vector<1x512xf32>, vector<512x512xf32>, vector<1x512xf32> -> vector<1x512xf32>
    %eq3A_423 = arith.constant 0.000000e+00 : f32
    %eq3A_424 = vector.broadcast %eq3A_423 : f32 to vector<1x512xf32>
    %eq3A_425 = arith.cmpf oeq, %dot_general3A_422, %eq3A_424 : vector<1x512xf32>
    %convert_element_type3A_426 = arith.extui %eq3A_425 : vector<1x512xi1> to vector<1x512xi32>
    %convert_element_type3A_427 = arith.sitofp %convert_element_type3A_426 : vector<1x512xi32> to vector<1x512xf32>
    %mul3A_428 = arith.mulf %get3A_404, %convert_element_type3A_427 : vector<1x512xf32>
    %sub3A_429 = arith.subf %mul3A_428, %mul3A_420 : vector<1x512xf32>
    %abs3A_430 = math.absf %sub3A_429 : vector<1x512xf32>
    %add3A_431 = arith.addf %add3A_256, %abs3A_430 : vector<1x512xf32>
    %swap3A_432 = arith.constant 0 : index
    %swap3A_433 = arith.constant 1024 : index
    %swap3A_434 = vector.load %arg2[%swap3A_432, %swap3A_433] : memref<1x5120xf32, #tpu.memory_space<vmem>>, vector<1x512xf32>
    tpu.vector_store %arg2[%swap3A_432, %swap3A_433], %mul3A_428 {strides = array<i32>} : memref<1x5120xf32, #tpu.memory_space<vmem>>, vector<1x512xf32>,
    %dot_general3A_435 = arith.constant dense<0.000000e+00> : vector<1x2560xf32>
    %dot_general3A_436 = tpu.matmul %mul3A_428, %convert_element_type3A_399, %dot_general3A_435 {dimension_numbers = #tpu.dot_dimension_numbers<[1], [0], [0], [1], [0, 0, 1, 1], [], []>, transpose_lhs_hint = false} : vector<1x512xf32>, vector<512x2560xf32>, vector<1x2560xf32> -> vector<1x2560xf32>
    %gt3A_437 = arith.constant 0.000000e+00 : f32
    %gt3A_438 = vector.broadcast %gt3A_437 : f32 to vector<1x2560xf32>
    %gt3A_439 = arith.cmpf ogt, %dot_general3A_436, %gt3A_438 : vector<1x2560xf32>
    %ge3A_440 = arith.constant 512 : i32
    %ge3A_441 = vector.broadcast %ge3A_440 : i32 to vector<1x2560xi32>
    %ge3A_442 = arith.cmpi sge, %iota3A_2, %ge3A_441 : vector<1x2560xi32>
    %and3A_443 = arith.andi %gt3A_439, %ge3A_442 : vector<1x2560xi1>
    %get3A_444 = arith.constant 0 : index
    %get3A_445 = arith.constant 1024 : index
    %get3A_446 = vector.load %arg2[%get3A_444, %get3A_445] : memref<1x5120xf32, #tpu.memory_space<vmem>>, vector<1x2560xf32>
    %convert_element_type3A_447 = arith.extui %and3A_443 : vector<1x2560xi1> to vector<1x2560xi32>
    %convert_element_type3A_448 = arith.sitofp %convert_element_type3A_447 : vector<1x2560xi32> to vector<1x2560xf32>
    %sub3A_449 = arith.constant 1.000000e+00 : f32
    %sub3A_450 = vector.broadcast %sub3A_449 : f32 to vector<1x2560xf32>
    %sub3A_451 = arith.subf %sub3A_450, %convert_element_type3A_448 : vector<1x2560xf32>
    %mul3A_452 = arith.mulf %get3A_446, %sub3A_451 : vector<1x2560xf32>
    %swap3A_453 = arith.constant 0 : index
    %swap3A_454 = arith.constant 1024 : index
    %swap3A_455 = vector.load %arg2[%swap3A_453, %swap3A_454] : memref<1x5120xf32, #tpu.memory_space<vmem>>, vector<1x2560xf32>
    tpu.vector_store %arg2[%swap3A_453, %swap3A_454], %mul3A_452 {strides = array<i32>} : memref<1x5120xf32, #tpu.memory_space<vmem>>, vector<1x2560xf32>,
    %get3A_456 = arith.constant 0 : index
    %get3A_457 = arith.constant 3584 : index
    %get3A_458 = vector.load %arg0[%get3A_456, %get3A_457] : memref<8x5120xf32, #tpu.memory_space<vmem>>, vector<1x1536xf32>
    %get3A_459 = arith.constant 1 : index
    %get3A_460 = arith.constant 3584 : index
    %get3A_461 = vector.load %arg0[%get3A_459, %get3A_460] : memref<8x5120xf32, #tpu.memory_space<vmem>>, vector<1x1536xf32>
    %get3A_462 = arith.constant 2 : index
    %get3A_463 = arith.constant 3584 : index
    %get3A_464 = vector.load %arg0[%get3A_462, %get3A_463] : memref<8x5120xf32, #tpu.memory_space<vmem>>, vector<1x1536xf32>
    %get3A_465 = arith.constant 3 : index
    %get3A_466 = arith.constant 3584 : index
    %get3A_467 = vector.load %arg0[%get3A_465, %get3A_466] : memref<8x5120xf32, #tpu.memory_space<vmem>>, vector<1x1536xf32>
    %get3A_468 = arith.constant 5 : index
    %get3A_469 = arith.constant 3584 : index
    %get3A_470 = vector.load %arg0[%get3A_468, %get3A_469] : memref<8x5120xf32, #tpu.memory_space<vmem>>, vector<1x1536xf32>
    %max3A_471 = vector.broadcast %slice3A_349 : vector<512x1xf32> to vector<512x1536xf32>
    %max3A_472 = vector.broadcast %get3A_458 : vector<1x1536xf32> to vector<512x1536xf32>
    %max3A_473 = arith.maximumf %max3A_471, %max3A_472 : vector<512x1536xf32>
    %max3A_474 = vector.broadcast %slice3A_350 : vector<512x1xf32> to vector<512x1536xf32>
    %max3A_475 = vector.broadcast %get3A_461 : vector<1x1536xf32> to vector<512x1536xf32>
    %max3A_476 = arith.maximumf %max3A_474, %max3A_475 : vector<512x1536xf32>
    %min3A_477 = vector.broadcast %slice3A_351 : vector<512x1xf32> to vector<512x1536xf32>
    %min3A_478 = vector.broadcast %get3A_464 : vector<1x1536xf32> to vector<512x1536xf32>
    %min3A_479 = arith.minimumf %min3A_477, %min3A_478 : vector<512x1536xf32>
    %min3A_480 = vector.broadcast %slice3A_352 : vector<512x1xf32> to vector<512x1536xf32>
    %min3A_481 = vector.broadcast %get3A_467 : vector<1x1536xf32> to vector<512x1536xf32>
    %min3A_482 = arith.minimumf %min3A_480, %min3A_481 : vector<512x1536xf32>
    %sub3A_483 = arith.subf %min3A_479, %max3A_473 : vector<512x1536xf32>
    %max3A_484 = arith.constant 0.000000e+00 : f32
    %max3A_485 = vector.broadcast %max3A_484 : f32 to vector<512x1536xf32>
    %max3A_486 = arith.maximumf %sub3A_483, %max3A_485 : vector<512x1536xf32>
    %sub3A_487 = arith.subf %min3A_482, %max3A_476 : vector<512x1536xf32>
    %max3A_488 = arith.constant 0.000000e+00 : f32
    %max3A_489 = vector.broadcast %max3A_488 : f32 to vector<512x1536xf32>
    %max3A_490 = arith.maximumf %sub3A_487, %max3A_489 : vector<512x1536xf32>
    %mul3A_491 = arith.mulf %max3A_486, %max3A_490 : vector<512x1536xf32>
    %add3A_492 = vector.broadcast %slice3A_353 : vector<512x1xf32> to vector<512x1536xf32>
    %add3A_493 = vector.broadcast %get3A_470 : vector<1x1536xf32> to vector<512x1536xf32>
    %add3A_494 = arith.addf %add3A_492, %add3A_493 : vector<512x1536xf32>
    %sub3A_495 = arith.subf %add3A_494, %mul3A_491 : vector<512x1536xf32>
    %div3A_496 = arith.divf %mul3A_491, %sub3A_495 : vector<512x1536xf32>
    %gt3A_497 = arith.constant 0.699999988 : f32
    %gt3A_498 = vector.broadcast %gt3A_497 : f32 to vector<512x1536xf32>
    %gt3A_499 = arith.cmpf ogt, %div3A_496, %gt3A_498 : vector<512x1536xf32>
    %convert_element_type3A_500 = arith.extui %gt3A_499 : vector<512x1536xi1> to vector<512x1536xi32>
    %convert_element_type3A_501 = arith.sitofp %convert_element_type3A_500 : vector<512x1536xi32> to vector<512x1536xf32>
    %dot_general3A_502 = arith.constant dense<0.000000e+00> : vector<1x1536xf32>
    %dot_general3A_503 = tpu.matmul %mul3A_428, %convert_element_type3A_501, %dot_general3A_502 {dimension_numbers = #tpu.dot_dimension_numbers<[1], [0], [0], [1], [0, 0, 1, 1], [], []>, transpose_lhs_hint = false} : vector<1x512xf32>, vector<512x1536xf32>, vector<1x1536xf32> -> vector<1x1536xf32>
    %gt3A_504 = arith.constant 0.000000e+00 : f32
    %gt3A_505 = vector.broadcast %gt3A_504 : f32 to vector<1x1536xf32>
    %gt3A_506 = arith.cmpf ogt, %dot_general3A_503, %gt3A_505 : vector<1x1536xf32>
    %get3A_507 = arith.constant 0 : index
    %get3A_508 = arith.constant 3584 : index
    %get3A_509 = vector.load %arg2[%get3A_507, %get3A_508] : memref<1x5120xf32, #tpu.memory_space<vmem>>, vector<1x1536xf32>
    %convert_element_type3A_510 = arith.extui %gt3A_506 : vector<1x1536xi1> to vector<1x1536xi32>
    %convert_element_type3A_511 = arith.sitofp %convert_element_type3A_510 : vector<1x1536xi32> to vector<1x1536xf32>
    %sub3A_512 = arith.constant 1.000000e+00 : f32
    %sub3A_513 = vector.broadcast %sub3A_512 : f32 to vector<1x1536xf32>
    %sub3A_514 = arith.subf %sub3A_513, %convert_element_type3A_511 : vector<1x1536xf32>
    %mul3A_515 = arith.mulf %get3A_509, %sub3A_514 : vector<1x1536xf32>
    %swap3A_516 = arith.constant 0 : index
    %swap3A_517 = arith.constant 3584 : index
    %swap3A_518 = vector.load %arg2[%swap3A_516, %swap3A_517] : memref<1x5120xf32, #tpu.memory_space<vmem>>, vector<1x1536xf32>
    tpu.vector_store %arg2[%swap3A_516, %swap3A_517], %mul3A_515 {strides = array<i32>} : memref<1x5120xf32, #tpu.memory_space<vmem>>, vector<1x1536xf32>,
    %get3A_519 = arith.constant 3 : index
    %get3A_520 = arith.constant 0 : index
    %get3A_521 = arith.constant 0 : index
    %get3A_522 = vector.load %arg1[%get3A_519, %get3A_520, %get3A_521] : memref<10x512x16xf32, #tpu.memory_space<vmem>>, vector<1x512x16xf32>
    %get3A_523 = vector.shape_cast %get3A_522 : vector<1x512x16xf32> to vector<512x16xf32>
    %slice3A_524 = vector.extract_strided_slice %get3A_523 {offsets = [0, 0], sizes = [512, 1], strides = [1, 1]} : vector<512x16xf32> to vector<512x1xf32>
    %slice3A_525 = vector.extract_strided_slice %get3A_523 {offsets = [0, 1], sizes = [512, 1], strides = [1, 1]} : vector<512x16xf32> to vector<512x1xf32>
    %slice3A_526 = vector.extract_strided_slice %get3A_523 {offsets = [0, 2], sizes = [512, 1], strides = [1, 1]} : vector<512x16xf32> to vector<512x1xf32>
    %slice3A_527 = vector.extract_strided_slice %get3A_523 {offsets = [0, 3], sizes = [512, 1], strides = [1, 1]} : vector<512x16xf32> to vector<512x1xf32>
    %slice3A_528 = vector.extract_strided_slice %get3A_523 {offsets = [0, 5], sizes = [512, 1], strides = [1, 1]} : vector<512x16xf32> to vector<512x1xf32>
    %get3A_529 = arith.constant 0 : index
    %get3A_530 = arith.constant 1536 : index
    %get3A_531 = vector.load %arg0[%get3A_529, %get3A_530] : memref<8x5120xf32, #tpu.memory_space<vmem>>, vector<1x2560xf32>
    %get3A_532 = arith.constant 1 : index
    %get3A_533 = arith.constant 1536 : index
    %get3A_534 = vector.load %arg0[%get3A_532, %get3A_533] : memref<8x5120xf32, #tpu.memory_space<vmem>>, vector<1x2560xf32>
    %get3A_535 = arith.constant 2 : index
    %get3A_536 = arith.constant 1536 : index
    %get3A_537 = vector.load %arg0[%get3A_535, %get3A_536] : memref<8x5120xf32, #tpu.memory_space<vmem>>, vector<1x2560xf32>
    %get3A_538 = arith.constant 3 : index
    %get3A_539 = arith.constant 1536 : index
    %get3A_540 = vector.load %arg0[%get3A_538, %get3A_539] : memref<8x5120xf32, #tpu.memory_space<vmem>>, vector<1x2560xf32>
    %get3A_541 = arith.constant 5 : index
    %get3A_542 = arith.constant 1536 : index
    %get3A_543 = vector.load %arg0[%get3A_541, %get3A_542] : memref<8x5120xf32, #tpu.memory_space<vmem>>, vector<1x2560xf32>
    %max3A_544 = vector.broadcast %slice3A_524 : vector<512x1xf32> to vector<512x2560xf32>
    %max3A_545 = vector.broadcast %get3A_531 : vector<1x2560xf32> to vector<512x2560xf32>
    %max3A_546 = arith.maximumf %max3A_544, %max3A_545 : vector<512x2560xf32>
    %max3A_547 = vector.broadcast %slice3A_525 : vector<512x1xf32> to vector<512x2560xf32>
    %max3A_548 = vector.broadcast %get3A_534 : vector<1x2560xf32> to vector<512x2560xf32>
    %max3A_549 = arith.maximumf %max3A_547, %max3A_548 : vector<512x2560xf32>
    %min3A_550 = vector.broadcast %slice3A_526 : vector<512x1xf32> to vector<512x2560xf32>
    %min3A_551 = vector.broadcast %get3A_537 : vector<1x2560xf32> to vector<512x2560xf32>
    %min3A_552 = arith.minimumf %min3A_550, %min3A_551 : vector<512x2560xf32>
    %min3A_553 = vector.broadcast %slice3A_527 : vector<512x1xf32> to vector<512x2560xf32>
    %min3A_554 = vector.broadcast %get3A_540 : vector<1x2560xf32> to vector<512x2560xf32>
    %min3A_555 = arith.minimumf %min3A_553, %min3A_554 : vector<512x2560xf32>
    %sub3A_556 = arith.subf %min3A_552, %max3A_546 : vector<512x2560xf32>
    %max3A_557 = arith.constant 0.000000e+00 : f32
    %max3A_558 = vector.broadcast %max3A_557 : f32 to vector<512x2560xf32>
    %max3A_559 = arith.maximumf %sub3A_556, %max3A_558 : vector<512x2560xf32>
    %sub3A_560 = arith.subf %min3A_555, %max3A_549 : vector<512x2560xf32>
    %max3A_561 = arith.constant 0.000000e+00 : f32
    %max3A_562 = vector.broadcast %max3A_561 : f32 to vector<512x2560xf32>
    %max3A_563 = arith.maximumf %sub3A_560, %max3A_562 : vector<512x2560xf32>
    %mul3A_564 = arith.mulf %max3A_559, %max3A_563 : vector<512x2560xf32>
    %add3A_565 = vector.broadcast %slice3A_528 : vector<512x1xf32> to vector<512x2560xf32>
    %add3A_566 = vector.broadcast %get3A_543 : vector<1x2560xf32> to vector<512x2560xf32>
    %add3A_567 = arith.addf %add3A_565, %add3A_566 : vector<512x2560xf32>
    %sub3A_568 = arith.subf %add3A_567, %mul3A_564 : vector<512x2560xf32>
    %div3A_569 = arith.divf %mul3A_564, %sub3A_568 : vector<512x2560xf32>
    %gt3A_570 = arith.constant 0.699999988 : f32
    %gt3A_571 = vector.broadcast %gt3A_570 : f32 to vector<512x2560xf32>
    %gt3A_572 = arith.cmpf ogt, %div3A_569, %gt3A_571 : vector<512x2560xf32>
    %convert_element_type3A_573 = arith.extui %gt3A_572 : vector<512x2560xi1> to vector<512x2560xi32>
    %convert_element_type3A_574 = arith.sitofp %convert_element_type3A_573 : vector<512x2560xi32> to vector<512x2560xf32>
    %slice3A_575 = vector.extract_strided_slice %convert_element_type3A_574 {offsets = [0, 0], sizes = [512, 512], strides = [1, 1]} : vector<512x2560xf32> to vector<512x512xf32>
    %mul3A_576 = arith.mulf %slice3A_575, %convert_element_type3A_1 : vector<512x512xf32>
    %get3A_577 = arith.constant 0 : index
    %get3A_578 = arith.constant 1536 : index
    %get3A_579 = vector.load %arg2[%get3A_577, %get3A_578] : memref<1x5120xf32, #tpu.memory_space<vmem>>, vector<1x512xf32>
    %dot_general3A_580 = arith.constant dense<0.000000e+00> : vector<1x512xf32>
    %dot_general3A_581 = tpu.matmul %get3A_579, %mul3A_576, %dot_general3A_580 {dimension_numbers = #tpu.dot_dimension_numbers<[1], [0], [0], [1], [0, 0, 1, 1], [], []>, transpose_lhs_hint = false} : vector<1x512xf32>, vector<512x512xf32>, vector<1x512xf32> -> vector<1x512xf32>
    %eq3A_582 = arith.constant 0.000000e+00 : f32
    %eq3A_583 = vector.broadcast %eq3A_582 : f32 to vector<1x512xf32>
    %eq3A_584 = arith.cmpf oeq, %dot_general3A_581, %eq3A_583 : vector<1x512xf32>
    %convert_element_type3A_585 = arith.extui %eq3A_584 : vector<1x512xi1> to vector<1x512xi32>
    %convert_element_type3A_586 = arith.sitofp %convert_element_type3A_585 : vector<1x512xi32> to vector<1x512xf32>
    %mul3A_587 = arith.mulf %get3A_579, %convert_element_type3A_586 : vector<1x512xf32>
    %dot_general3A_588 = arith.constant dense<0.000000e+00> : vector<1x512xf32>
    %dot_general3A_589 = tpu.matmul %mul3A_587, %mul3A_576, %dot_general3A_588 {dimension_numbers = #tpu.dot_dimension_numbers<[1], [0], [0], [1], [0, 0, 1, 1], [], []>, transpose_lhs_hint = false} : vector<1x512xf32>, vector<512x512xf32>, vector<1x512xf32> -> vector<1x512xf32>
    %eq3A_590 = arith.constant 0.000000e+00 : f32
    %eq3A_591 = vector.broadcast %eq3A_590 : f32 to vector<1x512xf32>
    %eq3A_592 = arith.cmpf oeq, %dot_general3A_589, %eq3A_591 : vector<1x512xf32>
    %convert_element_type3A_593 = arith.extui %eq3A_592 : vector<1x512xi1> to vector<1x512xi32>
    %convert_element_type3A_594 = arith.sitofp %convert_element_type3A_593 : vector<1x512xi32> to vector<1x512xf32>
    %mul3A_595 = arith.mulf %get3A_579, %convert_element_type3A_594 : vector<1x512xf32>
    %dot_general3A_596 = arith.constant dense<0.000000e+00> : vector<1x512xf32>
    %dot_general3A_597 = tpu.matmul %mul3A_595, %mul3A_576, %dot_general3A_596 {dimension_numbers = #tpu.dot_dimension_numbers<[1], [0], [0], [1], [0, 0, 1, 1], [], []>, transpose_lhs_hint = false} : vector<1x512xf32>, vector<512x512xf32>, vector<1x512xf32> -> vector<1x512xf32>
    %eq3A_598 = arith.constant 0.000000e+00 : f32
    %eq3A_599 = vector.broadcast %eq3A_598 : f32 to vector<1x512xf32>
    %eq3A_600 = arith.cmpf oeq, %dot_general3A_597, %eq3A_599 : vector<1x512xf32>
    %convert_element_type3A_601 = arith.extui %eq3A_600 : vector<1x512xi1> to vector<1x512xi32>
    %convert_element_type3A_602 = arith.sitofp %convert_element_type3A_601 : vector<1x512xi32> to vector<1x512xf32>
    %mul3A_603 = arith.mulf %get3A_579, %convert_element_type3A_602 : vector<1x512xf32>
    %sub3A_604 = arith.subf %mul3A_603, %mul3A_595 : vector<1x512xf32>
    %abs3A_605 = math.absf %sub3A_604 : vector<1x512xf32>
    %add3A_606 = arith.addf %add3A_431, %abs3A_605 : vector<1x512xf32>
    %swap3A_607 = arith.constant 0 : index
    %swap3A_608 = arith.constant 1536 : index
    %swap3A_609 = vector.load %arg2[%swap3A_607, %swap3A_608] : memref<1x5120xf32, #tpu.memory_space<vmem>>, vector<1x512xf32>
    tpu.vector_store %arg2[%swap3A_607, %swap3A_608], %mul3A_603 {strides = array<i32>} : memref<1x5120xf32, #tpu.memory_space<vmem>>, vector<1x512xf32>,
    %dot_general3A_610 = arith.constant dense<0.000000e+00> : vector<1x2560xf32>
    %dot_general3A_611 = tpu.matmul %mul3A_603, %convert_element_type3A_574, %dot_general3A_610 {dimension_numbers = #tpu.dot_dimension_numbers<[1], [0], [0], [1], [0, 0, 1, 1], [], []>, transpose_lhs_hint = false} : vector<1x512xf32>, vector<512x2560xf32>, vector<1x2560xf32> -> vector<1x2560xf32>
    %gt3A_612 = arith.constant 0.000000e+00 : f32
    %gt3A_613 = vector.broadcast %gt3A_612 : f32 to vector<1x2560xf32>
    %gt3A_614 = arith.cmpf ogt, %dot_general3A_611, %gt3A_613 : vector<1x2560xf32>
    %ge3A_615 = arith.constant 512 : i32
    %ge3A_616 = vector.broadcast %ge3A_615 : i32 to vector<1x2560xi32>
    %ge3A_617 = arith.cmpi sge, %iota3A_2, %ge3A_616 : vector<1x2560xi32>
    %and3A_618 = arith.andi %gt3A_614, %ge3A_617 : vector<1x2560xi1>
    %get3A_619 = arith.constant 0 : index
    %get3A_620 = arith.constant 1536 : index
    %get3A_621 = vector.load %arg2[%get3A_619, %get3A_620] : memref<1x5120xf32, #tpu.memory_space<vmem>>, vector<1x2560xf32>
    %convert_element_type3A_622 = arith.extui %and3A_618 : vector<1x2560xi1> to vector<1x2560xi32>
    %convert_element_type3A_623 = arith.sitofp %convert_element_type3A_622 : vector<1x2560xi32> to vector<1x2560xf32>
    %sub3A_624 = arith.constant 1.000000e+00 : f32
    %sub3A_625 = vector.broadcast %sub3A_624 : f32 to vector<1x2560xf32>
    %sub3A_626 = arith.subf %sub3A_625, %convert_element_type3A_623 : vector<1x2560xf32>
    %mul3A_627 = arith.mulf %get3A_621, %sub3A_626 : vector<1x2560xf32>
    %swap3A_628 = arith.constant 0 : index
    %swap3A_629 = arith.constant 1536 : index
    %swap3A_630 = vector.load %arg2[%swap3A_628, %swap3A_629] : memref<1x5120xf32, #tpu.memory_space<vmem>>, vector<1x2560xf32>
    tpu.vector_store %arg2[%swap3A_628, %swap3A_629], %mul3A_627 {strides = array<i32>} : memref<1x5120xf32, #tpu.memory_space<vmem>>, vector<1x2560xf32>,
    %get3A_631 = arith.constant 0 : index
    %get3A_632 = arith.constant 4096 : index
    %get3A_633 = vector.load %arg0[%get3A_631, %get3A_632] : memref<8x5120xf32, #tpu.memory_space<vmem>>, vector<1x1024xf32>
    %get3A_634 = arith.constant 1 : index
    %get3A_635 = arith.constant 4096 : index
    %get3A_636 = vector.load %arg0[%get3A_634, %get3A_635] : memref<8x5120xf32, #tpu.memory_space<vmem>>, vector<1x1024xf32>
    %get3A_637 = arith.constant 2 : index
    %get3A_638 = arith.constant 4096 : index
    %get3A_639 = vector.load %arg0[%get3A_637, %get3A_638] : memref<8x5120xf32, #tpu.memory_space<vmem>>, vector<1x1024xf32>
    %get3A_640 = arith.constant 3 : index
    %get3A_641 = arith.constant 4096 : index
    %get3A_642 = vector.load %arg0[%get3A_640, %get3A_641] : memref<8x5120xf32, #tpu.memory_space<vmem>>, vector<1x1024xf32>
    %get3A_643 = arith.constant 5 : index
    %get3A_644 = arith.constant 4096 : index
    %get3A_645 = vector.load %arg0[%get3A_643, %get3A_644] : memref<8x5120xf32, #tpu.memory_space<vmem>>, vector<1x1024xf32>
    %max3A_646 = vector.broadcast %slice3A_524 : vector<512x1xf32> to vector<512x1024xf32>
    %max3A_647 = vector.broadcast %get3A_633 : vector<1x1024xf32> to vector<512x1024xf32>
    %max3A_648 = arith.maximumf %max3A_646, %max3A_647 : vector<512x1024xf32>
    %max3A_649 = vector.broadcast %slice3A_525 : vector<512x1xf32> to vector<512x1024xf32>
    %max3A_650 = vector.broadcast %get3A_636 : vector<1x1024xf32> to vector<512x1024xf32>
    %max3A_651 = arith.maximumf %max3A_649, %max3A_650 : vector<512x1024xf32>
    %min3A_652 = vector.broadcast %slice3A_526 : vector<512x1xf32> to vector<512x1024xf32>
    %min3A_653 = vector.broadcast %get3A_639 : vector<1x1024xf32> to vector<512x1024xf32>
    %min3A_654 = arith.minimumf %min3A_652, %min3A_653 : vector<512x1024xf32>
    %min3A_655 = vector.broadcast %slice3A_527 : vector<512x1xf32> to vector<512x1024xf32>
    %min3A_656 = vector.broadcast %get3A_642 : vector<1x1024xf32> to vector<512x1024xf32>
    %min3A_657 = arith.minimumf %min3A_655, %min3A_656 : vector<512x1024xf32>
    %sub3A_658 = arith.subf %min3A_654, %max3A_648 : vector<512x1024xf32>
    %max3A_659 = arith.constant 0.000000e+00 : f32
    %max3A_660 = vector.broadcast %max3A_659 : f32 to vector<512x1024xf32>
    %max3A_661 = arith.maximumf %sub3A_658, %max3A_660 : vector<512x1024xf32>
    %sub3A_662 = arith.subf %min3A_657, %max3A_651 : vector<512x1024xf32>
    %max3A_663 = arith.constant 0.000000e+00 : f32
    %max3A_664 = vector.broadcast %max3A_663 : f32 to vector<512x1024xf32>
    %max3A_665 = arith.maximumf %sub3A_662, %max3A_664 : vector<512x1024xf32>
    %mul3A_666 = arith.mulf %max3A_661, %max3A_665 : vector<512x1024xf32>
    %add3A_667 = vector.broadcast %slice3A_528 : vector<512x1xf32> to vector<512x1024xf32>
    %add3A_668 = vector.broadcast %get3A_645 : vector<1x1024xf32> to vector<512x1024xf32>
    %add3A_669 = arith.addf %add3A_667, %add3A_668 : vector<512x1024xf32>
    %sub3A_670 = arith.subf %add3A_669, %mul3A_666 : vector<512x1024xf32>
    %div3A_671 = arith.divf %mul3A_666, %sub3A_670 : vector<512x1024xf32>
    %gt3A_672 = arith.constant 0.699999988 : f32
    %gt3A_673 = vector.broadcast %gt3A_672 : f32 to vector<512x1024xf32>
    %gt3A_674 = arith.cmpf ogt, %div3A_671, %gt3A_673 : vector<512x1024xf32>
    %convert_element_type3A_675 = arith.extui %gt3A_674 : vector<512x1024xi1> to vector<512x1024xi32>
    %convert_element_type3A_676 = arith.sitofp %convert_element_type3A_675 : vector<512x1024xi32> to vector<512x1024xf32>
    %dot_general3A_677 = arith.constant dense<0.000000e+00> : vector<1x1024xf32>
    %dot_general3A_678 = tpu.matmul %mul3A_603, %convert_element_type3A_676, %dot_general3A_677 {dimension_numbers = #tpu.dot_dimension_numbers<[1], [0], [0], [1], [0, 0, 1, 1], [], []>, transpose_lhs_hint = false} : vector<1x512xf32>, vector<512x1024xf32>, vector<1x1024xf32> -> vector<1x1024xf32>
    %gt3A_679 = arith.constant 0.000000e+00 : f32
    %gt3A_680 = vector.broadcast %gt3A_679 : f32 to vector<1x1024xf32>
    %gt3A_681 = arith.cmpf ogt, %dot_general3A_678, %gt3A_680 : vector<1x1024xf32>
    %get3A_682 = arith.constant 0 : index
    %get3A_683 = arith.constant 4096 : index
    %get3A_684 = vector.load %arg2[%get3A_682, %get3A_683] : memref<1x5120xf32, #tpu.memory_space<vmem>>, vector<1x1024xf32>
    %convert_element_type3A_685 = arith.extui %gt3A_681 : vector<1x1024xi1> to vector<1x1024xi32>
    %convert_element_type3A_686 = arith.sitofp %convert_element_type3A_685 : vector<1x1024xi32> to vector<1x1024xf32>
    %sub3A_687 = arith.constant 1.000000e+00 : f32
    %sub3A_688 = vector.broadcast %sub3A_687 : f32 to vector<1x1024xf32>
    %sub3A_689 = arith.subf %sub3A_688, %convert_element_type3A_686 : vector<1x1024xf32>
    %mul3A_690 = arith.mulf %get3A_684, %sub3A_689 : vector<1x1024xf32>
    %swap3A_691 = arith.constant 0 : index
    %swap3A_692 = arith.constant 4096 : index
    %swap3A_693 = vector.load %arg2[%swap3A_691, %swap3A_692] : memref<1x5120xf32, #tpu.memory_space<vmem>>, vector<1x1024xf32>
    tpu.vector_store %arg2[%swap3A_691, %swap3A_692], %mul3A_690 {strides = array<i32>} : memref<1x5120xf32, #tpu.memory_space<vmem>>, vector<1x1024xf32>,
    %get3A_694 = arith.constant 4 : index
    %get3A_695 = arith.constant 0 : index
    %get3A_696 = arith.constant 0 : index
    %get3A_697 = vector.load %arg1[%get3A_694, %get3A_695, %get3A_696] : memref<10x512x16xf32, #tpu.memory_space<vmem>>, vector<1x512x16xf32>
    %get3A_698 = vector.shape_cast %get3A_697 : vector<1x512x16xf32> to vector<512x16xf32>
    %slice3A_699 = vector.extract_strided_slice %get3A_698 {offsets = [0, 0], sizes = [512, 1], strides = [1, 1]} : vector<512x16xf32> to vector<512x1xf32>
    %slice3A_700 = vector.extract_strided_slice %get3A_698 {offsets = [0, 1], sizes = [512, 1], strides = [1, 1]} : vector<512x16xf32> to vector<512x1xf32>
    %slice3A_701 = vector.extract_strided_slice %get3A_698 {offsets = [0, 2], sizes = [512, 1], strides = [1, 1]} : vector<512x16xf32> to vector<512x1xf32>
    %slice3A_702 = vector.extract_strided_slice %get3A_698 {offsets = [0, 3], sizes = [512, 1], strides = [1, 1]} : vector<512x16xf32> to vector<512x1xf32>
    %slice3A_703 = vector.extract_strided_slice %get3A_698 {offsets = [0, 5], sizes = [512, 1], strides = [1, 1]} : vector<512x16xf32> to vector<512x1xf32>
    %get3A_704 = arith.constant 0 : index
    %get3A_705 = arith.constant 2048 : index
    %get3A_706 = vector.load %arg0[%get3A_704, %get3A_705] : memref<8x5120xf32, #tpu.memory_space<vmem>>, vector<1x2560xf32>
    %get3A_707 = arith.constant 1 : index
    %get3A_708 = arith.constant 2048 : index
    %get3A_709 = vector.load %arg0[%get3A_707, %get3A_708] : memref<8x5120xf32, #tpu.memory_space<vmem>>, vector<1x2560xf32>
    %get3A_710 = arith.constant 2 : index
    %get3A_711 = arith.constant 2048 : index
    %get3A_712 = vector.load %arg0[%get3A_710, %get3A_711] : memref<8x5120xf32, #tpu.memory_space<vmem>>, vector<1x2560xf32>
    %get3A_713 = arith.constant 3 : index
    %get3A_714 = arith.constant 2048 : index
    %get3A_715 = vector.load %arg0[%get3A_713, %get3A_714] : memref<8x5120xf32, #tpu.memory_space<vmem>>, vector<1x2560xf32>
    %get3A_716 = arith.constant 5 : index
    %get3A_717 = arith.constant 2048 : index
    %get3A_718 = vector.load %arg0[%get3A_716, %get3A_717] : memref<8x5120xf32, #tpu.memory_space<vmem>>, vector<1x2560xf32>
    %max3A_719 = vector.broadcast %slice3A_699 : vector<512x1xf32> to vector<512x2560xf32>
    %max3A_720 = vector.broadcast %get3A_706 : vector<1x2560xf32> to vector<512x2560xf32>
    %max3A_721 = arith.maximumf %max3A_719, %max3A_720 : vector<512x2560xf32>
    %max3A_722 = vector.broadcast %slice3A_700 : vector<512x1xf32> to vector<512x2560xf32>
    %max3A_723 = vector.broadcast %get3A_709 : vector<1x2560xf32> to vector<512x2560xf32>
    %max3A_724 = arith.maximumf %max3A_722, %max3A_723 : vector<512x2560xf32>
    %min3A_725 = vector.broadcast %slice3A_701 : vector<512x1xf32> to vector<512x2560xf32>
    %min3A_726 = vector.broadcast %get3A_712 : vector<1x2560xf32> to vector<512x2560xf32>
    %min3A_727 = arith.minimumf %min3A_725, %min3A_726 : vector<512x2560xf32>
    %min3A_728 = vector.broadcast %slice3A_702 : vector<512x1xf32> to vector<512x2560xf32>
    %min3A_729 = vector.broadcast %get3A_715 : vector<1x2560xf32> to vector<512x2560xf32>
    %min3A_730 = arith.minimumf %min3A_728, %min3A_729 : vector<512x2560xf32>
    %sub3A_731 = arith.subf %min3A_727, %max3A_721 : vector<512x2560xf32>
    %max3A_732 = arith.constant 0.000000e+00 : f32
    %max3A_733 = vector.broadcast %max3A_732 : f32 to vector<512x2560xf32>
    %max3A_734 = arith.maximumf %sub3A_731, %max3A_733 : vector<512x2560xf32>
    %sub3A_735 = arith.subf %min3A_730, %max3A_724 : vector<512x2560xf32>
    %max3A_736 = arith.constant 0.000000e+00 : f32
    %max3A_737 = vector.broadcast %max3A_736 : f32 to vector<512x2560xf32>
    %max3A_738 = arith.maximumf %sub3A_735, %max3A_737 : vector<512x2560xf32>
    %mul3A_739 = arith.mulf %max3A_734, %max3A_738 : vector<512x2560xf32>
    %add3A_740 = vector.broadcast %slice3A_703 : vector<512x1xf32> to vector<512x2560xf32>
    %add3A_741 = vector.broadcast %get3A_718 : vector<1x2560xf32> to vector<512x2560xf32>
    %add3A_742 = arith.addf %add3A_740, %add3A_741 : vector<512x2560xf32>
    %sub3A_743 = arith.subf %add3A_742, %mul3A_739 : vector<512x2560xf32>
    %div3A_744 = arith.divf %mul3A_739, %sub3A_743 : vector<512x2560xf32>
    %gt3A_745 = arith.constant 0.699999988 : f32
    %gt3A_746 = vector.broadcast %gt3A_745 : f32 to vector<512x2560xf32>
    %gt3A_747 = arith.cmpf ogt, %div3A_744, %gt3A_746 : vector<512x2560xf32>
    %convert_element_type3A_748 = arith.extui %gt3A_747 : vector<512x2560xi1> to vector<512x2560xi32>
    %convert_element_type3A_749 = arith.sitofp %convert_element_type3A_748 : vector<512x2560xi32> to vector<512x2560xf32>
    %slice3A_750 = vector.extract_strided_slice %convert_element_type3A_749 {offsets = [0, 0], sizes = [512, 512], strides = [1, 1]} : vector<512x2560xf32> to vector<512x512xf32>
    %mul3A_751 = arith.mulf %slice3A_750, %convert_element_type3A_1 : vector<512x512xf32>
    %get3A_752 = arith.constant 0 : index
    %get3A_753 = arith.constant 2048 : index
    %get3A_754 = vector.load %arg2[%get3A_752, %get3A_753] : memref<1x5120xf32, #tpu.memory_space<vmem>>, vector<1x512xf32>
    %dot_general3A_755 = arith.constant dense<0.000000e+00> : vector<1x512xf32>
    %dot_general3A_756 = tpu.matmul %get3A_754, %mul3A_751, %dot_general3A_755 {dimension_numbers = #tpu.dot_dimension_numbers<[1], [0], [0], [1], [0, 0, 1, 1], [], []>, transpose_lhs_hint = false} : vector<1x512xf32>, vector<512x512xf32>, vector<1x512xf32> -> vector<1x512xf32>
    %eq3A_757 = arith.constant 0.000000e+00 : f32
    %eq3A_758 = vector.broadcast %eq3A_757 : f32 to vector<1x512xf32>
    %eq3A_759 = arith.cmpf oeq, %dot_general3A_756, %eq3A_758 : vector<1x512xf32>
    %convert_element_type3A_760 = arith.extui %eq3A_759 : vector<1x512xi1> to vector<1x512xi32>
    %convert_element_type3A_761 = arith.sitofp %convert_element_type3A_760 : vector<1x512xi32> to vector<1x512xf32>
    %mul3A_762 = arith.mulf %get3A_754, %convert_element_type3A_761 : vector<1x512xf32>
    %dot_general3A_763 = arith.constant dense<0.000000e+00> : vector<1x512xf32>
    %dot_general3A_764 = tpu.matmul %mul3A_762, %mul3A_751, %dot_general3A_763 {dimension_numbers = #tpu.dot_dimension_numbers<[1], [0], [0], [1], [0, 0, 1, 1], [], []>, transpose_lhs_hint = false} : vector<1x512xf32>, vector<512x512xf32>, vector<1x512xf32> -> vector<1x512xf32>
    %eq3A_765 = arith.constant 0.000000e+00 : f32
    %eq3A_766 = vector.broadcast %eq3A_765 : f32 to vector<1x512xf32>
    %eq3A_767 = arith.cmpf oeq, %dot_general3A_764, %eq3A_766 : vector<1x512xf32>
    %convert_element_type3A_768 = arith.extui %eq3A_767 : vector<1x512xi1> to vector<1x512xi32>
    %convert_element_type3A_769 = arith.sitofp %convert_element_type3A_768 : vector<1x512xi32> to vector<1x512xf32>
    %mul3A_770 = arith.mulf %get3A_754, %convert_element_type3A_769 : vector<1x512xf32>
    %dot_general3A_771 = arith.constant dense<0.000000e+00> : vector<1x512xf32>
    %dot_general3A_772 = tpu.matmul %mul3A_770, %mul3A_751, %dot_general3A_771 {dimension_numbers = #tpu.dot_dimension_numbers<[1], [0], [0], [1], [0, 0, 1, 1], [], []>, transpose_lhs_hint = false} : vector<1x512xf32>, vector<512x512xf32>, vector<1x512xf32> -> vector<1x512xf32>
    %eq3A_773 = arith.constant 0.000000e+00 : f32
    %eq3A_774 = vector.broadcast %eq3A_773 : f32 to vector<1x512xf32>
    %eq3A_775 = arith.cmpf oeq, %dot_general3A_772, %eq3A_774 : vector<1x512xf32>
    %convert_element_type3A_776 = arith.extui %eq3A_775 : vector<1x512xi1> to vector<1x512xi32>
    %convert_element_type3A_777 = arith.sitofp %convert_element_type3A_776 : vector<1x512xi32> to vector<1x512xf32>
    %mul3A_778 = arith.mulf %get3A_754, %convert_element_type3A_777 : vector<1x512xf32>
    %sub3A_779 = arith.subf %mul3A_778, %mul3A_770 : vector<1x512xf32>
    %abs3A_780 = math.absf %sub3A_779 : vector<1x512xf32>
    %add3A_781 = arith.addf %add3A_606, %abs3A_780 : vector<1x512xf32>
    %swap3A_782 = arith.constant 0 : index
    %swap3A_783 = arith.constant 2048 : index
    %swap3A_784 = vector.load %arg2[%swap3A_782, %swap3A_783] : memref<1x5120xf32, #tpu.memory_space<vmem>>, vector<1x512xf32>
    tpu.vector_store %arg2[%swap3A_782, %swap3A_783], %mul3A_778 {strides = array<i32>} : memref<1x5120xf32, #tpu.memory_space<vmem>>, vector<1x512xf32>,
    %dot_general3A_785 = arith.constant dense<0.000000e+00> : vector<1x2560xf32>
    %dot_general3A_786 = tpu.matmul %mul3A_778, %convert_element_type3A_749, %dot_general3A_785 {dimension_numbers = #tpu.dot_dimension_numbers<[1], [0], [0], [1], [0, 0, 1, 1], [], []>, transpose_lhs_hint = false} : vector<1x512xf32>, vector<512x2560xf32>, vector<1x2560xf32> -> vector<1x2560xf32>
    %gt3A_787 = arith.constant 0.000000e+00 : f32
    %gt3A_788 = vector.broadcast %gt3A_787 : f32 to vector<1x2560xf32>
    %gt3A_789 = arith.cmpf ogt, %dot_general3A_786, %gt3A_788 : vector<1x2560xf32>
    %ge3A_790 = arith.constant 512 : i32
    %ge3A_791 = vector.broadcast %ge3A_790 : i32 to vector<1x2560xi32>
    %ge3A_792 = arith.cmpi sge, %iota3A_2, %ge3A_791 : vector<1x2560xi32>
    %and3A_793 = arith.andi %gt3A_789, %ge3A_792 : vector<1x2560xi1>
    %get3A_794 = arith.constant 0 : index
    %get3A_795 = arith.constant 2048 : index
    %get3A_796 = vector.load %arg2[%get3A_794, %get3A_795] : memref<1x5120xf32, #tpu.memory_space<vmem>>, vector<1x2560xf32>
    %convert_element_type3A_797 = arith.extui %and3A_793 : vector<1x2560xi1> to vector<1x2560xi32>
    %convert_element_type3A_798 = arith.sitofp %convert_element_type3A_797 : vector<1x2560xi32> to vector<1x2560xf32>
    %sub3A_799 = arith.constant 1.000000e+00 : f32
    %sub3A_800 = vector.broadcast %sub3A_799 : f32 to vector<1x2560xf32>
    %sub3A_801 = arith.subf %sub3A_800, %convert_element_type3A_798 : vector<1x2560xf32>
    %mul3A_802 = arith.mulf %get3A_796, %sub3A_801 : vector<1x2560xf32>
    %swap3A_803 = arith.constant 0 : index
    %swap3A_804 = arith.constant 2048 : index
    %swap3A_805 = vector.load %arg2[%swap3A_803, %swap3A_804] : memref<1x5120xf32, #tpu.memory_space<vmem>>, vector<1x2560xf32>
    tpu.vector_store %arg2[%swap3A_803, %swap3A_804], %mul3A_802 {strides = array<i32>} : memref<1x5120xf32, #tpu.memory_space<vmem>>, vector<1x2560xf32>,
    %get3A_806 = arith.constant 0 : index
    %get3A_807 = arith.constant 4608 : index
    %get3A_808 = vector.load %arg0[%get3A_806, %get3A_807] : memref<8x5120xf32, #tpu.memory_space<vmem>>, vector<1x512xf32>
    %get3A_809 = arith.constant 1 : index
    %get3A_810 = arith.constant 4608 : index
    %get3A_811 = vector.load %arg0[%get3A_809, %get3A_810] : memref<8x5120xf32, #tpu.memory_space<vmem>>, vector<1x512xf32>
    %get3A_812 = arith.constant 2 : index
    %get3A_813 = arith.constant 4608 : index
    %get3A_814 = vector.load %arg0[%get3A_812, %get3A_813] : memref<8x5120xf32, #tpu.memory_space<vmem>>, vector<1x512xf32>
    %get3A_815 = arith.constant 3 : index
    %get3A_816 = arith.constant 4608 : index
    %get3A_817 = vector.load %arg0[%get3A_815, %get3A_816] : memref<8x5120xf32, #tpu.memory_space<vmem>>, vector<1x512xf32>
    %get3A_818 = arith.constant 5 : index
    %get3A_819 = arith.constant 4608 : index
    %get3A_820 = vector.load %arg0[%get3A_818, %get3A_819] : memref<8x5120xf32, #tpu.memory_space<vmem>>, vector<1x512xf32>
    %max3A_821 = vector.broadcast %slice3A_699 : vector<512x1xf32> to vector<512x512xf32>
    %max3A_822 = vector.broadcast %get3A_808 : vector<1x512xf32> to vector<512x512xf32>
    %max3A_823 = arith.maximumf %max3A_821, %max3A_822 : vector<512x512xf32>
    %max3A_824 = vector.broadcast %slice3A_700 : vector<512x1xf32> to vector<512x512xf32>
    %max3A_825 = vector.broadcast %get3A_811 : vector<1x512xf32> to vector<512x512xf32>
    %max3A_826 = arith.maximumf %max3A_824, %max3A_825 : vector<512x512xf32>
    %min3A_827 = vector.broadcast %slice3A_701 : vector<512x1xf32> to vector<512x512xf32>
    %min3A_828 = vector.broadcast %get3A_814 : vector<1x512xf32> to vector<512x512xf32>
    %min3A_829 = arith.minimumf %min3A_827, %min3A_828 : vector<512x512xf32>
    %min3A_830 = vector.broadcast %slice3A_702 : vector<512x1xf32> to vector<512x512xf32>
    %min3A_831 = vector.broadcast %get3A_817 : vector<1x512xf32> to vector<512x512xf32>
    %min3A_832 = arith.minimumf %min3A_830, %min3A_831 : vector<512x512xf32>
    %sub3A_833 = arith.subf %min3A_829, %max3A_823 : vector<512x512xf32>
    %max3A_834 = arith.constant 0.000000e+00 : f32
    %max3A_835 = vector.broadcast %max3A_834 : f32 to vector<512x512xf32>
    %max3A_836 = arith.maximumf %sub3A_833, %max3A_835 : vector<512x512xf32>
    %sub3A_837 = arith.subf %min3A_832, %max3A_826 : vector<512x512xf32>
    %max3A_838 = arith.constant 0.000000e+00 : f32
    %max3A_839 = vector.broadcast %max3A_838 : f32 to vector<512x512xf32>
    %max3A_840 = arith.maximumf %sub3A_837, %max3A_839 : vector<512x512xf32>
    %mul3A_841 = arith.mulf %max3A_836, %max3A_840 : vector<512x512xf32>
    %add3A_842 = vector.broadcast %slice3A_703 : vector<512x1xf32> to vector<512x512xf32>
    %add3A_843 = vector.broadcast %get3A_820 : vector<1x512xf32> to vector<512x512xf32>
    %add3A_844 = arith.addf %add3A_842, %add3A_843 : vector<512x512xf32>
    %sub3A_845 = arith.subf %add3A_844, %mul3A_841 : vector<512x512xf32>
    %div3A_846 = arith.divf %mul3A_841, %sub3A_845 : vector<512x512xf32>
    %gt3A_847 = arith.constant 0.699999988 : f32
    %gt3A_848 = vector.broadcast %gt3A_847 : f32 to vector<512x512xf32>
    %gt3A_849 = arith.cmpf ogt, %div3A_846, %gt3A_848 : vector<512x512xf32>
    %convert_element_type3A_850 = arith.extui %gt3A_849 : vector<512x512xi1> to vector<512x512xi32>
    %convert_element_type3A_851 = arith.sitofp %convert_element_type3A_850 : vector<512x512xi32> to vector<512x512xf32>
    %dot_general3A_852 = arith.constant dense<0.000000e+00> : vector<1x512xf32>
    %dot_general3A_853 = tpu.matmul %mul3A_778, %convert_element_type3A_851, %dot_general3A_852 {dimension_numbers = #tpu.dot_dimension_numbers<[1], [0], [0], [1], [0, 0, 1, 1], [], []>, transpose_lhs_hint = false} : vector<1x512xf32>, vector<512x512xf32>, vector<1x512xf32> -> vector<1x512xf32>
    %gt3A_854 = arith.constant 0.000000e+00 : f32
    %gt3A_855 = vector.broadcast %gt3A_854 : f32 to vector<1x512xf32>
    %gt3A_856 = arith.cmpf ogt, %dot_general3A_853, %gt3A_855 : vector<1x512xf32>
    %get3A_857 = arith.constant 0 : index
    %get3A_858 = arith.constant 4608 : index
    %get3A_859 = vector.load %arg2[%get3A_857, %get3A_858] : memref<1x5120xf32, #tpu.memory_space<vmem>>, vector<1x512xf32>
    %convert_element_type3A_860 = arith.extui %gt3A_856 : vector<1x512xi1> to vector<1x512xi32>
    %convert_element_type3A_861 = arith.sitofp %convert_element_type3A_860 : vector<1x512xi32> to vector<1x512xf32>
    %sub3A_862 = arith.constant 1.000000e+00 : f32
    %sub3A_863 = vector.broadcast %sub3A_862 : f32 to vector<1x512xf32>
    %sub3A_864 = arith.subf %sub3A_863, %convert_element_type3A_861 : vector<1x512xf32>
    %mul3A_865 = arith.mulf %get3A_859, %sub3A_864 : vector<1x512xf32>
    %swap3A_866 = arith.constant 0 : index
    %swap3A_867 = arith.constant 4608 : index
    %swap3A_868 = vector.load %arg2[%swap3A_866, %swap3A_867] : memref<1x5120xf32, #tpu.memory_space<vmem>>, vector<1x512xf32>
    tpu.vector_store %arg2[%swap3A_866, %swap3A_867], %mul3A_865 {strides = array<i32>} : memref<1x5120xf32, #tpu.memory_space<vmem>>, vector<1x512xf32>,
    %get3A_869 = arith.constant 5 : index
    %get3A_870 = arith.constant 0 : index
    %get3A_871 = arith.constant 0 : index
    %get3A_872 = vector.load %arg1[%get3A_869, %get3A_870, %get3A_871] : memref<10x512x16xf32, #tpu.memory_space<vmem>>, vector<1x512x16xf32>
    %get3A_873 = vector.shape_cast %get3A_872 : vector<1x512x16xf32> to vector<512x16xf32>
    %slice3A_874 = vector.extract_strided_slice %get3A_873 {offsets = [0, 0], sizes = [512, 1], strides = [1, 1]} : vector<512x16xf32> to vector<512x1xf32>
    %slice3A_875 = vector.extract_strided_slice %get3A_873 {offsets = [0, 1], sizes = [512, 1], strides = [1, 1]} : vector<512x16xf32> to vector<512x1xf32>
    %slice3A_876 = vector.extract_strided_slice %get3A_873 {offsets = [0, 2], sizes = [512, 1], strides = [1, 1]} : vector<512x16xf32> to vector<512x1xf32>
    %slice3A_877 = vector.extract_strided_slice %get3A_873 {offsets = [0, 3], sizes = [512, 1], strides = [1, 1]} : vector<512x16xf32> to vector<512x1xf32>
    %slice3A_878 = vector.extract_strided_slice %get3A_873 {offsets = [0, 5], sizes = [512, 1], strides = [1, 1]} : vector<512x16xf32> to vector<512x1xf32>
    %get3A_879 = arith.constant 0 : index
    %get3A_880 = arith.constant 2560 : index
    %get3A_881 = vector.load %arg0[%get3A_879, %get3A_880] : memref<8x5120xf32, #tpu.memory_space<vmem>>, vector<1x2560xf32>
    %get3A_882 = arith.constant 1 : index
    %get3A_883 = arith.constant 2560 : index
    %get3A_884 = vector.load %arg0[%get3A_882, %get3A_883] : memref<8x5120xf32, #tpu.memory_space<vmem>>, vector<1x2560xf32>
    %get3A_885 = arith.constant 2 : index
    %get3A_886 = arith.constant 2560 : index
    %get3A_887 = vector.load %arg0[%get3A_885, %get3A_886] : memref<8x5120xf32, #tpu.memory_space<vmem>>, vector<1x2560xf32>
    %get3A_888 = arith.constant 3 : index
    %get3A_889 = arith.constant 2560 : index
    %get3A_890 = vector.load %arg0[%get3A_888, %get3A_889] : memref<8x5120xf32, #tpu.memory_space<vmem>>, vector<1x2560xf32>
    %get3A_891 = arith.constant 5 : index
    %get3A_892 = arith.constant 2560 : index
    %get3A_893 = vector.load %arg0[%get3A_891, %get3A_892] : memref<8x5120xf32, #tpu.memory_space<vmem>>, vector<1x2560xf32>
    %max3A_894 = vector.broadcast %slice3A_874 : vector<512x1xf32> to vector<512x2560xf32>
    %max3A_895 = vector.broadcast %get3A_881 : vector<1x2560xf32> to vector<512x2560xf32>
    %max3A_896 = arith.maximumf %max3A_894, %max3A_895 : vector<512x2560xf32>
    %max3A_897 = vector.broadcast %slice3A_875 : vector<512x1xf32> to vector<512x2560xf32>
    %max3A_898 = vector.broadcast %get3A_884 : vector<1x2560xf32> to vector<512x2560xf32>
    %max3A_899 = arith.maximumf %max3A_897, %max3A_898 : vector<512x2560xf32>
    %min3A_900 = vector.broadcast %slice3A_876 : vector<512x1xf32> to vector<512x2560xf32>
    %min3A_901 = vector.broadcast %get3A_887 : vector<1x2560xf32> to vector<512x2560xf32>
    %min3A_902 = arith.minimumf %min3A_900, %min3A_901 : vector<512x2560xf32>
    %min3A_903 = vector.broadcast %slice3A_877 : vector<512x1xf32> to vector<512x2560xf32>
    %min3A_904 = vector.broadcast %get3A_890 : vector<1x2560xf32> to vector<512x2560xf32>
    %min3A_905 = arith.minimumf %min3A_903, %min3A_904 : vector<512x2560xf32>
    %sub3A_906 = arith.subf %min3A_902, %max3A_896 : vector<512x2560xf32>
    %max3A_907 = arith.constant 0.000000e+00 : f32
    %max3A_908 = vector.broadcast %max3A_907 : f32 to vector<512x2560xf32>
    %max3A_909 = arith.maximumf %sub3A_906, %max3A_908 : vector<512x2560xf32>
    %sub3A_910 = arith.subf %min3A_905, %max3A_899 : vector<512x2560xf32>
    %max3A_911 = arith.constant 0.000000e+00 : f32
    %max3A_912 = vector.broadcast %max3A_911 : f32 to vector<512x2560xf32>
    %max3A_913 = arith.maximumf %sub3A_910, %max3A_912 : vector<512x2560xf32>
    %mul3A_914 = arith.mulf %max3A_909, %max3A_913 : vector<512x2560xf32>
    %add3A_915 = vector.broadcast %slice3A_878 : vector<512x1xf32> to vector<512x2560xf32>
    %add3A_916 = vector.broadcast %get3A_893 : vector<1x2560xf32> to vector<512x2560xf32>
    %add3A_917 = arith.addf %add3A_915, %add3A_916 : vector<512x2560xf32>
    %sub3A_918 = arith.subf %add3A_917, %mul3A_914 : vector<512x2560xf32>
    %div3A_919 = arith.divf %mul3A_914, %sub3A_918 : vector<512x2560xf32>
    %gt3A_920 = arith.constant 0.699999988 : f32
    %gt3A_921 = vector.broadcast %gt3A_920 : f32 to vector<512x2560xf32>
    %gt3A_922 = arith.cmpf ogt, %div3A_919, %gt3A_921 : vector<512x2560xf32>
    %convert_element_type3A_923 = arith.extui %gt3A_922 : vector<512x2560xi1> to vector<512x2560xi32>
    %convert_element_type3A_924 = arith.sitofp %convert_element_type3A_923 : vector<512x2560xi32> to vector<512x2560xf32>
    %slice3A_925 = vector.extract_strided_slice %convert_element_type3A_924 {offsets = [0, 0], sizes = [512, 512], strides = [1, 1]} : vector<512x2560xf32> to vector<512x512xf32>
    %mul3A_926 = arith.mulf %slice3A_925, %convert_element_type3A_1 : vector<512x512xf32>
    %get3A_927 = arith.constant 0 : index
    %get3A_928 = arith.constant 2560 : index
    %get3A_929 = vector.load %arg2[%get3A_927, %get3A_928] : memref<1x5120xf32, #tpu.memory_space<vmem>>, vector<1x512xf32>
    %dot_general3A_930 = arith.constant dense<0.000000e+00> : vector<1x512xf32>
    %dot_general3A_931 = tpu.matmul %get3A_929, %mul3A_926, %dot_general3A_930 {dimension_numbers = #tpu.dot_dimension_numbers<[1], [0], [0], [1], [0, 0, 1, 1], [], []>, transpose_lhs_hint = false} : vector<1x512xf32>, vector<512x512xf32>, vector<1x512xf32> -> vector<1x512xf32>
    %eq3A_932 = arith.constant 0.000000e+00 : f32
    %eq3A_933 = vector.broadcast %eq3A_932 : f32 to vector<1x512xf32>
    %eq3A_934 = arith.cmpf oeq, %dot_general3A_931, %eq3A_933 : vector<1x512xf32>
    %convert_element_type3A_935 = arith.extui %eq3A_934 : vector<1x512xi1> to vector<1x512xi32>
    %convert_element_type3A_936 = arith.sitofp %convert_element_type3A_935 : vector<1x512xi32> to vector<1x512xf32>
    %mul3A_937 = arith.mulf %get3A_929, %convert_element_type3A_936 : vector<1x512xf32>
    %dot_general3A_938 = arith.constant dense<0.000000e+00> : vector<1x512xf32>
    %dot_general3A_939 = tpu.matmul %mul3A_937, %mul3A_926, %dot_general3A_938 {dimension_numbers = #tpu.dot_dimension_numbers<[1], [0], [0], [1], [0, 0, 1, 1], [], []>, transpose_lhs_hint = false} : vector<1x512xf32>, vector<512x512xf32>, vector<1x512xf32> -> vector<1x512xf32>
    %eq3A_940 = arith.constant 0.000000e+00 : f32
    %eq3A_941 = vector.broadcast %eq3A_940 : f32 to vector<1x512xf32>
    %eq3A_942 = arith.cmpf oeq, %dot_general3A_939, %eq3A_941 : vector<1x512xf32>
    %convert_element_type3A_943 = arith.extui %eq3A_942 : vector<1x512xi1> to vector<1x512xi32>
    %convert_element_type3A_944 = arith.sitofp %convert_element_type3A_943 : vector<1x512xi32> to vector<1x512xf32>
    %mul3A_945 = arith.mulf %get3A_929, %convert_element_type3A_944 : vector<1x512xf32>
    %dot_general3A_946 = arith.constant dense<0.000000e+00> : vector<1x512xf32>
    %dot_general3A_947 = tpu.matmul %mul3A_945, %mul3A_926, %dot_general3A_946 {dimension_numbers = #tpu.dot_dimension_numbers<[1], [0], [0], [1], [0, 0, 1, 1], [], []>, transpose_lhs_hint = false} : vector<1x512xf32>, vector<512x512xf32>, vector<1x512xf32> -> vector<1x512xf32>
    %eq3A_948 = arith.constant 0.000000e+00 : f32
    %eq3A_949 = vector.broadcast %eq3A_948 : f32 to vector<1x512xf32>
    %eq3A_950 = arith.cmpf oeq, %dot_general3A_947, %eq3A_949 : vector<1x512xf32>
    %convert_element_type3A_951 = arith.extui %eq3A_950 : vector<1x512xi1> to vector<1x512xi32>
    %convert_element_type3A_952 = arith.sitofp %convert_element_type3A_951 : vector<1x512xi32> to vector<1x512xf32>
    %mul3A_953 = arith.mulf %get3A_929, %convert_element_type3A_952 : vector<1x512xf32>
    %sub3A_954 = arith.subf %mul3A_953, %mul3A_945 : vector<1x512xf32>
    %abs3A_955 = math.absf %sub3A_954 : vector<1x512xf32>
    %add3A_956 = arith.addf %add3A_781, %abs3A_955 : vector<1x512xf32>
    %swap3A_957 = arith.constant 0 : index
    %swap3A_958 = arith.constant 2560 : index
    %swap3A_959 = vector.load %arg2[%swap3A_957, %swap3A_958] : memref<1x5120xf32, #tpu.memory_space<vmem>>, vector<1x512xf32>
    tpu.vector_store %arg2[%swap3A_957, %swap3A_958], %mul3A_953 {strides = array<i32>} : memref<1x5120xf32, #tpu.memory_space<vmem>>, vector<1x512xf32>,
    %dot_general3A_960 = arith.constant dense<0.000000e+00> : vector<1x2560xf32>
    %dot_general3A_961 = tpu.matmul %mul3A_953, %convert_element_type3A_924, %dot_general3A_960 {dimension_numbers = #tpu.dot_dimension_numbers<[1], [0], [0], [1], [0, 0, 1, 1], [], []>, transpose_lhs_hint = false} : vector<1x512xf32>, vector<512x2560xf32>, vector<1x2560xf32> -> vector<1x2560xf32>
    %gt3A_962 = arith.constant 0.000000e+00 : f32
    %gt3A_963 = vector.broadcast %gt3A_962 : f32 to vector<1x2560xf32>
    %gt3A_964 = arith.cmpf ogt, %dot_general3A_961, %gt3A_963 : vector<1x2560xf32>
    %ge3A_965 = arith.constant 512 : i32
    %ge3A_966 = vector.broadcast %ge3A_965 : i32 to vector<1x2560xi32>
    %ge3A_967 = arith.cmpi sge, %iota3A_2, %ge3A_966 : vector<1x2560xi32>
    %and3A_968 = arith.andi %gt3A_964, %ge3A_967 : vector<1x2560xi1>
    %get3A_969 = arith.constant 0 : index
    %get3A_970 = arith.constant 2560 : index
    %get3A_971 = vector.load %arg2[%get3A_969, %get3A_970] : memref<1x5120xf32, #tpu.memory_space<vmem>>, vector<1x2560xf32>
    %convert_element_type3A_972 = arith.extui %and3A_968 : vector<1x2560xi1> to vector<1x2560xi32>
    %convert_element_type3A_973 = arith.sitofp %convert_element_type3A_972 : vector<1x2560xi32> to vector<1x2560xf32>
    %sub3A_974 = arith.constant 1.000000e+00 : f32
    %sub3A_975 = vector.broadcast %sub3A_974 : f32 to vector<1x2560xf32>
    %sub3A_976 = arith.subf %sub3A_975, %convert_element_type3A_973 : vector<1x2560xf32>
    %mul3A_977 = arith.mulf %get3A_971, %sub3A_976 : vector<1x2560xf32>
    %swap3A_978 = arith.constant 0 : index
    %swap3A_979 = arith.constant 2560 : index
    %swap3A_980 = vector.load %arg2[%swap3A_978, %swap3A_979] : memref<1x5120xf32, #tpu.memory_space<vmem>>, vector<1x2560xf32>
    tpu.vector_store %arg2[%swap3A_978, %swap3A_979], %mul3A_977 {strides = array<i32>} : memref<1x5120xf32, #tpu.memory_space<vmem>>, vector<1x2560xf32>,
    %get3A_981 = arith.constant 6 : index
    %get3A_982 = arith.constant 0 : index
    %get3A_983 = arith.constant 0 : index
    %get3A_984 = vector.load %arg1[%get3A_981, %get3A_982, %get3A_983] : memref<10x512x16xf32, #tpu.memory_space<vmem>>, vector<1x512x16xf32>
    %get3A_985 = vector.shape_cast %get3A_984 : vector<1x512x16xf32> to vector<512x16xf32>
    %slice3A_986 = vector.extract_strided_slice %get3A_985 {offsets = [0, 0], sizes = [512, 1], strides = [1, 1]} : vector<512x16xf32> to vector<512x1xf32>
    %slice3A_987 = vector.extract_strided_slice %get3A_985 {offsets = [0, 1], sizes = [512, 1], strides = [1, 1]} : vector<512x16xf32> to vector<512x1xf32>
    %slice3A_988 = vector.extract_strided_slice %get3A_985 {offsets = [0, 2], sizes = [512, 1], strides = [1, 1]} : vector<512x16xf32> to vector<512x1xf32>
    %slice3A_989 = vector.extract_strided_slice %get3A_985 {offsets = [0, 3], sizes = [512, 1], strides = [1, 1]} : vector<512x16xf32> to vector<512x1xf32>
    %slice3A_990 = vector.extract_strided_slice %get3A_985 {offsets = [0, 5], sizes = [512, 1], strides = [1, 1]} : vector<512x16xf32> to vector<512x1xf32>
    %get3A_991 = arith.constant 0 : index
    %get3A_992 = arith.constant 3072 : index
    %get3A_993 = vector.load %arg0[%get3A_991, %get3A_992] : memref<8x5120xf32, #tpu.memory_space<vmem>>, vector<1x2048xf32>
    %get3A_994 = arith.constant 1 : index
    %get3A_995 = arith.constant 3072 : index
    %get3A_996 = vector.load %arg0[%get3A_994, %get3A_995] : memref<8x5120xf32, #tpu.memory_space<vmem>>, vector<1x2048xf32>
    %get3A_997 = arith.constant 2 : index
    %get3A_998 = arith.constant 3072 : index
    %get3A_999 = vector.load %arg0[%get3A_997, %get3A_998] : memref<8x5120xf32, #tpu.memory_space<vmem>>, vector<1x2048xf32>
    %get3A_1000 = arith.constant 3 : index
    %get3A_1001 = arith.constant 3072 : index
    %get3A_1002 = vector.load %arg0[%get3A_1000, %get3A_1001] : memref<8x5120xf32, #tpu.memory_space<vmem>>, vector<1x2048xf32>
    %get3A_1003 = arith.constant 5 : index
    %get3A_1004 = arith.constant 3072 : index
    %get3A_1005 = vector.load %arg0[%get3A_1003, %get3A_1004] : memref<8x5120xf32, #tpu.memory_space<vmem>>, vector<1x2048xf32>
    %max3A_1006 = vector.broadcast %slice3A_986 : vector<512x1xf32> to vector<512x2048xf32>
    %max3A_1007 = vector.broadcast %get3A_993 : vector<1x2048xf32> to vector<512x2048xf32>
    %max3A_1008 = arith.maximumf %max3A_1006, %max3A_1007 : vector<512x2048xf32>
    %max3A_1009 = vector.broadcast %slice3A_987 : vector<512x1xf32> to vector<512x2048xf32>
    %max3A_1010 = vector.broadcast %get3A_996 : vector<1x2048xf32> to vector<512x2048xf32>
    %max3A_1011 = arith.maximumf %max3A_1009, %max3A_1010 : vector<512x2048xf32>
    %min3A_1012 = vector.broadcast %slice3A_988 : vector<512x1xf32> to vector<512x2048xf32>
    %min3A_1013 = vector.broadcast %get3A_999 : vector<1x2048xf32> to vector<512x2048xf32>
    %min3A_1014 = arith.minimumf %min3A_1012, %min3A_1013 : vector<512x2048xf32>
    %min3A_1015 = vector.broadcast %slice3A_989 : vector<512x1xf32> to vector<512x2048xf32>
    %min3A_1016 = vector.broadcast %get3A_1002 : vector<1x2048xf32> to vector<512x2048xf32>
    %min3A_1017 = arith.minimumf %min3A_1015, %min3A_1016 : vector<512x2048xf32>
    %sub3A_1018 = arith.subf %min3A_1014, %max3A_1008 : vector<512x2048xf32>
    %max3A_1019 = arith.constant 0.000000e+00 : f32
    %max3A_1020 = vector.broadcast %max3A_1019 : f32 to vector<512x2048xf32>
    %max3A_1021 = arith.maximumf %sub3A_1018, %max3A_1020 : vector<512x2048xf32>
    %sub3A_1022 = arith.subf %min3A_1017, %max3A_1011 : vector<512x2048xf32>
    %max3A_1023 = arith.constant 0.000000e+00 : f32
    %max3A_1024 = vector.broadcast %max3A_1023 : f32 to vector<512x2048xf32>
    %max3A_1025 = arith.maximumf %sub3A_1022, %max3A_1024 : vector<512x2048xf32>
    %mul3A_1026 = arith.mulf %max3A_1021, %max3A_1025 : vector<512x2048xf32>
    %add3A_1027 = vector.broadcast %slice3A_990 : vector<512x1xf32> to vector<512x2048xf32>
    %add3A_1028 = vector.broadcast %get3A_1005 : vector<1x2048xf32> to vector<512x2048xf32>
    %add3A_1029 = arith.addf %add3A_1027, %add3A_1028 : vector<512x2048xf32>
    %sub3A_1030 = arith.subf %add3A_1029, %mul3A_1026 : vector<512x2048xf32>
    %div3A_1031 = arith.divf %mul3A_1026, %sub3A_1030 : vector<512x2048xf32>
    %gt3A_1032 = arith.constant 0.699999988 : f32
    %gt3A_1033 = vector.broadcast %gt3A_1032 : f32 to vector<512x2048xf32>
    %gt3A_1034 = arith.cmpf ogt, %div3A_1031, %gt3A_1033 : vector<512x2048xf32>
    %convert_element_type3A_1035 = arith.extui %gt3A_1034 : vector<512x2048xi1> to vector<512x2048xi32>
    %convert_element_type3A_1036 = arith.sitofp %convert_element_type3A_1035 : vector<512x2048xi32> to vector<512x2048xf32>
    %slice3A_1037 = vector.extract_strided_slice %convert_element_type3A_1036 {offsets = [0, 0], sizes = [512, 512], strides = [1, 1]} : vector<512x2048xf32> to vector<512x512xf32>
    %mul3A_1038 = arith.mulf %slice3A_1037, %convert_element_type3A_1 : vector<512x512xf32>
    %get3A_1039 = arith.constant 0 : index
    %get3A_1040 = arith.constant 3072 : index
    %get3A_1041 = vector.load %arg2[%get3A_1039, %get3A_1040] : memref<1x5120xf32, #tpu.memory_space<vmem>>, vector<1x512xf32>
    %dot_general3A_1042 = arith.constant dense<0.000000e+00> : vector<1x512xf32>
    %dot_general3A_1043 = tpu.matmul %get3A_1041, %mul3A_1038, %dot_general3A_1042 {dimension_numbers = #tpu.dot_dimension_numbers<[1], [0], [0], [1], [0, 0, 1, 1], [], []>, transpose_lhs_hint = false} : vector<1x512xf32>, vector<512x512xf32>, vector<1x512xf32> -> vector<1x512xf32>
    %eq3A_1044 = arith.constant 0.000000e+00 : f32
    %eq3A_1045 = vector.broadcast %eq3A_1044 : f32 to vector<1x512xf32>
    %eq3A_1046 = arith.cmpf oeq, %dot_general3A_1043, %eq3A_1045 : vector<1x512xf32>
    %convert_element_type3A_1047 = arith.extui %eq3A_1046 : vector<1x512xi1> to vector<1x512xi32>
    %convert_element_type3A_1048 = arith.sitofp %convert_element_type3A_1047 : vector<1x512xi32> to vector<1x512xf32>
    %mul3A_1049 = arith.mulf %get3A_1041, %convert_element_type3A_1048 : vector<1x512xf32>
    %dot_general3A_1050 = arith.constant dense<0.000000e+00> : vector<1x512xf32>
    %dot_general3A_1051 = tpu.matmul %mul3A_1049, %mul3A_1038, %dot_general3A_1050 {dimension_numbers = #tpu.dot_dimension_numbers<[1], [0], [0], [1], [0, 0, 1, 1], [], []>, transpose_lhs_hint = false} : vector<1x512xf32>, vector<512x512xf32>, vector<1x512xf32> -> vector<1x512xf32>
    %eq3A_1052 = arith.constant 0.000000e+00 : f32
    %eq3A_1053 = vector.broadcast %eq3A_1052 : f32 to vector<1x512xf32>
    %eq3A_1054 = arith.cmpf oeq, %dot_general3A_1051, %eq3A_1053 : vector<1x512xf32>
    %convert_element_type3A_1055 = arith.extui %eq3A_1054 : vector<1x512xi1> to vector<1x512xi32>
    %convert_element_type3A_1056 = arith.sitofp %convert_element_type3A_1055 : vector<1x512xi32> to vector<1x512xf32>
    %mul3A_1057 = arith.mulf %get3A_1041, %convert_element_type3A_1056 : vector<1x512xf32>
    %dot_general3A_1058 = arith.constant dense<0.000000e+00> : vector<1x512xf32>
    %dot_general3A_1059 = tpu.matmul %mul3A_1057, %mul3A_1038, %dot_general3A_1058 {dimension_numbers = #tpu.dot_dimension_numbers<[1], [0], [0], [1], [0, 0, 1, 1], [], []>, transpose_lhs_hint = false} : vector<1x512xf32>, vector<512x512xf32>, vector<1x512xf32> -> vector<1x512xf32>
    %eq3A_1060 = arith.constant 0.000000e+00 : f32
    %eq3A_1061 = vector.broadcast %eq3A_1060 : f32 to vector<1x512xf32>
    %eq3A_1062 = arith.cmpf oeq, %dot_general3A_1059, %eq3A_1061 : vector<1x512xf32>
    %convert_element_type3A_1063 = arith.extui %eq3A_1062 : vector<1x512xi1> to vector<1x512xi32>
    %convert_element_type3A_1064 = arith.sitofp %convert_element_type3A_1063 : vector<1x512xi32> to vector<1x512xf32>
    %mul3A_1065 = arith.mulf %get3A_1041, %convert_element_type3A_1064 : vector<1x512xf32>
    %sub3A_1066 = arith.subf %mul3A_1065, %mul3A_1057 : vector<1x512xf32>
    %abs3A_1067 = math.absf %sub3A_1066 : vector<1x512xf32>
    %add3A_1068 = arith.addf %add3A_956, %abs3A_1067 : vector<1x512xf32>
    %swap3A_1069 = arith.constant 0 : index
    %swap3A_1070 = arith.constant 3072 : index
    %swap3A_1071 = vector.load %arg2[%swap3A_1069, %swap3A_1070] : memref<1x5120xf32, #tpu.memory_space<vmem>>, vector<1x512xf32>
    tpu.vector_store %arg2[%swap3A_1069, %swap3A_1070], %mul3A_1065 {strides = array<i32>} : memref<1x5120xf32, #tpu.memory_space<vmem>>, vector<1x512xf32>,
    %dot_general3A_1072 = arith.constant dense<0.000000e+00> : vector<1x2048xf32>
    %dot_general3A_1073 = tpu.matmul %mul3A_1065, %convert_element_type3A_1036, %dot_general3A_1072 {dimension_numbers = #tpu.dot_dimension_numbers<[1], [0], [0], [1], [0, 0, 1, 1], [], []>, transpose_lhs_hint = false} : vector<1x512xf32>, vector<512x2048xf32>, vector<1x2048xf32> -> vector<1x2048xf32>
    %gt3A_1074 = arith.constant 0.000000e+00 : f32
    %gt3A_1075 = vector.broadcast %gt3A_1074 : f32 to vector<1x2048xf32>
    %gt3A_1076 = arith.cmpf ogt, %dot_general3A_1073, %gt3A_1075 : vector<1x2048xf32>
    %slice3A_1077 = vector.extract_strided_slice %iota3A_2 {offsets = [0, 0], sizes = [1, 2048], strides = [1, 1]} : vector<1x2560xi32> to vector<1x2048xi32>
    %ge3A_1078 = arith.constant 512 : i32
    %ge3A_1079 = vector.broadcast %ge3A_1078 : i32 to vector<1x2048xi32>
    %ge3A_1080 = arith.cmpi sge, %slice3A_1077, %ge3A_1079 : vector<1x2048xi32>
    %and3A_1081 = arith.andi %gt3A_1076, %ge3A_1080 : vector<1x2048xi1>
    %get3A_1082 = arith.constant 0 : index
    %get3A_1083 = arith.constant 3072 : index
    %get3A_1084 = vector.load %arg2[%get3A_1082, %get3A_1083] : memref<1x5120xf32, #tpu.memory_space<vmem>>, vector<1x2048xf32>
    %convert_element_type3A_1085 = arith.extui %and3A_1081 : vector<1x2048xi1> to vector<1x2048xi32>
    %convert_element_type3A_1086 = arith.sitofp %convert_element_type3A_1085 : vector<1x2048xi32> to vector<1x2048xf32>
    %sub3A_1087 = arith.constant 1.000000e+00 : f32
    %sub3A_1088 = vector.broadcast %sub3A_1087 : f32 to vector<1x2048xf32>
    %sub3A_1089 = arith.subf %sub3A_1088, %convert_element_type3A_1086 : vector<1x2048xf32>
    %mul3A_1090 = arith.mulf %get3A_1084, %sub3A_1089 : vector<1x2048xf32>
    %swap3A_1091 = arith.constant 0 : index
    %swap3A_1092 = arith.constant 3072 : index
    %swap3A_1093 = vector.load %arg2[%swap3A_1091, %swap3A_1092] : memref<1x5120xf32, #tpu.memory_space<vmem>>, vector<1x2048xf32>
    tpu.vector_store %arg2[%swap3A_1091, %swap3A_1092], %mul3A_1090 {strides = array<i32>} : memref<1x5120xf32, #tpu.memory_space<vmem>>, vector<1x2048xf32>,
    %get3A_1094 = arith.constant 7 : index
    %get3A_1095 = arith.constant 0 : index
    %get3A_1096 = arith.constant 0 : index
    %get3A_1097 = vector.load %arg1[%get3A_1094, %get3A_1095, %get3A_1096] : memref<10x512x16xf32, #tpu.memory_space<vmem>>, vector<1x512x16xf32>
    %get3A_1098 = vector.shape_cast %get3A_1097 : vector<1x512x16xf32> to vector<512x16xf32>
    %slice3A_1099 = vector.extract_strided_slice %get3A_1098 {offsets = [0, 0], sizes = [512, 1], strides = [1, 1]} : vector<512x16xf32> to vector<512x1xf32>
    %slice3A_1100 = vector.extract_strided_slice %get3A_1098 {offsets = [0, 1], sizes = [512, 1], strides = [1, 1]} : vector<512x16xf32> to vector<512x1xf32>
    %slice3A_1101 = vector.extract_strided_slice %get3A_1098 {offsets = [0, 2], sizes = [512, 1], strides = [1, 1]} : vector<512x16xf32> to vector<512x1xf32>
    %slice3A_1102 = vector.extract_strided_slice %get3A_1098 {offsets = [0, 3], sizes = [512, 1], strides = [1, 1]} : vector<512x16xf32> to vector<512x1xf32>
    %slice3A_1103 = vector.extract_strided_slice %get3A_1098 {offsets = [0, 5], sizes = [512, 1], strides = [1, 1]} : vector<512x16xf32> to vector<512x1xf32>
    %get3A_1104 = arith.constant 0 : index
    %get3A_1105 = arith.constant 3584 : index
    %get3A_1106 = vector.load %arg0[%get3A_1104, %get3A_1105] : memref<8x5120xf32, #tpu.memory_space<vmem>>, vector<1x1536xf32>
    %get3A_1107 = arith.constant 1 : index
    %get3A_1108 = arith.constant 3584 : index
    %get3A_1109 = vector.load %arg0[%get3A_1107, %get3A_1108] : memref<8x5120xf32, #tpu.memory_space<vmem>>, vector<1x1536xf32>
    %get3A_1110 = arith.constant 2 : index
    %get3A_1111 = arith.constant 3584 : index
    %get3A_1112 = vector.load %arg0[%get3A_1110, %get3A_1111] : memref<8x5120xf32, #tpu.memory_space<vmem>>, vector<1x1536xf32>
    %get3A_1113 = arith.constant 3 : index
    %get3A_1114 = arith.constant 3584 : index
    %get3A_1115 = vector.load %arg0[%get3A_1113, %get3A_1114] : memref<8x5120xf32, #tpu.memory_space<vmem>>, vector<1x1536xf32>
    %get3A_1116 = arith.constant 5 : index
    %get3A_1117 = arith.constant 3584 : index
    %get3A_1118 = vector.load %arg0[%get3A_1116, %get3A_1117] : memref<8x5120xf32, #tpu.memory_space<vmem>>, vector<1x1536xf32>
    %max3A_1119 = vector.broadcast %slice3A_1099 : vector<512x1xf32> to vector<512x1536xf32>
    %max3A_1120 = vector.broadcast %get3A_1106 : vector<1x1536xf32> to vector<512x1536xf32>
    %max3A_1121 = arith.maximumf %max3A_1119, %max3A_1120 : vector<512x1536xf32>
    %max3A_1122 = vector.broadcast %slice3A_1100 : vector<512x1xf32> to vector<512x1536xf32>
    %max3A_1123 = vector.broadcast %get3A_1109 : vector<1x1536xf32> to vector<512x1536xf32>
    %max3A_1124 = arith.maximumf %max3A_1122, %max3A_1123 : vector<512x1536xf32>
    %min3A_1125 = vector.broadcast %slice3A_1101 : vector<512x1xf32> to vector<512x1536xf32>
    %min3A_1126 = vector.broadcast %get3A_1112 : vector<1x1536xf32> to vector<512x1536xf32>
    %min3A_1127 = arith.minimumf %min3A_1125, %min3A_1126 : vector<512x1536xf32>
    %min3A_1128 = vector.broadcast %slice3A_1102 : vector<512x1xf32> to vector<512x1536xf32>
    %min3A_1129 = vector.broadcast %get3A_1115 : vector<1x1536xf32> to vector<512x1536xf32>
    %min3A_1130 = arith.minimumf %min3A_1128, %min3A_1129 : vector<512x1536xf32>
    %sub3A_1131 = arith.subf %min3A_1127, %max3A_1121 : vector<512x1536xf32>
    %max3A_1132 = arith.constant 0.000000e+00 : f32
    %max3A_1133 = vector.broadcast %max3A_1132 : f32 to vector<512x1536xf32>
    %max3A_1134 = arith.maximumf %sub3A_1131, %max3A_1133 : vector<512x1536xf32>
    %sub3A_1135 = arith.subf %min3A_1130, %max3A_1124 : vector<512x1536xf32>
    %max3A_1136 = arith.constant 0.000000e+00 : f32
    %max3A_1137 = vector.broadcast %max3A_1136 : f32 to vector<512x1536xf32>
    %max3A_1138 = arith.maximumf %sub3A_1135, %max3A_1137 : vector<512x1536xf32>
    %mul3A_1139 = arith.mulf %max3A_1134, %max3A_1138 : vector<512x1536xf32>
    %add3A_1140 = vector.broadcast %slice3A_1103 : vector<512x1xf32> to vector<512x1536xf32>
    %add3A_1141 = vector.broadcast %get3A_1118 : vector<1x1536xf32> to vector<512x1536xf32>
    %add3A_1142 = arith.addf %add3A_1140, %add3A_1141 : vector<512x1536xf32>
    %sub3A_1143 = arith.subf %add3A_1142, %mul3A_1139 : vector<512x1536xf32>
    %div3A_1144 = arith.divf %mul3A_1139, %sub3A_1143 : vector<512x1536xf32>
    %gt3A_1145 = arith.constant 0.699999988 : f32
    %gt3A_1146 = vector.broadcast %gt3A_1145 : f32 to vector<512x1536xf32>
    %gt3A_1147 = arith.cmpf ogt, %div3A_1144, %gt3A_1146 : vector<512x1536xf32>
    %convert_element_type3A_1148 = arith.extui %gt3A_1147 : vector<512x1536xi1> to vector<512x1536xi32>
    %convert_element_type3A_1149 = arith.sitofp %convert_element_type3A_1148 : vector<512x1536xi32> to vector<512x1536xf32>
    %slice3A_1150 = vector.extract_strided_slice %convert_element_type3A_1149 {offsets = [0, 0], sizes = [512, 512], strides = [1, 1]} : vector<512x1536xf32> to vector<512x512xf32>
    %mul3A_1151 = arith.mulf %slice3A_1150, %convert_element_type3A_1 : vector<512x512xf32>
    %get3A_1152 = arith.constant 0 : index
    %get3A_1153 = arith.constant 3584 : index
    %get3A_1154 = vector.load %arg2[%get3A_1152, %get3A_1153] : memref<1x5120xf32, #tpu.memory_space<vmem>>, vector<1x512xf32>
    %dot_general3A_1155 = arith.constant dense<0.000000e+00> : vector<1x512xf32>
    %dot_general3A_1156 = tpu.matmul %get3A_1154, %mul3A_1151, %dot_general3A_1155 {dimension_numbers = #tpu.dot_dimension_numbers<[1], [0], [0], [1], [0, 0, 1, 1], [], []>, transpose_lhs_hint = false} : vector<1x512xf32>, vector<512x512xf32>, vector<1x512xf32> -> vector<1x512xf32>
    %eq3A_1157 = arith.constant 0.000000e+00 : f32
    %eq3A_1158 = vector.broadcast %eq3A_1157 : f32 to vector<1x512xf32>
    %eq3A_1159 = arith.cmpf oeq, %dot_general3A_1156, %eq3A_1158 : vector<1x512xf32>
    %convert_element_type3A_1160 = arith.extui %eq3A_1159 : vector<1x512xi1> to vector<1x512xi32>
    %convert_element_type3A_1161 = arith.sitofp %convert_element_type3A_1160 : vector<1x512xi32> to vector<1x512xf32>
    %mul3A_1162 = arith.mulf %get3A_1154, %convert_element_type3A_1161 : vector<1x512xf32>
    %dot_general3A_1163 = arith.constant dense<0.000000e+00> : vector<1x512xf32>
    %dot_general3A_1164 = tpu.matmul %mul3A_1162, %mul3A_1151, %dot_general3A_1163 {dimension_numbers = #tpu.dot_dimension_numbers<[1], [0], [0], [1], [0, 0, 1, 1], [], []>, transpose_lhs_hint = false} : vector<1x512xf32>, vector<512x512xf32>, vector<1x512xf32> -> vector<1x512xf32>
    %eq3A_1165 = arith.constant 0.000000e+00 : f32
    %eq3A_1166 = vector.broadcast %eq3A_1165 : f32 to vector<1x512xf32>
    %eq3A_1167 = arith.cmpf oeq, %dot_general3A_1164, %eq3A_1166 : vector<1x512xf32>
    %convert_element_type3A_1168 = arith.extui %eq3A_1167 : vector<1x512xi1> to vector<1x512xi32>
    %convert_element_type3A_1169 = arith.sitofp %convert_element_type3A_1168 : vector<1x512xi32> to vector<1x512xf32>
    %mul3A_1170 = arith.mulf %get3A_1154, %convert_element_type3A_1169 : vector<1x512xf32>
    %dot_general3A_1171 = arith.constant dense<0.000000e+00> : vector<1x512xf32>
    %dot_general3A_1172 = tpu.matmul %mul3A_1170, %mul3A_1151, %dot_general3A_1171 {dimension_numbers = #tpu.dot_dimension_numbers<[1], [0], [0], [1], [0, 0, 1, 1], [], []>, transpose_lhs_hint = false} : vector<1x512xf32>, vector<512x512xf32>, vector<1x512xf32> -> vector<1x512xf32>
    %eq3A_1173 = arith.constant 0.000000e+00 : f32
    %eq3A_1174 = vector.broadcast %eq3A_1173 : f32 to vector<1x512xf32>
    %eq3A_1175 = arith.cmpf oeq, %dot_general3A_1172, %eq3A_1174 : vector<1x512xf32>
    %convert_element_type3A_1176 = arith.extui %eq3A_1175 : vector<1x512xi1> to vector<1x512xi32>
    %convert_element_type3A_1177 = arith.sitofp %convert_element_type3A_1176 : vector<1x512xi32> to vector<1x512xf32>
    %mul3A_1178 = arith.mulf %get3A_1154, %convert_element_type3A_1177 : vector<1x512xf32>
    %sub3A_1179 = arith.subf %mul3A_1178, %mul3A_1170 : vector<1x512xf32>
    %abs3A_1180 = math.absf %sub3A_1179 : vector<1x512xf32>
    %add3A_1181 = arith.addf %add3A_1068, %abs3A_1180 : vector<1x512xf32>
    %swap3A_1182 = arith.constant 0 : index
    %swap3A_1183 = arith.constant 3584 : index
    %swap3A_1184 = vector.load %arg2[%swap3A_1182, %swap3A_1183] : memref<1x5120xf32, #tpu.memory_space<vmem>>, vector<1x512xf32>
    tpu.vector_store %arg2[%swap3A_1182, %swap3A_1183], %mul3A_1178 {strides = array<i32>} : memref<1x5120xf32, #tpu.memory_space<vmem>>, vector<1x512xf32>,
    %dot_general3A_1185 = arith.constant dense<0.000000e+00> : vector<1x1536xf32>
    %dot_general3A_1186 = tpu.matmul %mul3A_1178, %convert_element_type3A_1149, %dot_general3A_1185 {dimension_numbers = #tpu.dot_dimension_numbers<[1], [0], [0], [1], [0, 0, 1, 1], [], []>, transpose_lhs_hint = false} : vector<1x512xf32>, vector<512x1536xf32>, vector<1x1536xf32> -> vector<1x1536xf32>
    %gt3A_1187 = arith.constant 0.000000e+00 : f32
    %gt3A_1188 = vector.broadcast %gt3A_1187 : f32 to vector<1x1536xf32>
    %gt3A_1189 = arith.cmpf ogt, %dot_general3A_1186, %gt3A_1188 : vector<1x1536xf32>
    %slice3A_1190 = vector.extract_strided_slice %iota3A_2 {offsets = [0, 0], sizes = [1, 1536], strides = [1, 1]} : vector<1x2560xi32> to vector<1x1536xi32>
    %ge3A_1191 = arith.constant 512 : i32
    %ge3A_1192 = vector.broadcast %ge3A_1191 : i32 to vector<1x1536xi32>
    %ge3A_1193 = arith.cmpi sge, %slice3A_1190, %ge3A_1192 : vector<1x1536xi32>
    %and3A_1194 = arith.andi %gt3A_1189, %ge3A_1193 : vector<1x1536xi1>
    %get3A_1195 = arith.constant 0 : index
    %get3A_1196 = arith.constant 3584 : index
    %get3A_1197 = vector.load %arg2[%get3A_1195, %get3A_1196] : memref<1x5120xf32, #tpu.memory_space<vmem>>, vector<1x1536xf32>
    %convert_element_type3A_1198 = arith.extui %and3A_1194 : vector<1x1536xi1> to vector<1x1536xi32>
    %convert_element_type3A_1199 = arith.sitofp %convert_element_type3A_1198 : vector<1x1536xi32> to vector<1x1536xf32>
    %sub3A_1200 = arith.constant 1.000000e+00 : f32
    %sub3A_1201 = vector.broadcast %sub3A_1200 : f32 to vector<1x1536xf32>
    %sub3A_1202 = arith.subf %sub3A_1201, %convert_element_type3A_1199 : vector<1x1536xf32>
    %mul3A_1203 = arith.mulf %get3A_1197, %sub3A_1202 : vector<1x1536xf32>
    %swap3A_1204 = arith.constant 0 : index
    %swap3A_1205 = arith.constant 3584 : index
    %swap3A_1206 = vector.load %arg2[%swap3A_1204, %swap3A_1205] : memref<1x5120xf32, #tpu.memory_space<vmem>>, vector<1x1536xf32>
    tpu.vector_store %arg2[%swap3A_1204, %swap3A_1205], %mul3A_1203 {strides = array<i32>} : memref<1x5120xf32, #tpu.memory_space<vmem>>, vector<1x1536xf32>,
    %get3A_1207 = arith.constant 8 : index
    %get3A_1208 = arith.constant 0 : index
    %get3A_1209 = arith.constant 0 : index
    %get3A_1210 = vector.load %arg1[%get3A_1207, %get3A_1208, %get3A_1209] : memref<10x512x16xf32, #tpu.memory_space<vmem>>, vector<1x512x16xf32>
    %get3A_1211 = vector.shape_cast %get3A_1210 : vector<1x512x16xf32> to vector<512x16xf32>
    %slice3A_1212 = vector.extract_strided_slice %get3A_1211 {offsets = [0, 0], sizes = [512, 1], strides = [1, 1]} : vector<512x16xf32> to vector<512x1xf32>
    %slice3A_1213 = vector.extract_strided_slice %get3A_1211 {offsets = [0, 1], sizes = [512, 1], strides = [1, 1]} : vector<512x16xf32> to vector<512x1xf32>
    %slice3A_1214 = vector.extract_strided_slice %get3A_1211 {offsets = [0, 2], sizes = [512, 1], strides = [1, 1]} : vector<512x16xf32> to vector<512x1xf32>
    %slice3A_1215 = vector.extract_strided_slice %get3A_1211 {offsets = [0, 3], sizes = [512, 1], strides = [1, 1]} : vector<512x16xf32> to vector<512x1xf32>
    %slice3A_1216 = vector.extract_strided_slice %get3A_1211 {offsets = [0, 5], sizes = [512, 1], strides = [1, 1]} : vector<512x16xf32> to vector<512x1xf32>
    %get3A_1217 = arith.constant 0 : index
    %get3A_1218 = arith.constant 4096 : index
    %get3A_1219 = vector.load %arg0[%get3A_1217, %get3A_1218] : memref<8x5120xf32, #tpu.memory_space<vmem>>, vector<1x1024xf32>
    %get3A_1220 = arith.constant 1 : index
    %get3A_1221 = arith.constant 4096 : index
    %get3A_1222 = vector.load %arg0[%get3A_1220, %get3A_1221] : memref<8x5120xf32, #tpu.memory_space<vmem>>, vector<1x1024xf32>
    %get3A_1223 = arith.constant 2 : index
    %get3A_1224 = arith.constant 4096 : index
    %get3A_1225 = vector.load %arg0[%get3A_1223, %get3A_1224] : memref<8x5120xf32, #tpu.memory_space<vmem>>, vector<1x1024xf32>
    %get3A_1226 = arith.constant 3 : index
    %get3A_1227 = arith.constant 4096 : index
    %get3A_1228 = vector.load %arg0[%get3A_1226, %get3A_1227] : memref<8x5120xf32, #tpu.memory_space<vmem>>, vector<1x1024xf32>
    %get3A_1229 = arith.constant 5 : index
    %get3A_1230 = arith.constant 4096 : index
    %get3A_1231 = vector.load %arg0[%get3A_1229, %get3A_1230] : memref<8x5120xf32, #tpu.memory_space<vmem>>, vector<1x1024xf32>
    %max3A_1232 = vector.broadcast %slice3A_1212 : vector<512x1xf32> to vector<512x1024xf32>
    %max3A_1233 = vector.broadcast %get3A_1219 : vector<1x1024xf32> to vector<512x1024xf32>
    %max3A_1234 = arith.maximumf %max3A_1232, %max3A_1233 : vector<512x1024xf32>
    %max3A_1235 = vector.broadcast %slice3A_1213 : vector<512x1xf32> to vector<512x1024xf32>
    %max3A_1236 = vector.broadcast %get3A_1222 : vector<1x1024xf32> to vector<512x1024xf32>
    %max3A_1237 = arith.maximumf %max3A_1235, %max3A_1236 : vector<512x1024xf32>
    %min3A_1238 = vector.broadcast %slice3A_1214 : vector<512x1xf32> to vector<512x1024xf32>
    %min3A_1239 = vector.broadcast %get3A_1225 : vector<1x1024xf32> to vector<512x1024xf32>
    %min3A_1240 = arith.minimumf %min3A_1238, %min3A_1239 : vector<512x1024xf32>
    %min3A_1241 = vector.broadcast %slice3A_1215 : vector<512x1xf32> to vector<512x1024xf32>
    %min3A_1242 = vector.broadcast %get3A_1228 : vector<1x1024xf32> to vector<512x1024xf32>
    %min3A_1243 = arith.minimumf %min3A_1241, %min3A_1242 : vector<512x1024xf32>
    %sub3A_1244 = arith.subf %min3A_1240, %max3A_1234 : vector<512x1024xf32>
    %max3A_1245 = arith.constant 0.000000e+00 : f32
    %max3A_1246 = vector.broadcast %max3A_1245 : f32 to vector<512x1024xf32>
    %max3A_1247 = arith.maximumf %sub3A_1244, %max3A_1246 : vector<512x1024xf32>
    %sub3A_1248 = arith.subf %min3A_1243, %max3A_1237 : vector<512x1024xf32>
    %max3A_1249 = arith.constant 0.000000e+00 : f32
    %max3A_1250 = vector.broadcast %max3A_1249 : f32 to vector<512x1024xf32>
    %max3A_1251 = arith.maximumf %sub3A_1248, %max3A_1250 : vector<512x1024xf32>
    %mul3A_1252 = arith.mulf %max3A_1247, %max3A_1251 : vector<512x1024xf32>
    %add3A_1253 = vector.broadcast %slice3A_1216 : vector<512x1xf32> to vector<512x1024xf32>
    %add3A_1254 = vector.broadcast %get3A_1231 : vector<1x1024xf32> to vector<512x1024xf32>
    %add3A_1255 = arith.addf %add3A_1253, %add3A_1254 : vector<512x1024xf32>
    %sub3A_1256 = arith.subf %add3A_1255, %mul3A_1252 : vector<512x1024xf32>
    %div3A_1257 = arith.divf %mul3A_1252, %sub3A_1256 : vector<512x1024xf32>
    %gt3A_1258 = arith.constant 0.699999988 : f32
    %gt3A_1259 = vector.broadcast %gt3A_1258 : f32 to vector<512x1024xf32>
    %gt3A_1260 = arith.cmpf ogt, %div3A_1257, %gt3A_1259 : vector<512x1024xf32>
    %convert_element_type3A_1261 = arith.extui %gt3A_1260 : vector<512x1024xi1> to vector<512x1024xi32>
    %convert_element_type3A_1262 = arith.sitofp %convert_element_type3A_1261 : vector<512x1024xi32> to vector<512x1024xf32>
    %slice3A_1263 = vector.extract_strided_slice %convert_element_type3A_1262 {offsets = [0, 0], sizes = [512, 512], strides = [1, 1]} : vector<512x1024xf32> to vector<512x512xf32>
    %mul3A_1264 = arith.mulf %slice3A_1263, %convert_element_type3A_1 : vector<512x512xf32>
    %get3A_1265 = arith.constant 0 : index
    %get3A_1266 = arith.constant 4096 : index
    %get3A_1267 = vector.load %arg2[%get3A_1265, %get3A_1266] : memref<1x5120xf32, #tpu.memory_space<vmem>>, vector<1x512xf32>
    %dot_general3A_1268 = arith.constant dense<0.000000e+00> : vector<1x512xf32>
    %dot_general3A_1269 = tpu.matmul %get3A_1267, %mul3A_1264, %dot_general3A_1268 {dimension_numbers = #tpu.dot_dimension_numbers<[1], [0], [0], [1], [0, 0, 1, 1], [], []>, transpose_lhs_hint = false} : vector<1x512xf32>, vector<512x512xf32>, vector<1x512xf32> -> vector<1x512xf32>
    %eq3A_1270 = arith.constant 0.000000e+00 : f32
    %eq3A_1271 = vector.broadcast %eq3A_1270 : f32 to vector<1x512xf32>
    %eq3A_1272 = arith.cmpf oeq, %dot_general3A_1269, %eq3A_1271 : vector<1x512xf32>
    %convert_element_type3A_1273 = arith.extui %eq3A_1272 : vector<1x512xi1> to vector<1x512xi32>
    %convert_element_type3A_1274 = arith.sitofp %convert_element_type3A_1273 : vector<1x512xi32> to vector<1x512xf32>
    %mul3A_1275 = arith.mulf %get3A_1267, %convert_element_type3A_1274 : vector<1x512xf32>
    %dot_general3A_1276 = arith.constant dense<0.000000e+00> : vector<1x512xf32>
    %dot_general3A_1277 = tpu.matmul %mul3A_1275, %mul3A_1264, %dot_general3A_1276 {dimension_numbers = #tpu.dot_dimension_numbers<[1], [0], [0], [1], [0, 0, 1, 1], [], []>, transpose_lhs_hint = false} : vector<1x512xf32>, vector<512x512xf32>, vector<1x512xf32> -> vector<1x512xf32>
    %eq3A_1278 = arith.constant 0.000000e+00 : f32
    %eq3A_1279 = vector.broadcast %eq3A_1278 : f32 to vector<1x512xf32>
    %eq3A_1280 = arith.cmpf oeq, %dot_general3A_1277, %eq3A_1279 : vector<1x512xf32>
    %convert_element_type3A_1281 = arith.extui %eq3A_1280 : vector<1x512xi1> to vector<1x512xi32>
    %convert_element_type3A_1282 = arith.sitofp %convert_element_type3A_1281 : vector<1x512xi32> to vector<1x512xf32>
    %mul3A_1283 = arith.mulf %get3A_1267, %convert_element_type3A_1282 : vector<1x512xf32>
    %dot_general3A_1284 = arith.constant dense<0.000000e+00> : vector<1x512xf32>
    %dot_general3A_1285 = tpu.matmul %mul3A_1283, %mul3A_1264, %dot_general3A_1284 {dimension_numbers = #tpu.dot_dimension_numbers<[1], [0], [0], [1], [0, 0, 1, 1], [], []>, transpose_lhs_hint = false} : vector<1x512xf32>, vector<512x512xf32>, vector<1x512xf32> -> vector<1x512xf32>
    %eq3A_1286 = arith.constant 0.000000e+00 : f32
    %eq3A_1287 = vector.broadcast %eq3A_1286 : f32 to vector<1x512xf32>
    %eq3A_1288 = arith.cmpf oeq, %dot_general3A_1285, %eq3A_1287 : vector<1x512xf32>
    %convert_element_type3A_1289 = arith.extui %eq3A_1288 : vector<1x512xi1> to vector<1x512xi32>
    %convert_element_type3A_1290 = arith.sitofp %convert_element_type3A_1289 : vector<1x512xi32> to vector<1x512xf32>
    %mul3A_1291 = arith.mulf %get3A_1267, %convert_element_type3A_1290 : vector<1x512xf32>
    %sub3A_1292 = arith.subf %mul3A_1291, %mul3A_1283 : vector<1x512xf32>
    %abs3A_1293 = math.absf %sub3A_1292 : vector<1x512xf32>
    %add3A_1294 = arith.addf %add3A_1181, %abs3A_1293 : vector<1x512xf32>
    %swap3A_1295 = arith.constant 0 : index
    %swap3A_1296 = arith.constant 4096 : index
    %swap3A_1297 = vector.load %arg2[%swap3A_1295, %swap3A_1296] : memref<1x5120xf32, #tpu.memory_space<vmem>>, vector<1x512xf32>
    tpu.vector_store %arg2[%swap3A_1295, %swap3A_1296], %mul3A_1291 {strides = array<i32>} : memref<1x5120xf32, #tpu.memory_space<vmem>>, vector<1x512xf32>,
    %dot_general3A_1298 = arith.constant dense<0.000000e+00> : vector<1x1024xf32>
    %dot_general3A_1299 = tpu.matmul %mul3A_1291, %convert_element_type3A_1262, %dot_general3A_1298 {dimension_numbers = #tpu.dot_dimension_numbers<[1], [0], [0], [1], [0, 0, 1, 1], [], []>, transpose_lhs_hint = false} : vector<1x512xf32>, vector<512x1024xf32>, vector<1x1024xf32> -> vector<1x1024xf32>
    %gt3A_1300 = arith.constant 0.000000e+00 : f32
    %gt3A_1301 = vector.broadcast %gt3A_1300 : f32 to vector<1x1024xf32>
    %gt3A_1302 = arith.cmpf ogt, %dot_general3A_1299, %gt3A_1301 : vector<1x1024xf32>
    %slice3A_1303 = vector.extract_strided_slice %iota3A_2 {offsets = [0, 0], sizes = [1, 1024], strides = [1, 1]} : vector<1x2560xi32> to vector<1x1024xi32>
    %ge3A_1304 = arith.constant 512 : i32
    %ge3A_1305 = vector.broadcast %ge3A_1304 : i32 to vector<1x1024xi32>
    %ge3A_1306 = arith.cmpi sge, %slice3A_1303, %ge3A_1305 : vector<1x1024xi32>
    %and3A_1307 = arith.andi %gt3A_1302, %ge3A_1306 : vector<1x1024xi1>
    %get3A_1308 = arith.constant 0 : index
    %get3A_1309 = arith.constant 4096 : index
    %get3A_1310 = vector.load %arg2[%get3A_1308, %get3A_1309] : memref<1x5120xf32, #tpu.memory_space<vmem>>, vector<1x1024xf32>
    %convert_element_type3A_1311 = arith.extui %and3A_1307 : vector<1x1024xi1> to vector<1x1024xi32>
    %convert_element_type3A_1312 = arith.sitofp %convert_element_type3A_1311 : vector<1x1024xi32> to vector<1x1024xf32>
    %sub3A_1313 = arith.constant 1.000000e+00 : f32
    %sub3A_1314 = vector.broadcast %sub3A_1313 : f32 to vector<1x1024xf32>
    %sub3A_1315 = arith.subf %sub3A_1314, %convert_element_type3A_1312 : vector<1x1024xf32>
    %mul3A_1316 = arith.mulf %get3A_1310, %sub3A_1315 : vector<1x1024xf32>
    %swap3A_1317 = arith.constant 0 : index
    %swap3A_1318 = arith.constant 4096 : index
    %swap3A_1319 = vector.load %arg2[%swap3A_1317, %swap3A_1318] : memref<1x5120xf32, #tpu.memory_space<vmem>>, vector<1x1024xf32>
    tpu.vector_store %arg2[%swap3A_1317, %swap3A_1318], %mul3A_1316 {strides = array<i32>} : memref<1x5120xf32, #tpu.memory_space<vmem>>, vector<1x1024xf32>,
    %get3A_1320 = arith.constant 9 : index
    %get3A_1321 = arith.constant 0 : index
    %get3A_1322 = arith.constant 0 : index
    %get3A_1323 = vector.load %arg1[%get3A_1320, %get3A_1321, %get3A_1322] : memref<10x512x16xf32, #tpu.memory_space<vmem>>, vector<1x512x16xf32>
    %get3A_1324 = vector.shape_cast %get3A_1323 : vector<1x512x16xf32> to vector<512x16xf32>
    %slice3A_1325 = vector.extract_strided_slice %get3A_1324 {offsets = [0, 0], sizes = [512, 1], strides = [1, 1]} : vector<512x16xf32> to vector<512x1xf32>
    %slice3A_1326 = vector.extract_strided_slice %get3A_1324 {offsets = [0, 1], sizes = [512, 1], strides = [1, 1]} : vector<512x16xf32> to vector<512x1xf32>
    %slice3A_1327 = vector.extract_strided_slice %get3A_1324 {offsets = [0, 2], sizes = [512, 1], strides = [1, 1]} : vector<512x16xf32> to vector<512x1xf32>
    %slice3A_1328 = vector.extract_strided_slice %get3A_1324 {offsets = [0, 3], sizes = [512, 1], strides = [1, 1]} : vector<512x16xf32> to vector<512x1xf32>
    %slice3A_1329 = vector.extract_strided_slice %get3A_1324 {offsets = [0, 5], sizes = [512, 1], strides = [1, 1]} : vector<512x16xf32> to vector<512x1xf32>
    %get3A_1330 = arith.constant 0 : index
    %get3A_1331 = arith.constant 4608 : index
    %get3A_1332 = vector.load %arg0[%get3A_1330, %get3A_1331] : memref<8x5120xf32, #tpu.memory_space<vmem>>, vector<1x512xf32>
    %get3A_1333 = arith.constant 1 : index
    %get3A_1334 = arith.constant 4608 : index
    %get3A_1335 = vector.load %arg0[%get3A_1333, %get3A_1334] : memref<8x5120xf32, #tpu.memory_space<vmem>>, vector<1x512xf32>
    %get3A_1336 = arith.constant 2 : index
    %get3A_1337 = arith.constant 4608 : index
    %get3A_1338 = vector.load %arg0[%get3A_1336, %get3A_1337] : memref<8x5120xf32, #tpu.memory_space<vmem>>, vector<1x512xf32>
    %get3A_1339 = arith.constant 3 : index
    %get3A_1340 = arith.constant 4608 : index
    %get3A_1341 = vector.load %arg0[%get3A_1339, %get3A_1340] : memref<8x5120xf32, #tpu.memory_space<vmem>>, vector<1x512xf32>
    %get3A_1342 = arith.constant 5 : index
    %get3A_1343 = arith.constant 4608 : index
    %get3A_1344 = vector.load %arg0[%get3A_1342, %get3A_1343] : memref<8x5120xf32, #tpu.memory_space<vmem>>, vector<1x512xf32>
    %max3A_1345 = vector.broadcast %slice3A_1325 : vector<512x1xf32> to vector<512x512xf32>
    %max3A_1346 = vector.broadcast %get3A_1332 : vector<1x512xf32> to vector<512x512xf32>
    %max3A_1347 = arith.maximumf %max3A_1345, %max3A_1346 : vector<512x512xf32>
    %max3A_1348 = vector.broadcast %slice3A_1326 : vector<512x1xf32> to vector<512x512xf32>
    %max3A_1349 = vector.broadcast %get3A_1335 : vector<1x512xf32> to vector<512x512xf32>
    %max3A_1350 = arith.maximumf %max3A_1348, %max3A_1349 : vector<512x512xf32>
    %min3A_1351 = vector.broadcast %slice3A_1327 : vector<512x1xf32> to vector<512x512xf32>
    %min3A_1352 = vector.broadcast %get3A_1338 : vector<1x512xf32> to vector<512x512xf32>
    %min3A_1353 = arith.minimumf %min3A_1351, %min3A_1352 : vector<512x512xf32>
    %min3A_1354 = vector.broadcast %slice3A_1328 : vector<512x1xf32> to vector<512x512xf32>
    %min3A_1355 = vector.broadcast %get3A_1341 : vector<1x512xf32> to vector<512x512xf32>
    %min3A_1356 = arith.minimumf %min3A_1354, %min3A_1355 : vector<512x512xf32>
    %sub3A_1357 = arith.subf %min3A_1353, %max3A_1347 : vector<512x512xf32>
    %max3A_1358 = arith.constant 0.000000e+00 : f32
    %max3A_1359 = vector.broadcast %max3A_1358 : f32 to vector<512x512xf32>
    %max3A_1360 = arith.maximumf %sub3A_1357, %max3A_1359 : vector<512x512xf32>
    %sub3A_1361 = arith.subf %min3A_1356, %max3A_1350 : vector<512x512xf32>
    %max3A_1362 = arith.constant 0.000000e+00 : f32
    %max3A_1363 = vector.broadcast %max3A_1362 : f32 to vector<512x512xf32>
    %max3A_1364 = arith.maximumf %sub3A_1361, %max3A_1363 : vector<512x512xf32>
    %mul3A_1365 = arith.mulf %max3A_1360, %max3A_1364 : vector<512x512xf32>
    %add3A_1366 = vector.broadcast %slice3A_1329 : vector<512x1xf32> to vector<512x512xf32>
    %add3A_1367 = vector.broadcast %get3A_1344 : vector<1x512xf32> to vector<512x512xf32>
    %add3A_1368 = arith.addf %add3A_1366, %add3A_1367 : vector<512x512xf32>
    %sub3A_1369 = arith.subf %add3A_1368, %mul3A_1365 : vector<512x512xf32>
    %div3A_1370 = arith.divf %mul3A_1365, %sub3A_1369 : vector<512x512xf32>
    %gt3A_1371 = arith.constant 0.699999988 : f32
    %gt3A_1372 = vector.broadcast %gt3A_1371 : f32 to vector<512x512xf32>
    %gt3A_1373 = arith.cmpf ogt, %div3A_1370, %gt3A_1372 : vector<512x512xf32>
    %convert_element_type3A_1374 = arith.extui %gt3A_1373 : vector<512x512xi1> to vector<512x512xi32>
    %convert_element_type3A_1375 = arith.sitofp %convert_element_type3A_1374 : vector<512x512xi32> to vector<512x512xf32>
    %mul3A_1376 = arith.mulf %convert_element_type3A_1375, %convert_element_type3A_1 : vector<512x512xf32>
    %get3A_1377 = arith.constant 0 : index
    %get3A_1378 = arith.constant 4608 : index
    %get3A_1379 = vector.load %arg2[%get3A_1377, %get3A_1378] : memref<1x5120xf32, #tpu.memory_space<vmem>>, vector<1x512xf32>
    %dot_general3A_1380 = arith.constant dense<0.000000e+00> : vector<1x512xf32>
    %dot_general3A_1381 = tpu.matmul %get3A_1379, %mul3A_1376, %dot_general3A_1380 {dimension_numbers = #tpu.dot_dimension_numbers<[1], [0], [0], [1], [0, 0, 1, 1], [], []>, transpose_lhs_hint = false} : vector<1x512xf32>, vector<512x512xf32>, vector<1x512xf32> -> vector<1x512xf32>
    %eq3A_1382 = arith.constant 0.000000e+00 : f32
    %eq3A_1383 = vector.broadcast %eq3A_1382 : f32 to vector<1x512xf32>
    %eq3A_1384 = arith.cmpf oeq, %dot_general3A_1381, %eq3A_1383 : vector<1x512xf32>
    %convert_element_type3A_1385 = arith.extui %eq3A_1384 : vector<1x512xi1> to vector<1x512xi32>
    %convert_element_type3A_1386 = arith.sitofp %convert_element_type3A_1385 : vector<1x512xi32> to vector<1x512xf32>
    %mul3A_1387 = arith.mulf %get3A_1379, %convert_element_type3A_1386 : vector<1x512xf32>
    %dot_general3A_1388 = arith.constant dense<0.000000e+00> : vector<1x512xf32>
    %dot_general3A_1389 = tpu.matmul %mul3A_1387, %mul3A_1376, %dot_general3A_1388 {dimension_numbers = #tpu.dot_dimension_numbers<[1], [0], [0], [1], [0, 0, 1, 1], [], []>, transpose_lhs_hint = false} : vector<1x512xf32>, vector<512x512xf32>, vector<1x512xf32> -> vector<1x512xf32>
    %eq3A_1390 = arith.constant 0.000000e+00 : f32
    %eq3A_1391 = vector.broadcast %eq3A_1390 : f32 to vector<1x512xf32>
    %eq3A_1392 = arith.cmpf oeq, %dot_general3A_1389, %eq3A_1391 : vector<1x512xf32>
    %convert_element_type3A_1393 = arith.extui %eq3A_1392 : vector<1x512xi1> to vector<1x512xi32>
    %convert_element_type3A_1394 = arith.sitofp %convert_element_type3A_1393 : vector<1x512xi32> to vector<1x512xf32>
    %mul3A_1395 = arith.mulf %get3A_1379, %convert_element_type3A_1394 : vector<1x512xf32>
    %dot_general3A_1396 = arith.constant dense<0.000000e+00> : vector<1x512xf32>
    %dot_general3A_1397 = tpu.matmul %mul3A_1395, %mul3A_1376, %dot_general3A_1396 {dimension_numbers = #tpu.dot_dimension_numbers<[1], [0], [0], [1], [0, 0, 1, 1], [], []>, transpose_lhs_hint = false} : vector<1x512xf32>, vector<512x512xf32>, vector<1x512xf32> -> vector<1x512xf32>
    %eq3A_1398 = arith.constant 0.000000e+00 : f32
    %eq3A_1399 = vector.broadcast %eq3A_1398 : f32 to vector<1x512xf32>
    %eq3A_1400 = arith.cmpf oeq, %dot_general3A_1397, %eq3A_1399 : vector<1x512xf32>
    %convert_element_type3A_1401 = arith.extui %eq3A_1400 : vector<1x512xi1> to vector<1x512xi32>
    %convert_element_type3A_1402 = arith.sitofp %convert_element_type3A_1401 : vector<1x512xi32> to vector<1x512xf32>
    %mul3A_1403 = arith.mulf %get3A_1379, %convert_element_type3A_1402 : vector<1x512xf32>
    %sub3A_1404 = arith.subf %mul3A_1403, %mul3A_1395 : vector<1x512xf32>
    %abs3A_1405 = math.absf %sub3A_1404 : vector<1x512xf32>
    %add3A_1406 = arith.addf %add3A_1294, %abs3A_1405 : vector<1x512xf32>
    %swap3A_1407 = arith.constant 0 : index
    %swap3A_1408 = arith.constant 4608 : index
    %swap3A_1409 = vector.load %arg2[%swap3A_1407, %swap3A_1408] : memref<1x5120xf32, #tpu.memory_space<vmem>>, vector<1x512xf32>
    tpu.vector_store %arg2[%swap3A_1407, %swap3A_1408], %mul3A_1403 {strides = array<i32>} : memref<1x5120xf32, #tpu.memory_space<vmem>>, vector<1x512xf32>,
    %dot_general3A_1410 = arith.constant dense<0.000000e+00> : vector<1x512xf32>
    %dot_general3A_1411 = tpu.matmul %mul3A_1403, %convert_element_type3A_1375, %dot_general3A_1410 {dimension_numbers = #tpu.dot_dimension_numbers<[1], [0], [0], [1], [0, 0, 1, 1], [], []>, transpose_lhs_hint = false} : vector<1x512xf32>, vector<512x512xf32>, vector<1x512xf32> -> vector<1x512xf32>
    %gt3A_1412 = arith.constant 0.000000e+00 : f32
    %gt3A_1413 = vector.broadcast %gt3A_1412 : f32 to vector<1x512xf32>
    %gt3A_1414 = arith.cmpf ogt, %dot_general3A_1411, %gt3A_1413 : vector<1x512xf32>
    %slice3A_1415 = vector.extract_strided_slice %iota3A_2 {offsets = [0, 0], sizes = [1, 512], strides = [1, 1]} : vector<1x2560xi32> to vector<1x512xi32>
    %ge3A_1416 = arith.constant 512 : i32
    %ge3A_1417 = vector.broadcast %ge3A_1416 : i32 to vector<1x512xi32>
    %ge3A_1418 = arith.cmpi sge, %slice3A_1415, %ge3A_1417 : vector<1x512xi32>
    %and3A_1419 = arith.andi %gt3A_1414, %ge3A_1418 : vector<1x512xi1>
    %get3A_1420 = arith.constant 0 : index
    %get3A_1421 = arith.constant 4608 : index
    %get3A_1422 = vector.load %arg2[%get3A_1420, %get3A_1421] : memref<1x5120xf32, #tpu.memory_space<vmem>>, vector<1x512xf32>
    %convert_element_type3A_1423 = arith.extui %and3A_1419 : vector<1x512xi1> to vector<1x512xi32>
    %convert_element_type3A_1424 = arith.sitofp %convert_element_type3A_1423 : vector<1x512xi32> to vector<1x512xf32>
    %sub3A_1425 = arith.constant 1.000000e+00 : f32
    %sub3A_1426 = vector.broadcast %sub3A_1425 : f32 to vector<1x512xf32>
    %sub3A_1427 = arith.subf %sub3A_1426, %convert_element_type3A_1424 : vector<1x512xf32>
    %mul3A_1428 = arith.mulf %get3A_1422, %sub3A_1427 : vector<1x512xf32>
    %swap3A_1429 = arith.constant 0 : index
    %swap3A_1430 = arith.constant 4608 : index
    %swap3A_1431 = vector.load %arg2[%swap3A_1429, %swap3A_1430] : memref<1x5120xf32, #tpu.memory_space<vmem>>, vector<1x512xf32>
    tpu.vector_store %arg2[%swap3A_1429, %swap3A_1430], %mul3A_1428 {strides = array<i32>} : memref<1x5120xf32, #tpu.memory_space<vmem>>, vector<1x512xf32>,
    %gt3A_1432 = arith.constant 0.000000e+00 : f32
    %gt3A_1433 = vector.broadcast %gt3A_1432 : f32 to vector<1x512xf32>
    %gt3A_1434 = arith.cmpf ogt, %add3A_1406, %gt3A_1433 : vector<1x512xf32>
    %reduce_or3A = arith.constant 1.000000e+00 : f32
    %reduce_or3A_1435 = arith.constant 0.000000e+00 : f32
    %reduce_or3A_1436 = vector.broadcast %reduce_or3A : f32 to vector<1x512xf32>
    %reduce_or3A_1437 = vector.broadcast %reduce_or3A_1435 : f32 to vector<1x512xf32>
    %reduce_or3A_1438 = arith.select %gt3A_1434, %reduce_or3A_1436, %reduce_or3A_1437 : vector<1x512xi1>, vector<1x512xf32>
    %reduce_or3A_1439 = vector.shape_cast %reduce_or3A_1438 : vector<1x512xf32> to vector<1x1x512xf32>
    %reduce_or3A_1440 = arith.constant dense<0xFF800000> : vector<1xf32>
    %reduce_or3A_1441 = vector.multi_reduction <maximumf>, %reduce_or3A_1439, %reduce_or3A_1440 [1, 2] : vector<1x1x512xf32> to vector<1xf32>
    %reduce_or3A_1442 = vector.shape_cast %reduce_or3A_1441 : vector<1xf32> to vector<1x1x1xf32>
    %reduce_or3A_1443 = vector.extract %reduce_or3A_1442[0, 0, 0] : f32 from vector<1x1x1xf32>
    %reduce_or3A_1444 = arith.constant 0.000000e+00 : f32
    %reduce_or3A_1445 = arith.cmpf ogt, %reduce_or3A_1443, %reduce_or3A_1444 : f32
    %convert_element_type3A_1446 = arith.extui %reduce_or3A_1445 : i1 to i32
    %cond3A = arith.constant 0 : i32
    %cond3A_1447 = arith.cmpi ne, %convert_element_type3A_1446, %cond3A : i32
    scf.if %cond3A_1447 {
      %broadcast_in_dim3A_1448 = arith.constant 1.000000e+00 : f32
      %broadcast_in_dim3A_1449 = vector.broadcast %broadcast_in_dim3A_1448 : f32 to vector<1x5120xf32>
      %swap3A_1450 = arith.constant 0 : index
      %swap3A_1451 = arith.constant 0 : index
      %swap3A_1452 = vector.load %arg2[%swap3A_1450, %swap3A_1451] : memref<1x5120xf32, #tpu.memory_space<vmem>>, vector<1x5120xf32>
      tpu.vector_store %arg2[%swap3A_1450, %swap3A_1451], %broadcast_in_dim3A_1449 {strides = array<i32>} : memref<1x5120xf32, #tpu.memory_space<vmem>>, vector<1x5120xf32>,
      %get3A_1453 = arith.constant 0 : index
      %get3A_1454 = arith.constant 0 : index
      %get3A_1455 = arith.constant 0 : index
      %get3A_1456 = vector.load %arg1[%get3A_1453, %get3A_1454, %get3A_1455] : memref<10x512x16xf32, #tpu.memory_space<vmem>>, vector<1x512x16xf32>
      %get3A_1457 = vector.shape_cast %get3A_1456 : vector<1x512x16xf32> to vector<512x16xf32>
      %slice3A_1458 = vector.extract_strided_slice %get3A_1457 {offsets = [0, 0], sizes = [512, 1], strides = [1, 1]} : vector<512x16xf32> to vector<512x1xf32>
      %slice3A_1459 = vector.extract_strided_slice %get3A_1457 {offsets = [0, 1], sizes = [512, 1], strides = [1, 1]} : vector<512x16xf32> to vector<512x1xf32>
      %slice3A_1460 = vector.extract_strided_slice %get3A_1457 {offsets = [0, 2], sizes = [512, 1], strides = [1, 1]} : vector<512x16xf32> to vector<512x1xf32>
      %slice3A_1461 = vector.extract_strided_slice %get3A_1457 {offsets = [0, 3], sizes = [512, 1], strides = [1, 1]} : vector<512x16xf32> to vector<512x1xf32>
      %slice3A_1462 = vector.extract_strided_slice %get3A_1457 {offsets = [0, 5], sizes = [512, 1], strides = [1, 1]} : vector<512x16xf32> to vector<512x1xf32>
      %get3A_1463 = arith.constant 0 : index
      %get3A_1464 = arith.constant 0 : index
      %get3A_1465 = vector.load %arg0[%get3A_1463, %get3A_1464] : memref<8x5120xf32, #tpu.memory_space<vmem>>, vector<1x2560xf32>
      %get3A_1466 = arith.constant 1 : index
      %get3A_1467 = arith.constant 0 : index
      %get3A_1468 = vector.load %arg0[%get3A_1466, %get3A_1467] : memref<8x5120xf32, #tpu.memory_space<vmem>>, vector<1x2560xf32>
      %get3A_1469 = arith.constant 2 : index
      %get3A_1470 = arith.constant 0 : index
      %get3A_1471 = vector.load %arg0[%get3A_1469, %get3A_1470] : memref<8x5120xf32, #tpu.memory_space<vmem>>, vector<1x2560xf32>
      %get3A_1472 = arith.constant 3 : index
      %get3A_1473 = arith.constant 0 : index
      %get3A_1474 = vector.load %arg0[%get3A_1472, %get3A_1473] : memref<8x5120xf32, #tpu.memory_space<vmem>>, vector<1x2560xf32>
      %get3A_1475 = arith.constant 5 : index
      %get3A_1476 = arith.constant 0 : index
      %get3A_1477 = vector.load %arg0[%get3A_1475, %get3A_1476] : memref<8x5120xf32, #tpu.memory_space<vmem>>, vector<1x2560xf32>
      %max3A_1478 = vector.broadcast %slice3A_1458 : vector<512x1xf32> to vector<512x2560xf32>
      %max3A_1479 = vector.broadcast %get3A_1465 : vector<1x2560xf32> to vector<512x2560xf32>
      %max3A_1480 = arith.maximumf %max3A_1478, %max3A_1479 : vector<512x2560xf32>
      %max3A_1481 = vector.broadcast %slice3A_1459 : vector<512x1xf32> to vector<512x2560xf32>
      %max3A_1482 = vector.broadcast %get3A_1468 : vector<1x2560xf32> to vector<512x2560xf32>
      %max3A_1483 = arith.maximumf %max3A_1481, %max3A_1482 : vector<512x2560xf32>
      %min3A_1484 = vector.broadcast %slice3A_1460 : vector<512x1xf32> to vector<512x2560xf32>
      %min3A_1485 = vector.broadcast %get3A_1471 : vector<1x2560xf32> to vector<512x2560xf32>
      %min3A_1486 = arith.minimumf %min3A_1484, %min3A_1485 : vector<512x2560xf32>
      %min3A_1487 = vector.broadcast %slice3A_1461 : vector<512x1xf32> to vector<512x2560xf32>
      %min3A_1488 = vector.broadcast %get3A_1474 : vector<1x2560xf32> to vector<512x2560xf32>
      %min3A_1489 = arith.minimumf %min3A_1487, %min3A_1488 : vector<512x2560xf32>
      %sub3A_1490 = arith.subf %min3A_1486, %max3A_1480 : vector<512x2560xf32>
      %max3A_1491 = arith.constant 0.000000e+00 : f32
      %max3A_1492 = vector.broadcast %max3A_1491 : f32 to vector<512x2560xf32>
      %max3A_1493 = arith.maximumf %sub3A_1490, %max3A_1492 : vector<512x2560xf32>
      %sub3A_1494 = arith.subf %min3A_1489, %max3A_1483 : vector<512x2560xf32>
      %max3A_1495 = arith.constant 0.000000e+00 : f32
      %max3A_1496 = vector.broadcast %max3A_1495 : f32 to vector<512x2560xf32>
      %max3A_1497 = arith.maximumf %sub3A_1494, %max3A_1496 : vector<512x2560xf32>
      %mul3A_1498 = arith.mulf %max3A_1493, %max3A_1497 : vector<512x2560xf32>
      %add3A_1499 = vector.broadcast %slice3A_1462 : vector<512x1xf32> to vector<512x2560xf32>
      %add3A_1500 = vector.broadcast %get3A_1477 : vector<1x2560xf32> to vector<512x2560xf32>
      %add3A_1501 = arith.addf %add3A_1499, %add3A_1500 : vector<512x2560xf32>
      %sub3A_1502 = arith.subf %add3A_1501, %mul3A_1498 : vector<512x2560xf32>
      %div3A_1503 = arith.divf %mul3A_1498, %sub3A_1502 : vector<512x2560xf32>
      %gt3A_1504 = arith.constant 0.699999988 : f32
      %gt3A_1505 = vector.broadcast %gt3A_1504 : f32 to vector<512x2560xf32>
      %gt3A_1506 = arith.cmpf ogt, %div3A_1503, %gt3A_1505 : vector<512x2560xf32>
      %convert_element_type3A_1507 = arith.extui %gt3A_1506 : vector<512x2560xi1> to vector<512x2560xi32>
      %convert_element_type3A_1508 = arith.sitofp %convert_element_type3A_1507 : vector<512x2560xi32> to vector<512x2560xf32>
      %slice3A_1509 = vector.extract_strided_slice %convert_element_type3A_1508 {offsets = [0, 0], sizes = [512, 512], strides = [1, 1]} : vector<512x2560xf32> to vector<512x512xf32>
      %mul3A_1510 = arith.mulf %slice3A_1509, %convert_element_type3A_1 : vector<512x512xf32>
      %get3A_1511 = arith.constant 0 : index
      %get3A_1512 = arith.constant 0 : index
      %get3A_1513 = vector.load %arg2[%get3A_1511, %get3A_1512] : memref<1x5120xf32, #tpu.memory_space<vmem>>, vector<1x512xf32>
      %dot_general3A_1514 = arith.constant dense<0.000000e+00> : vector<1x512xf32>
      %dot_general3A_1515 = tpu.matmul %get3A_1513, %mul3A_1510, %dot_general3A_1514 {dimension_numbers = #tpu.dot_dimension_numbers<[1], [0], [0], [1], [0, 0, 1, 1], [], []>, transpose_lhs_hint = false} : vector<1x512xf32>, vector<512x512xf32>, vector<1x512xf32> -> vector<1x512xf32>
      %eq3A_1516 = arith.constant 0.000000e+00 : f32
      %eq3A_1517 = vector.broadcast %eq3A_1516 : f32 to vector<1x512xf32>
      %eq3A_1518 = arith.cmpf oeq, %dot_general3A_1515, %eq3A_1517 : vector<1x512xf32>
      %convert_element_type3A_1519 = arith.extui %eq3A_1518 : vector<1x512xi1> to vector<1x512xi32>
      %convert_element_type3A_1520 = arith.sitofp %convert_element_type3A_1519 : vector<1x512xi32> to vector<1x512xf32>
      %mul3A_1521 = arith.mulf %get3A_1513, %convert_element_type3A_1520 : vector<1x512xf32>
      %dot_general3A_1522 = arith.constant dense<0.000000e+00> : vector<1x512xf32>
      %dot_general3A_1523 = tpu.matmul %mul3A_1521, %mul3A_1510, %dot_general3A_1522 {dimension_numbers = #tpu.dot_dimension_numbers<[1], [0], [0], [1], [0, 0, 1, 1], [], []>, transpose_lhs_hint = false} : vector<1x512xf32>, vector<512x512xf32>, vector<1x512xf32> -> vector<1x512xf32>
      %eq3A_1524 = arith.constant 0.000000e+00 : f32
      %eq3A_1525 = vector.broadcast %eq3A_1524 : f32 to vector<1x512xf32>
      %eq3A_1526 = arith.cmpf oeq, %dot_general3A_1523, %eq3A_1525 : vector<1x512xf32>
      %convert_element_type3A_1527 = arith.extui %eq3A_1526 : vector<1x512xi1> to vector<1x512xi32>
      %convert_element_type3A_1528 = arith.sitofp %convert_element_type3A_1527 : vector<1x512xi32> to vector<1x512xf32>
      %mul3A_1529 = arith.mulf %get3A_1513, %convert_element_type3A_1528 : vector<1x512xf32>
      %ne3A = arith.cmpf one, %mul3A_1529, %mul3A_1521 : vector<1x512xf32>
      %reduce_or3A_1530 = arith.constant 1.000000e+00 : f32
      %reduce_or3A_1531 = arith.constant 0.000000e+00 : f32
      %reduce_or3A_1532 = vector.broadcast %reduce_or3A_1530 : f32 to vector<1x512xf32>
      %reduce_or3A_1533 = vector.broadcast %reduce_or3A_1531 : f32 to vector<1x512xf32>
      %reduce_or3A_1534 = arith.select %ne3A, %reduce_or3A_1532, %reduce_or3A_1533 : vector<1x512xi1>, vector<1x512xf32>
      %reduce_or3A_1535 = vector.shape_cast %reduce_or3A_1534 : vector<1x512xf32> to vector<1x1x512xf32>
      %reduce_or3A_1536 = arith.constant dense<0xFF800000> : vector<1xf32>
      %reduce_or3A_1537 = vector.multi_reduction <maximumf>, %reduce_or3A_1535, %reduce_or3A_1536 [1, 2] : vector<1x1x512xf32> to vector<1xf32>
      %reduce_or3A_1538 = vector.shape_cast %reduce_or3A_1537 : vector<1xf32> to vector<1x1x1xf32>
      %reduce_or3A_1539 = vector.extract %reduce_or3A_1538[0, 0, 0] : f32 from vector<1x1x1xf32>
      %reduce_or3A_1540 = arith.constant 0.000000e+00 : f32
      %reduce_or3A_1541 = arith.cmpf ogt, %reduce_or3A_1539, %reduce_or3A_1540 : f32
      %while3A:2 = scf.while (%while3A_2919 = %mul3A_1529, %while3A_2920 = %reduce_or3A_1541) : (vector<1x512xf32>, i1) -> (vector<1x512xf32>, i1) {
        scf.condition(%while3A_2920) %while3A_2919, %while3A_2920 : vector<1x512xf32>, i1
      } do {
      ^bb0(%while3A_2919: vector<1x512xf32>, %while3A_2920: i1):
        %dot_general3A_2921 = arith.constant dense<0.000000e+00> : vector<1x512xf32>
        %dot_general3A_2922 = tpu.matmul %while3A_2919, %mul3A_1510, %dot_general3A_2921 {dimension_numbers = #tpu.dot_dimension_numbers<[1], [0], [0], [1], [0, 0, 1, 1], [], []>, transpose_lhs_hint = false} : vector<1x512xf32>, vector<512x512xf32>, vector<1x512xf32> -> vector<1x512xf32>
        %eq3A_2923 = arith.constant 0.000000e+00 : f32
        %eq3A_2924 = vector.broadcast %eq3A_2923 : f32 to vector<1x512xf32>
        %eq3A_2925 = arith.cmpf oeq, %dot_general3A_2922, %eq3A_2924 : vector<1x512xf32>
        %convert_element_type3A_2926 = arith.extui %eq3A_2925 : vector<1x512xi1> to vector<1x512xi32>
        %convert_element_type3A_2927 = arith.sitofp %convert_element_type3A_2926 : vector<1x512xi32> to vector<1x512xf32>
        %mul3A_2928 = arith.mulf %get3A_1513, %convert_element_type3A_2927 : vector<1x512xf32>
        %ne3A_2929 = arith.cmpf one, %mul3A_2928, %while3A_2919 : vector<1x512xf32>
        %reduce_or3A_2930 = arith.constant 1.000000e+00 : f32
        %reduce_or3A_2931 = arith.constant 0.000000e+00 : f32
        %reduce_or3A_2932 = vector.broadcast %reduce_or3A_2930 : f32 to vector<1x512xf32>
        %reduce_or3A_2933 = vector.broadcast %reduce_or3A_2931 : f32 to vector<1x512xf32>
        %reduce_or3A_2934 = arith.select %ne3A_2929, %reduce_or3A_2932, %reduce_or3A_2933 : vector<1x512xi1>, vector<1x512xf32>
        %reduce_or3A_2935 = vector.shape_cast %reduce_or3A_2934 : vector<1x512xf32> to vector<1x1x512xf32>
        %reduce_or3A_2936 = arith.constant dense<0xFF800000> : vector<1xf32>
        %reduce_or3A_2937 = vector.multi_reduction <maximumf>, %reduce_or3A_2935, %reduce_or3A_2936 [1, 2] : vector<1x1x512xf32> to vector<1xf32>
        %reduce_or3A_2938 = vector.shape_cast %reduce_or3A_2937 : vector<1xf32> to vector<1x1x1xf32>
        %reduce_or3A_2939 = vector.extract %reduce_or3A_2938[0, 0, 0] : f32 from vector<1x1x1xf32>
        %reduce_or3A_2940 = arith.constant 0.000000e+00 : f32
        %reduce_or3A_2941 = arith.cmpf ogt, %reduce_or3A_2939, %reduce_or3A_2940 : f32
        scf.yield %mul3A_2928, %reduce_or3A_2941 : vector<1x512xf32>, i1
      }
      %swap3A_1542 = arith.constant 0 : index
      %swap3A_1543 = arith.constant 0 : index
      %swap3A_1544 = vector.load %arg2[%swap3A_1542, %swap3A_1543] : memref<1x5120xf32, #tpu.memory_space<vmem>>, vector<1x512xf32>
      tpu.vector_store %arg2[%swap3A_1542, %swap3A_1543], %while3A#0 {strides = array<i32>} : memref<1x5120xf32, #tpu.memory_space<vmem>>, vector<1x512xf32>,
      %dot_general3A_1545 = arith.constant dense<0.000000e+00> : vector<1x2560xf32>
      %dot_general3A_1546 = tpu.matmul %while3A#0, %convert_element_type3A_1508, %dot_general3A_1545 {dimension_numbers = #tpu.dot_dimension_numbers<[1], [0], [0], [1], [0, 0, 1, 1], [], []>, transpose_lhs_hint = false} : vector<1x512xf32>, vector<512x2560xf32>, vector<1x2560xf32> -> vector<1x2560xf32>
      %gt3A_1547 = arith.constant 0.000000e+00 : f32
      %gt3A_1548 = vector.broadcast %gt3A_1547 : f32 to vector<1x2560xf32>
      %gt3A_1549 = arith.cmpf ogt, %dot_general3A_1546, %gt3A_1548 : vector<1x2560xf32>
      %ge3A_1550 = arith.constant 512 : i32
      %ge3A_1551 = vector.broadcast %ge3A_1550 : i32 to vector<1x2560xi32>
      %ge3A_1552 = arith.cmpi sge, %iota3A_2, %ge3A_1551 : vector<1x2560xi32>
      %and3A_1553 = arith.andi %gt3A_1549, %ge3A_1552 : vector<1x2560xi1>
      %get3A_1554 = arith.constant 0 : index
      %get3A_1555 = arith.constant 0 : index
      %get3A_1556 = vector.load %arg2[%get3A_1554, %get3A_1555] : memref<1x5120xf32, #tpu.memory_space<vmem>>, vector<1x2560xf32>
      %convert_element_type3A_1557 = arith.extui %and3A_1553 : vector<1x2560xi1> to vector<1x2560xi32>
      %convert_element_type3A_1558 = arith.sitofp %convert_element_type3A_1557 : vector<1x2560xi32> to vector<1x2560xf32>
      %sub3A_1559 = arith.constant 1.000000e+00 : f32
      %sub3A_1560 = vector.broadcast %sub3A_1559 : f32 to vector<1x2560xf32>
      %sub3A_1561 = arith.subf %sub3A_1560, %convert_element_type3A_1558 : vector<1x2560xf32>
      %mul3A_1562 = arith.mulf %get3A_1556, %sub3A_1561 : vector<1x2560xf32>
      %swap3A_1563 = arith.constant 0 : index
      %swap3A_1564 = arith.constant 0 : index
      %swap3A_1565 = vector.load %arg2[%swap3A_1563, %swap3A_1564] : memref<1x5120xf32, #tpu.memory_space<vmem>>, vector<1x2560xf32>
      tpu.vector_store %arg2[%swap3A_1563, %swap3A_1564], %mul3A_1562 {strides = array<i32>} : memref<1x5120xf32, #tpu.memory_space<vmem>>, vector<1x2560xf32>,
      %get3A_1566 = arith.constant 0 : index
      %get3A_1567 = arith.constant 2560 : index
      %get3A_1568 = vector.load %arg0[%get3A_1566, %get3A_1567] : memref<8x5120xf32, #tpu.memory_space<vmem>>, vector<1x2560xf32>
      %get3A_1569 = arith.constant 1 : index
      %get3A_1570 = arith.constant 2560 : index
      %get3A_1571 = vector.load %arg0[%get3A_1569, %get3A_1570] : memref<8x5120xf32, #tpu.memory_space<vmem>>, vector<1x2560xf32>
      %get3A_1572 = arith.constant 2 : index
      %get3A_1573 = arith.constant 2560 : index
      %get3A_1574 = vector.load %arg0[%get3A_1572, %get3A_1573] : memref<8x5120xf32, #tpu.memory_space<vmem>>, vector<1x2560xf32>
      %get3A_1575 = arith.constant 3 : index
      %get3A_1576 = arith.constant 2560 : index
      %get3A_1577 = vector.load %arg0[%get3A_1575, %get3A_1576] : memref<8x5120xf32, #tpu.memory_space<vmem>>, vector<1x2560xf32>
      %get3A_1578 = arith.constant 5 : index
      %get3A_1579 = arith.constant 2560 : index
      %get3A_1580 = vector.load %arg0[%get3A_1578, %get3A_1579] : memref<8x5120xf32, #tpu.memory_space<vmem>>, vector<1x2560xf32>
      %max3A_1581 = vector.broadcast %slice3A_1458 : vector<512x1xf32> to vector<512x2560xf32>
      %max3A_1582 = vector.broadcast %get3A_1568 : vector<1x2560xf32> to vector<512x2560xf32>
      %max3A_1583 = arith.maximumf %max3A_1581, %max3A_1582 : vector<512x2560xf32>
      %max3A_1584 = vector.broadcast %slice3A_1459 : vector<512x1xf32> to vector<512x2560xf32>
      %max3A_1585 = vector.broadcast %get3A_1571 : vector<1x2560xf32> to vector<512x2560xf32>
      %max3A_1586 = arith.maximumf %max3A_1584, %max3A_1585 : vector<512x2560xf32>
      %min3A_1587 = vector.broadcast %slice3A_1460 : vector<512x1xf32> to vector<512x2560xf32>
      %min3A_1588 = vector.broadcast %get3A_1574 : vector<1x2560xf32> to vector<512x2560xf32>
      %min3A_1589 = arith.minimumf %min3A_1587, %min3A_1588 : vector<512x2560xf32>
      %min3A_1590 = vector.broadcast %slice3A_1461 : vector<512x1xf32> to vector<512x2560xf32>
      %min3A_1591 = vector.broadcast %get3A_1577 : vector<1x2560xf32> to vector<512x2560xf32>
      %min3A_1592 = arith.minimumf %min3A_1590, %min3A_1591 : vector<512x2560xf32>
      %sub3A_1593 = arith.subf %min3A_1589, %max3A_1583 : vector<512x2560xf32>
      %max3A_1594 = arith.constant 0.000000e+00 : f32
      %max3A_1595 = vector.broadcast %max3A_1594 : f32 to vector<512x2560xf32>
      %max3A_1596 = arith.maximumf %sub3A_1593, %max3A_1595 : vector<512x2560xf32>
      %sub3A_1597 = arith.subf %min3A_1592, %max3A_1586 : vector<512x2560xf32>
      %max3A_1598 = arith.constant 0.000000e+00 : f32
      %max3A_1599 = vector.broadcast %max3A_1598 : f32 to vector<512x2560xf32>
      %max3A_1600 = arith.maximumf %sub3A_1597, %max3A_1599 : vector<512x2560xf32>
      %mul3A_1601 = arith.mulf %max3A_1596, %max3A_1600 : vector<512x2560xf32>
      %add3A_1602 = vector.broadcast %slice3A_1462 : vector<512x1xf32> to vector<512x2560xf32>
      %add3A_1603 = vector.broadcast %get3A_1580 : vector<1x2560xf32> to vector<512x2560xf32>
      %add3A_1604 = arith.addf %add3A_1602, %add3A_1603 : vector<512x2560xf32>
      %sub3A_1605 = arith.subf %add3A_1604, %mul3A_1601 : vector<512x2560xf32>
      %div3A_1606 = arith.divf %mul3A_1601, %sub3A_1605 : vector<512x2560xf32>
      %gt3A_1607 = arith.constant 0.699999988 : f32
      %gt3A_1608 = vector.broadcast %gt3A_1607 : f32 to vector<512x2560xf32>
      %gt3A_1609 = arith.cmpf ogt, %div3A_1606, %gt3A_1608 : vector<512x2560xf32>
      %convert_element_type3A_1610 = arith.extui %gt3A_1609 : vector<512x2560xi1> to vector<512x2560xi32>
      %convert_element_type3A_1611 = arith.sitofp %convert_element_type3A_1610 : vector<512x2560xi32> to vector<512x2560xf32>
      %dot_general3A_1612 = arith.constant dense<0.000000e+00> : vector<1x2560xf32>
      %dot_general3A_1613 = tpu.matmul %while3A#0, %convert_element_type3A_1611, %dot_general3A_1612 {dimension_numbers = #tpu.dot_dimension_numbers<[1], [0], [0], [1], [0, 0, 1, 1], [], []>, transpose_lhs_hint = false} : vector<1x512xf32>, vector<512x2560xf32>, vector<1x2560xf32> -> vector<1x2560xf32>
      %gt3A_1614 = arith.constant 0.000000e+00 : f32
      %gt3A_1615 = vector.broadcast %gt3A_1614 : f32 to vector<1x2560xf32>
      %gt3A_1616 = arith.cmpf ogt, %dot_general3A_1613, %gt3A_1615 : vector<1x2560xf32>
      %get3A_1617 = arith.constant 0 : index
      %get3A_1618 = arith.constant 2560 : index
      %get3A_1619 = vector.load %arg2[%get3A_1617, %get3A_1618] : memref<1x5120xf32, #tpu.memory_space<vmem>>, vector<1x2560xf32>
      %convert_element_type3A_1620 = arith.extui %gt3A_1616 : vector<1x2560xi1> to vector<1x2560xi32>
      %convert_element_type3A_1621 = arith.sitofp %convert_element_type3A_1620 : vector<1x2560xi32> to vector<1x2560xf32>
      %sub3A_1622 = arith.constant 1.000000e+00 : f32
      %sub3A_1623 = vector.broadcast %sub3A_1622 : f32 to vector<1x2560xf32>
      %sub3A_1624 = arith.subf %sub3A_1623, %convert_element_type3A_1621 : vector<1x2560xf32>
      %mul3A_1625 = arith.mulf %get3A_1619, %sub3A_1624 : vector<1x2560xf32>
      %swap3A_1626 = arith.constant 0 : index
      %swap3A_1627 = arith.constant 2560 : index
      %swap3A_1628 = vector.load %arg2[%swap3A_1626, %swap3A_1627] : memref<1x5120xf32, #tpu.memory_space<vmem>>, vector<1x2560xf32>
      tpu.vector_store %arg2[%swap3A_1626, %swap3A_1627], %mul3A_1625 {strides = array<i32>} : memref<1x5120xf32, #tpu.memory_space<vmem>>, vector<1x2560xf32>,
      %get3A_1629 = arith.constant 1 : index
      %get3A_1630 = arith.constant 0 : index
      %get3A_1631 = arith.constant 0 : index
      %get3A_1632 = vector.load %arg1[%get3A_1629, %get3A_1630, %get3A_1631] : memref<10x512x16xf32, #tpu.memory_space<vmem>>, vector<1x512x16xf32>
      %get3A_1633 = vector.shape_cast %get3A_1632 : vector<1x512x16xf32> to vector<512x16xf32>
      %slice3A_1634 = vector.extract_strided_slice %get3A_1633 {offsets = [0, 0], sizes = [512, 1], strides = [1, 1]} : vector<512x16xf32> to vector<512x1xf32>
      %slice3A_1635 = vector.extract_strided_slice %get3A_1633 {offsets = [0, 1], sizes = [512, 1], strides = [1, 1]} : vector<512x16xf32> to vector<512x1xf32>
      %slice3A_1636 = vector.extract_strided_slice %get3A_1633 {offsets = [0, 2], sizes = [512, 1], strides = [1, 1]} : vector<512x16xf32> to vector<512x1xf32>
      %slice3A_1637 = vector.extract_strided_slice %get3A_1633 {offsets = [0, 3], sizes = [512, 1], strides = [1, 1]} : vector<512x16xf32> to vector<512x1xf32>
      %slice3A_1638 = vector.extract_strided_slice %get3A_1633 {offsets = [0, 5], sizes = [512, 1], strides = [1, 1]} : vector<512x16xf32> to vector<512x1xf32>
      %get3A_1639 = arith.constant 0 : index
      %get3A_1640 = arith.constant 512 : index
      %get3A_1641 = vector.load %arg0[%get3A_1639, %get3A_1640] : memref<8x5120xf32, #tpu.memory_space<vmem>>, vector<1x2560xf32>
      %get3A_1642 = arith.constant 1 : index
      %get3A_1643 = arith.constant 512 : index
      %get3A_1644 = vector.load %arg0[%get3A_1642, %get3A_1643] : memref<8x5120xf32, #tpu.memory_space<vmem>>, vector<1x2560xf32>
      %get3A_1645 = arith.constant 2 : index
      %get3A_1646 = arith.constant 512 : index
      %get3A_1647 = vector.load %arg0[%get3A_1645, %get3A_1646] : memref<8x5120xf32, #tpu.memory_space<vmem>>, vector<1x2560xf32>
      %get3A_1648 = arith.constant 3 : index
      %get3A_1649 = arith.constant 512 : index
      %get3A_1650 = vector.load %arg0[%get3A_1648, %get3A_1649] : memref<8x5120xf32, #tpu.memory_space<vmem>>, vector<1x2560xf32>
      %get3A_1651 = arith.constant 5 : index
      %get3A_1652 = arith.constant 512 : index
      %get3A_1653 = vector.load %arg0[%get3A_1651, %get3A_1652] : memref<8x5120xf32, #tpu.memory_space<vmem>>, vector<1x2560xf32>
      %max3A_1654 = vector.broadcast %slice3A_1634 : vector<512x1xf32> to vector<512x2560xf32>
      %max3A_1655 = vector.broadcast %get3A_1641 : vector<1x2560xf32> to vector<512x2560xf32>
      %max3A_1656 = arith.maximumf %max3A_1654, %max3A_1655 : vector<512x2560xf32>
      %max3A_1657 = vector.broadcast %slice3A_1635 : vector<512x1xf32> to vector<512x2560xf32>
      %max3A_1658 = vector.broadcast %get3A_1644 : vector<1x2560xf32> to vector<512x2560xf32>
      %max3A_1659 = arith.maximumf %max3A_1657, %max3A_1658 : vector<512x2560xf32>
      %min3A_1660 = vector.broadcast %slice3A_1636 : vector<512x1xf32> to vector<512x2560xf32>
      %min3A_1661 = vector.broadcast %get3A_1647 : vector<1x2560xf32> to vector<512x2560xf32>
      %min3A_1662 = arith.minimumf %min3A_1660, %min3A_1661 : vector<512x2560xf32>
      %min3A_1663 = vector.broadcast %slice3A_1637 : vector<512x1xf32> to vector<512x2560xf32>
      %min3A_1664 = vector.broadcast %get3A_1650 : vector<1x2560xf32> to vector<512x2560xf32>
      %min3A_1665 = arith.minimumf %min3A_1663, %min3A_1664 : vector<512x2560xf32>
      %sub3A_1666 = arith.subf %min3A_1662, %max3A_1656 : vector<512x2560xf32>
      %max3A_1667 = arith.constant 0.000000e+00 : f32
      %max3A_1668 = vector.broadcast %max3A_1667 : f32 to vector<512x2560xf32>
      %max3A_1669 = arith.maximumf %sub3A_1666, %max3A_1668 : vector<512x2560xf32>
      %sub3A_1670 = arith.subf %min3A_1665, %max3A_1659 : vector<512x2560xf32>
      %max3A_1671 = arith.constant 0.000000e+00 : f32
      %max3A_1672 = vector.broadcast %max3A_1671 : f32 to vector<512x2560xf32>
      %max3A_1673 = arith.maximumf %sub3A_1670, %max3A_1672 : vector<512x2560xf32>
      %mul3A_1674 = arith.mulf %max3A_1669, %max3A_1673 : vector<512x2560xf32>
      %add3A_1675 = vector.broadcast %slice3A_1638 : vector<512x1xf32> to vector<512x2560xf32>
      %add3A_1676 = vector.broadcast %get3A_1653 : vector<1x2560xf32> to vector<512x2560xf32>
      %add3A_1677 = arith.addf %add3A_1675, %add3A_1676 : vector<512x2560xf32>
      %sub3A_1678 = arith.subf %add3A_1677, %mul3A_1674 : vector<512x2560xf32>
      %div3A_1679 = arith.divf %mul3A_1674, %sub3A_1678 : vector<512x2560xf32>
      %gt3A_1680 = arith.constant 0.699999988 : f32
      %gt3A_1681 = vector.broadcast %gt3A_1680 : f32 to vector<512x2560xf32>
      %gt3A_1682 = arith.cmpf ogt, %div3A_1679, %gt3A_1681 : vector<512x2560xf32>
      %convert_element_type3A_1683 = arith.extui %gt3A_1682 : vector<512x2560xi1> to vector<512x2560xi32>
      %convert_element_type3A_1684 = arith.sitofp %convert_element_type3A_1683 : vector<512x2560xi32> to vector<512x2560xf32>
      %slice3A_1685 = vector.extract_strided_slice %convert_element_type3A_1684 {offsets = [0, 0], sizes = [512, 512], strides = [1, 1]} : vector<512x2560xf32> to vector<512x512xf32>
      %mul3A_1686 = arith.mulf %slice3A_1685, %convert_element_type3A_1 : vector<512x512xf32>
      %get3A_1687 = arith.constant 0 : index
      %get3A_1688 = arith.constant 512 : index
      %get3A_1689 = vector.load %arg2[%get3A_1687, %get3A_1688] : memref<1x5120xf32, #tpu.memory_space<vmem>>, vector<1x512xf32>
      %dot_general3A_1690 = arith.constant dense<0.000000e+00> : vector<1x512xf32>
      %dot_general3A_1691 = tpu.matmul %get3A_1689, %mul3A_1686, %dot_general3A_1690 {dimension_numbers = #tpu.dot_dimension_numbers<[1], [0], [0], [1], [0, 0, 1, 1], [], []>, transpose_lhs_hint = false} : vector<1x512xf32>, vector<512x512xf32>, vector<1x512xf32> -> vector<1x512xf32>
      %eq3A_1692 = arith.constant 0.000000e+00 : f32
      %eq3A_1693 = vector.broadcast %eq3A_1692 : f32 to vector<1x512xf32>
      %eq3A_1694 = arith.cmpf oeq, %dot_general3A_1691, %eq3A_1693 : vector<1x512xf32>
      %convert_element_type3A_1695 = arith.extui %eq3A_1694 : vector<1x512xi1> to vector<1x512xi32>
      %convert_element_type3A_1696 = arith.sitofp %convert_element_type3A_1695 : vector<1x512xi32> to vector<1x512xf32>
      %mul3A_1697 = arith.mulf %get3A_1689, %convert_element_type3A_1696 : vector<1x512xf32>
      %dot_general3A_1698 = arith.constant dense<0.000000e+00> : vector<1x512xf32>
      %dot_general3A_1699 = tpu.matmul %mul3A_1697, %mul3A_1686, %dot_general3A_1698 {dimension_numbers = #tpu.dot_dimension_numbers<[1], [0], [0], [1], [0, 0, 1, 1], [], []>, transpose_lhs_hint = false} : vector<1x512xf32>, vector<512x512xf32>, vector<1x512xf32> -> vector<1x512xf32>
      %eq3A_1700 = arith.constant 0.000000e+00 : f32
      %eq3A_1701 = vector.broadcast %eq3A_1700 : f32 to vector<1x512xf32>
      %eq3A_1702 = arith.cmpf oeq, %dot_general3A_1699, %eq3A_1701 : vector<1x512xf32>
      %convert_element_type3A_1703 = arith.extui %eq3A_1702 : vector<1x512xi1> to vector<1x512xi32>
      %convert_element_type3A_1704 = arith.sitofp %convert_element_type3A_1703 : vector<1x512xi32> to vector<1x512xf32>
      %mul3A_1705 = arith.mulf %get3A_1689, %convert_element_type3A_1704 : vector<1x512xf32>
      %ne3A_1706 = arith.cmpf one, %mul3A_1705, %mul3A_1697 : vector<1x512xf32>
      %reduce_or3A_1707 = arith.constant 1.000000e+00 : f32
      %reduce_or3A_1708 = arith.constant 0.000000e+00 : f32
      %reduce_or3A_1709 = vector.broadcast %reduce_or3A_1707 : f32 to vector<1x512xf32>
      %reduce_or3A_1710 = vector.broadcast %reduce_or3A_1708 : f32 to vector<1x512xf32>
      %reduce_or3A_1711 = arith.select %ne3A_1706, %reduce_or3A_1709, %reduce_or3A_1710 : vector<1x512xi1>, vector<1x512xf32>
      %reduce_or3A_1712 = vector.shape_cast %reduce_or3A_1711 : vector<1x512xf32> to vector<1x1x512xf32>
      %reduce_or3A_1713 = arith.constant dense<0xFF800000> : vector<1xf32>
      %reduce_or3A_1714 = vector.multi_reduction <maximumf>, %reduce_or3A_1712, %reduce_or3A_1713 [1, 2] : vector<1x1x512xf32> to vector<1xf32>
      %reduce_or3A_1715 = vector.shape_cast %reduce_or3A_1714 : vector<1xf32> to vector<1x1x1xf32>
      %reduce_or3A_1716 = vector.extract %reduce_or3A_1715[0, 0, 0] : f32 from vector<1x1x1xf32>
      %reduce_or3A_1717 = arith.constant 0.000000e+00 : f32
      %reduce_or3A_1718 = arith.cmpf ogt, %reduce_or3A_1716, %reduce_or3A_1717 : f32
      %while3A_1719:2 = scf.while (%while3A_2919 = %mul3A_1705, %while3A_2920 = %reduce_or3A_1718) : (vector<1x512xf32>, i1) -> (vector<1x512xf32>, i1) {
        scf.condition(%while3A_2920) %while3A_2919, %while3A_2920 : vector<1x512xf32>, i1
      } do {
      ^bb0(%while3A_2919: vector<1x512xf32>, %while3A_2920: i1):
        %dot_general3A_2921 = arith.constant dense<0.000000e+00> : vector<1x512xf32>
        %dot_general3A_2922 = tpu.matmul %while3A_2919, %mul3A_1686, %dot_general3A_2921 {dimension_numbers = #tpu.dot_dimension_numbers<[1], [0], [0], [1], [0, 0, 1, 1], [], []>, transpose_lhs_hint = false} : vector<1x512xf32>, vector<512x512xf32>, vector<1x512xf32> -> vector<1x512xf32>
        %eq3A_2923 = arith.constant 0.000000e+00 : f32
        %eq3A_2924 = vector.broadcast %eq3A_2923 : f32 to vector<1x512xf32>
        %eq3A_2925 = arith.cmpf oeq, %dot_general3A_2922, %eq3A_2924 : vector<1x512xf32>
        %convert_element_type3A_2926 = arith.extui %eq3A_2925 : vector<1x512xi1> to vector<1x512xi32>
        %convert_element_type3A_2927 = arith.sitofp %convert_element_type3A_2926 : vector<1x512xi32> to vector<1x512xf32>
        %mul3A_2928 = arith.mulf %get3A_1689, %convert_element_type3A_2927 : vector<1x512xf32>
        %ne3A_2929 = arith.cmpf one, %mul3A_2928, %while3A_2919 : vector<1x512xf32>
        %reduce_or3A_2930 = arith.constant 1.000000e+00 : f32
        %reduce_or3A_2931 = arith.constant 0.000000e+00 : f32
        %reduce_or3A_2932 = vector.broadcast %reduce_or3A_2930 : f32 to vector<1x512xf32>
        %reduce_or3A_2933 = vector.broadcast %reduce_or3A_2931 : f32 to vector<1x512xf32>
        %reduce_or3A_2934 = arith.select %ne3A_2929, %reduce_or3A_2932, %reduce_or3A_2933 : vector<1x512xi1>, vector<1x512xf32>
        %reduce_or3A_2935 = vector.shape_cast %reduce_or3A_2934 : vector<1x512xf32> to vector<1x1x512xf32>
        %reduce_or3A_2936 = arith.constant dense<0xFF800000> : vector<1xf32>
        %reduce_or3A_2937 = vector.multi_reduction <maximumf>, %reduce_or3A_2935, %reduce_or3A_2936 [1, 2] : vector<1x1x512xf32> to vector<1xf32>
        %reduce_or3A_2938 = vector.shape_cast %reduce_or3A_2937 : vector<1xf32> to vector<1x1x1xf32>
        %reduce_or3A_2939 = vector.extract %reduce_or3A_2938[0, 0, 0] : f32 from vector<1x1x1xf32>
        %reduce_or3A_2940 = arith.constant 0.000000e+00 : f32
        %reduce_or3A_2941 = arith.cmpf ogt, %reduce_or3A_2939, %reduce_or3A_2940 : f32
        scf.yield %mul3A_2928, %reduce_or3A_2941 : vector<1x512xf32>, i1
      }
      %swap3A_1720 = arith.constant 0 : index
      %swap3A_1721 = arith.constant 512 : index
      %swap3A_1722 = vector.load %arg2[%swap3A_1720, %swap3A_1721] : memref<1x5120xf32, #tpu.memory_space<vmem>>, vector<1x512xf32>
      tpu.vector_store %arg2[%swap3A_1720, %swap3A_1721], %while3A_1719#0 {strides = array<i32>} : memref<1x5120xf32, #tpu.memory_space<vmem>>, vector<1x512xf32>,
      %dot_general3A_1723 = arith.constant dense<0.000000e+00> : vector<1x2560xf32>
      %dot_general3A_1724 = tpu.matmul %while3A_1719#0, %convert_element_type3A_1684, %dot_general3A_1723 {dimension_numbers = #tpu.dot_dimension_numbers<[1], [0], [0], [1], [0, 0, 1, 1], [], []>, transpose_lhs_hint = false} : vector<1x512xf32>, vector<512x2560xf32>, vector<1x2560xf32> -> vector<1x2560xf32>
      %gt3A_1725 = arith.constant 0.000000e+00 : f32
      %gt3A_1726 = vector.broadcast %gt3A_1725 : f32 to vector<1x2560xf32>
      %gt3A_1727 = arith.cmpf ogt, %dot_general3A_1724, %gt3A_1726 : vector<1x2560xf32>
      %ge3A_1728 = arith.constant 512 : i32
      %ge3A_1729 = vector.broadcast %ge3A_1728 : i32 to vector<1x2560xi32>
      %ge3A_1730 = arith.cmpi sge, %iota3A_2, %ge3A_1729 : vector<1x2560xi32>
      %and3A_1731 = arith.andi %gt3A_1727, %ge3A_1730 : vector<1x2560xi1>
      %get3A_1732 = arith.constant 0 : index
      %get3A_1733 = arith.constant 512 : index
      %get3A_1734 = vector.load %arg2[%get3A_1732, %get3A_1733] : memref<1x5120xf32, #tpu.memory_space<vmem>>, vector<1x2560xf32>
      %convert_element_type3A_1735 = arith.extui %and3A_1731 : vector<1x2560xi1> to vector<1x2560xi32>
      %convert_element_type3A_1736 = arith.sitofp %convert_element_type3A_1735 : vector<1x2560xi32> to vector<1x2560xf32>
      %sub3A_1737 = arith.constant 1.000000e+00 : f32
      %sub3A_1738 = vector.broadcast %sub3A_1737 : f32 to vector<1x2560xf32>
      %sub3A_1739 = arith.subf %sub3A_1738, %convert_element_type3A_1736 : vector<1x2560xf32>
      %mul3A_1740 = arith.mulf %get3A_1734, %sub3A_1739 : vector<1x2560xf32>
      %swap3A_1741 = arith.constant 0 : index
      %swap3A_1742 = arith.constant 512 : index
      %swap3A_1743 = vector.load %arg2[%swap3A_1741, %swap3A_1742] : memref<1x5120xf32, #tpu.memory_space<vmem>>, vector<1x2560xf32>
      tpu.vector_store %arg2[%swap3A_1741, %swap3A_1742], %mul3A_1740 {strides = array<i32>} : memref<1x5120xf32, #tpu.memory_space<vmem>>, vector<1x2560xf32>,
      %get3A_1744 = arith.constant 0 : index
      %get3A_1745 = arith.constant 3072 : index
      %get3A_1746 = vector.load %arg0[%get3A_1744, %get3A_1745] : memref<8x5120xf32, #tpu.memory_space<vmem>>, vector<1x2048xf32>
      %get3A_1747 = arith.constant 1 : index
      %get3A_1748 = arith.constant 3072 : index
      %get3A_1749 = vector.load %arg0[%get3A_1747, %get3A_1748] : memref<8x5120xf32, #tpu.memory_space<vmem>>, vector<1x2048xf32>
      %get3A_1750 = arith.constant 2 : index
      %get3A_1751 = arith.constant 3072 : index
      %get3A_1752 = vector.load %arg0[%get3A_1750, %get3A_1751] : memref<8x5120xf32, #tpu.memory_space<vmem>>, vector<1x2048xf32>
      %get3A_1753 = arith.constant 3 : index
      %get3A_1754 = arith.constant 3072 : index
      %get3A_1755 = vector.load %arg0[%get3A_1753, %get3A_1754] : memref<8x5120xf32, #tpu.memory_space<vmem>>, vector<1x2048xf32>
      %get3A_1756 = arith.constant 5 : index
      %get3A_1757 = arith.constant 3072 : index
      %get3A_1758 = vector.load %arg0[%get3A_1756, %get3A_1757] : memref<8x5120xf32, #tpu.memory_space<vmem>>, vector<1x2048xf32>
      %max3A_1759 = vector.broadcast %slice3A_1634 : vector<512x1xf32> to vector<512x2048xf32>
      %max3A_1760 = vector.broadcast %get3A_1746 : vector<1x2048xf32> to vector<512x2048xf32>
      %max3A_1761 = arith.maximumf %max3A_1759, %max3A_1760 : vector<512x2048xf32>
      %max3A_1762 = vector.broadcast %slice3A_1635 : vector<512x1xf32> to vector<512x2048xf32>
      %max3A_1763 = vector.broadcast %get3A_1749 : vector<1x2048xf32> to vector<512x2048xf32>
      %max3A_1764 = arith.maximumf %max3A_1762, %max3A_1763 : vector<512x2048xf32>
      %min3A_1765 = vector.broadcast %slice3A_1636 : vector<512x1xf32> to vector<512x2048xf32>
      %min3A_1766 = vector.broadcast %get3A_1752 : vector<1x2048xf32> to vector<512x2048xf32>
      %min3A_1767 = arith.minimumf %min3A_1765, %min3A_1766 : vector<512x2048xf32>
      %min3A_1768 = vector.broadcast %slice3A_1637 : vector<512x1xf32> to vector<512x2048xf32>
      %min3A_1769 = vector.broadcast %get3A_1755 : vector<1x2048xf32> to vector<512x2048xf32>
      %min3A_1770 = arith.minimumf %min3A_1768, %min3A_1769 : vector<512x2048xf32>
      %sub3A_1771 = arith.subf %min3A_1767, %max3A_1761 : vector<512x2048xf32>
      %max3A_1772 = arith.constant 0.000000e+00 : f32
      %max3A_1773 = vector.broadcast %max3A_1772 : f32 to vector<512x2048xf32>
      %max3A_1774 = arith.maximumf %sub3A_1771, %max3A_1773 : vector<512x2048xf32>
      %sub3A_1775 = arith.subf %min3A_1770, %max3A_1764 : vector<512x2048xf32>
      %max3A_1776 = arith.constant 0.000000e+00 : f32
      %max3A_1777 = vector.broadcast %max3A_1776 : f32 to vector<512x2048xf32>
      %max3A_1778 = arith.maximumf %sub3A_1775, %max3A_1777 : vector<512x2048xf32>
      %mul3A_1779 = arith.mulf %max3A_1774, %max3A_1778 : vector<512x2048xf32>
      %add3A_1780 = vector.broadcast %slice3A_1638 : vector<512x1xf32> to vector<512x2048xf32>
      %add3A_1781 = vector.broadcast %get3A_1758 : vector<1x2048xf32> to vector<512x2048xf32>
      %add3A_1782 = arith.addf %add3A_1780, %add3A_1781 : vector<512x2048xf32>
      %sub3A_1783 = arith.subf %add3A_1782, %mul3A_1779 : vector<512x2048xf32>
      %div3A_1784 = arith.divf %mul3A_1779, %sub3A_1783 : vector<512x2048xf32>
      %gt3A_1785 = arith.constant 0.699999988 : f32
      %gt3A_1786 = vector.broadcast %gt3A_1785 : f32 to vector<512x2048xf32>
      %gt3A_1787 = arith.cmpf ogt, %div3A_1784, %gt3A_1786 : vector<512x2048xf32>
      %convert_element_type3A_1788 = arith.extui %gt3A_1787 : vector<512x2048xi1> to vector<512x2048xi32>
      %convert_element_type3A_1789 = arith.sitofp %convert_element_type3A_1788 : vector<512x2048xi32> to vector<512x2048xf32>
      %dot_general3A_1790 = arith.constant dense<0.000000e+00> : vector<1x2048xf32>
      %dot_general3A_1791 = tpu.matmul %while3A_1719#0, %convert_element_type3A_1789, %dot_general3A_1790 {dimension_numbers = #tpu.dot_dimension_numbers<[1], [0], [0], [1], [0, 0, 1, 1], [], []>, transpose_lhs_hint = false} : vector<1x512xf32>, vector<512x2048xf32>, vector<1x2048xf32> -> vector<1x2048xf32>
      %gt3A_1792 = arith.constant 0.000000e+00 : f32
      %gt3A_1793 = vector.broadcast %gt3A_1792 : f32 to vector<1x2048xf32>
      %gt3A_1794 = arith.cmpf ogt, %dot_general3A_1791, %gt3A_1793 : vector<1x2048xf32>
      %get3A_1795 = arith.constant 0 : index
      %get3A_1796 = arith.constant 3072 : index
      %get3A_1797 = vector.load %arg2[%get3A_1795, %get3A_1796] : memref<1x5120xf32, #tpu.memory_space<vmem>>, vector<1x2048xf32>
      %convert_element_type3A_1798 = arith.extui %gt3A_1794 : vector<1x2048xi1> to vector<1x2048xi32>
      %convert_element_type3A_1799 = arith.sitofp %convert_element_type3A_1798 : vector<1x2048xi32> to vector<1x2048xf32>
      %sub3A_1800 = arith.constant 1.000000e+00 : f32
      %sub3A_1801 = vector.broadcast %sub3A_1800 : f32 to vector<1x2048xf32>
      %sub3A_1802 = arith.subf %sub3A_1801, %convert_element_type3A_1799 : vector<1x2048xf32>
      %mul3A_1803 = arith.mulf %get3A_1797, %sub3A_1802 : vector<1x2048xf32>
      %swap3A_1804 = arith.constant 0 : index
      %swap3A_1805 = arith.constant 3072 : index
      %swap3A_1806 = vector.load %arg2[%swap3A_1804, %swap3A_1805] : memref<1x5120xf32, #tpu.memory_space<vmem>>, vector<1x2048xf32>
      tpu.vector_store %arg2[%swap3A_1804, %swap3A_1805], %mul3A_1803 {strides = array<i32>} : memref<1x5120xf32, #tpu.memory_space<vmem>>, vector<1x2048xf32>,
      %get3A_1807 = arith.constant 2 : index
      %get3A_1808 = arith.constant 0 : index
      %get3A_1809 = arith.constant 0 : index
      %get3A_1810 = vector.load %arg1[%get3A_1807, %get3A_1808, %get3A_1809] : memref<10x512x16xf32, #tpu.memory_space<vmem>>, vector<1x512x16xf32>
      %get3A_1811 = vector.shape_cast %get3A_1810 : vector<1x512x16xf32> to vector<512x16xf32>
      %slice3A_1812 = vector.extract_strided_slice %get3A_1811 {offsets = [0, 0], sizes = [512, 1], strides = [1, 1]} : vector<512x16xf32> to vector<512x1xf32>
      %slice3A_1813 = vector.extract_strided_slice %get3A_1811 {offsets = [0, 1], sizes = [512, 1], strides = [1, 1]} : vector<512x16xf32> to vector<512x1xf32>
      %slice3A_1814 = vector.extract_strided_slice %get3A_1811 {offsets = [0, 2], sizes = [512, 1], strides = [1, 1]} : vector<512x16xf32> to vector<512x1xf32>
      %slice3A_1815 = vector.extract_strided_slice %get3A_1811 {offsets = [0, 3], sizes = [512, 1], strides = [1, 1]} : vector<512x16xf32> to vector<512x1xf32>
      %slice3A_1816 = vector.extract_strided_slice %get3A_1811 {offsets = [0, 5], sizes = [512, 1], strides = [1, 1]} : vector<512x16xf32> to vector<512x1xf32>
      %get3A_1817 = arith.constant 0 : index
      %get3A_1818 = arith.constant 1024 : index
      %get3A_1819 = vector.load %arg0[%get3A_1817, %get3A_1818] : memref<8x5120xf32, #tpu.memory_space<vmem>>, vector<1x2560xf32>
      %get3A_1820 = arith.constant 1 : index
      %get3A_1821 = arith.constant 1024 : index
      %get3A_1822 = vector.load %arg0[%get3A_1820, %get3A_1821] : memref<8x5120xf32, #tpu.memory_space<vmem>>, vector<1x2560xf32>
      %get3A_1823 = arith.constant 2 : index
      %get3A_1824 = arith.constant 1024 : index
      %get3A_1825 = vector.load %arg0[%get3A_1823, %get3A_1824] : memref<8x5120xf32, #tpu.memory_space<vmem>>, vector<1x2560xf32>
      %get3A_1826 = arith.constant 3 : index
      %get3A_1827 = arith.constant 1024 : index
      %get3A_1828 = vector.load %arg0[%get3A_1826, %get3A_1827] : memref<8x5120xf32, #tpu.memory_space<vmem>>, vector<1x2560xf32>
      %get3A_1829 = arith.constant 5 : index
      %get3A_1830 = arith.constant 1024 : index
      %get3A_1831 = vector.load %arg0[%get3A_1829, %get3A_1830] : memref<8x5120xf32, #tpu.memory_space<vmem>>, vector<1x2560xf32>
      %max3A_1832 = vector.broadcast %slice3A_1812 : vector<512x1xf32> to vector<512x2560xf32>
      %max3A_1833 = vector.broadcast %get3A_1819 : vector<1x2560xf32> to vector<512x2560xf32>
      %max3A_1834 = arith.maximumf %max3A_1832, %max3A_1833 : vector<512x2560xf32>
      %max3A_1835 = vector.broadcast %slice3A_1813 : vector<512x1xf32> to vector<512x2560xf32>
      %max3A_1836 = vector.broadcast %get3A_1822 : vector<1x2560xf32> to vector<512x2560xf32>
      %max3A_1837 = arith.maximumf %max3A_1835, %max3A_1836 : vector<512x2560xf32>
      %min3A_1838 = vector.broadcast %slice3A_1814 : vector<512x1xf32> to vector<512x2560xf32>
      %min3A_1839 = vector.broadcast %get3A_1825 : vector<1x2560xf32> to vector<512x2560xf32>
      %min3A_1840 = arith.minimumf %min3A_1838, %min3A_1839 : vector<512x2560xf32>
      %min3A_1841 = vector.broadcast %slice3A_1815 : vector<512x1xf32> to vector<512x2560xf32>
      %min3A_1842 = vector.broadcast %get3A_1828 : vector<1x2560xf32> to vector<512x2560xf32>
      %min3A_1843 = arith.minimumf %min3A_1841, %min3A_1842 : vector<512x2560xf32>
      %sub3A_1844 = arith.subf %min3A_1840, %max3A_1834 : vector<512x2560xf32>
      %max3A_1845 = arith.constant 0.000000e+00 : f32
      %max3A_1846 = vector.broadcast %max3A_1845 : f32 to vector<512x2560xf32>
      %max3A_1847 = arith.maximumf %sub3A_1844, %max3A_1846 : vector<512x2560xf32>
      %sub3A_1848 = arith.subf %min3A_1843, %max3A_1837 : vector<512x2560xf32>
      %max3A_1849 = arith.constant 0.000000e+00 : f32
      %max3A_1850 = vector.broadcast %max3A_1849 : f32 to vector<512x2560xf32>
      %max3A_1851 = arith.maximumf %sub3A_1848, %max3A_1850 : vector<512x2560xf32>
      %mul3A_1852 = arith.mulf %max3A_1847, %max3A_1851 : vector<512x2560xf32>
      %add3A_1853 = vector.broadcast %slice3A_1816 : vector<512x1xf32> to vector<512x2560xf32>
      %add3A_1854 = vector.broadcast %get3A_1831 : vector<1x2560xf32> to vector<512x2560xf32>
      %add3A_1855 = arith.addf %add3A_1853, %add3A_1854 : vector<512x2560xf32>
      %sub3A_1856 = arith.subf %add3A_1855, %mul3A_1852 : vector<512x2560xf32>
      %div3A_1857 = arith.divf %mul3A_1852, %sub3A_1856 : vector<512x2560xf32>
      %gt3A_1858 = arith.constant 0.699999988 : f32
      %gt3A_1859 = vector.broadcast %gt3A_1858 : f32 to vector<512x2560xf32>
      %gt3A_1860 = arith.cmpf ogt, %div3A_1857, %gt3A_1859 : vector<512x2560xf32>
      %convert_element_type3A_1861 = arith.extui %gt3A_1860 : vector<512x2560xi1> to vector<512x2560xi32>
      %convert_element_type3A_1862 = arith.sitofp %convert_element_type3A_1861 : vector<512x2560xi32> to vector<512x2560xf32>
      %slice3A_1863 = vector.extract_strided_slice %convert_element_type3A_1862 {offsets = [0, 0], sizes = [512, 512], strides = [1, 1]} : vector<512x2560xf32> to vector<512x512xf32>
      %mul3A_1864 = arith.mulf %slice3A_1863, %convert_element_type3A_1 : vector<512x512xf32>
      %get3A_1865 = arith.constant 0 : index
      %get3A_1866 = arith.constant 1024 : index
      %get3A_1867 = vector.load %arg2[%get3A_1865, %get3A_1866] : memref<1x5120xf32, #tpu.memory_space<vmem>>, vector<1x512xf32>
      %dot_general3A_1868 = arith.constant dense<0.000000e+00> : vector<1x512xf32>
      %dot_general3A_1869 = tpu.matmul %get3A_1867, %mul3A_1864, %dot_general3A_1868 {dimension_numbers = #tpu.dot_dimension_numbers<[1], [0], [0], [1], [0, 0, 1, 1], [], []>, transpose_lhs_hint = false} : vector<1x512xf32>, vector<512x512xf32>, vector<1x512xf32> -> vector<1x512xf32>
      %eq3A_1870 = arith.constant 0.000000e+00 : f32
      %eq3A_1871 = vector.broadcast %eq3A_1870 : f32 to vector<1x512xf32>
      %eq3A_1872 = arith.cmpf oeq, %dot_general3A_1869, %eq3A_1871 : vector<1x512xf32>
      %convert_element_type3A_1873 = arith.extui %eq3A_1872 : vector<1x512xi1> to vector<1x512xi32>
      %convert_element_type3A_1874 = arith.sitofp %convert_element_type3A_1873 : vector<1x512xi32> to vector<1x512xf32>
      %mul3A_1875 = arith.mulf %get3A_1867, %convert_element_type3A_1874 : vector<1x512xf32>
      %dot_general3A_1876 = arith.constant dense<0.000000e+00> : vector<1x512xf32>
      %dot_general3A_1877 = tpu.matmul %mul3A_1875, %mul3A_1864, %dot_general3A_1876 {dimension_numbers = #tpu.dot_dimension_numbers<[1], [0], [0], [1], [0, 0, 1, 1], [], []>, transpose_lhs_hint = false} : vector<1x512xf32>, vector<512x512xf32>, vector<1x512xf32> -> vector<1x512xf32>
      %eq3A_1878 = arith.constant 0.000000e+00 : f32
      %eq3A_1879 = vector.broadcast %eq3A_1878 : f32 to vector<1x512xf32>
      %eq3A_1880 = arith.cmpf oeq, %dot_general3A_1877, %eq3A_1879 : vector<1x512xf32>
      %convert_element_type3A_1881 = arith.extui %eq3A_1880 : vector<1x512xi1> to vector<1x512xi32>
      %convert_element_type3A_1882 = arith.sitofp %convert_element_type3A_1881 : vector<1x512xi32> to vector<1x512xf32>
      %mul3A_1883 = arith.mulf %get3A_1867, %convert_element_type3A_1882 : vector<1x512xf32>
      %ne3A_1884 = arith.cmpf one, %mul3A_1883, %mul3A_1875 : vector<1x512xf32>
      %reduce_or3A_1885 = arith.constant 1.000000e+00 : f32
      %reduce_or3A_1886 = arith.constant 0.000000e+00 : f32
      %reduce_or3A_1887 = vector.broadcast %reduce_or3A_1885 : f32 to vector<1x512xf32>
      %reduce_or3A_1888 = vector.broadcast %reduce_or3A_1886 : f32 to vector<1x512xf32>
      %reduce_or3A_1889 = arith.select %ne3A_1884, %reduce_or3A_1887, %reduce_or3A_1888 : vector<1x512xi1>, vector<1x512xf32>
      %reduce_or3A_1890 = vector.shape_cast %reduce_or3A_1889 : vector<1x512xf32> to vector<1x1x512xf32>
      %reduce_or3A_1891 = arith.constant dense<0xFF800000> : vector<1xf32>
      %reduce_or3A_1892 = vector.multi_reduction <maximumf>, %reduce_or3A_1890, %reduce_or3A_1891 [1, 2] : vector<1x1x512xf32> to vector<1xf32>
      %reduce_or3A_1893 = vector.shape_cast %reduce_or3A_1892 : vector<1xf32> to vector<1x1x1xf32>
      %reduce_or3A_1894 = vector.extract %reduce_or3A_1893[0, 0, 0] : f32 from vector<1x1x1xf32>
      %reduce_or3A_1895 = arith.constant 0.000000e+00 : f32
      %reduce_or3A_1896 = arith.cmpf ogt, %reduce_or3A_1894, %reduce_or3A_1895 : f32
      %while3A_1897:2 = scf.while (%while3A_2919 = %mul3A_1883, %while3A_2920 = %reduce_or3A_1896) : (vector<1x512xf32>, i1) -> (vector<1x512xf32>, i1) {
        scf.condition(%while3A_2920) %while3A_2919, %while3A_2920 : vector<1x512xf32>, i1
      } do {
      ^bb0(%while3A_2919: vector<1x512xf32>, %while3A_2920: i1):
        %dot_general3A_2921 = arith.constant dense<0.000000e+00> : vector<1x512xf32>
        %dot_general3A_2922 = tpu.matmul %while3A_2919, %mul3A_1864, %dot_general3A_2921 {dimension_numbers = #tpu.dot_dimension_numbers<[1], [0], [0], [1], [0, 0, 1, 1], [], []>, transpose_lhs_hint = false} : vector<1x512xf32>, vector<512x512xf32>, vector<1x512xf32> -> vector<1x512xf32>
        %eq3A_2923 = arith.constant 0.000000e+00 : f32
        %eq3A_2924 = vector.broadcast %eq3A_2923 : f32 to vector<1x512xf32>
        %eq3A_2925 = arith.cmpf oeq, %dot_general3A_2922, %eq3A_2924 : vector<1x512xf32>
        %convert_element_type3A_2926 = arith.extui %eq3A_2925 : vector<1x512xi1> to vector<1x512xi32>
        %convert_element_type3A_2927 = arith.sitofp %convert_element_type3A_2926 : vector<1x512xi32> to vector<1x512xf32>
        %mul3A_2928 = arith.mulf %get3A_1867, %convert_element_type3A_2927 : vector<1x512xf32>
        %ne3A_2929 = arith.cmpf one, %mul3A_2928, %while3A_2919 : vector<1x512xf32>
        %reduce_or3A_2930 = arith.constant 1.000000e+00 : f32
        %reduce_or3A_2931 = arith.constant 0.000000e+00 : f32
        %reduce_or3A_2932 = vector.broadcast %reduce_or3A_2930 : f32 to vector<1x512xf32>
        %reduce_or3A_2933 = vector.broadcast %reduce_or3A_2931 : f32 to vector<1x512xf32>
        %reduce_or3A_2934 = arith.select %ne3A_2929, %reduce_or3A_2932, %reduce_or3A_2933 : vector<1x512xi1>, vector<1x512xf32>
        %reduce_or3A_2935 = vector.shape_cast %reduce_or3A_2934 : vector<1x512xf32> to vector<1x1x512xf32>
        %reduce_or3A_2936 = arith.constant dense<0xFF800000> : vector<1xf32>
        %reduce_or3A_2937 = vector.multi_reduction <maximumf>, %reduce_or3A_2935, %reduce_or3A_2936 [1, 2] : vector<1x1x512xf32> to vector<1xf32>
        %reduce_or3A_2938 = vector.shape_cast %reduce_or3A_2937 : vector<1xf32> to vector<1x1x1xf32>
        %reduce_or3A_2939 = vector.extract %reduce_or3A_2938[0, 0, 0] : f32 from vector<1x1x1xf32>
        %reduce_or3A_2940 = arith.constant 0.000000e+00 : f32
        %reduce_or3A_2941 = arith.cmpf ogt, %reduce_or3A_2939, %reduce_or3A_2940 : f32
        scf.yield %mul3A_2928, %reduce_or3A_2941 : vector<1x512xf32>, i1
      }
      %swap3A_1898 = arith.constant 0 : index
      %swap3A_1899 = arith.constant 1024 : index
      %swap3A_1900 = vector.load %arg2[%swap3A_1898, %swap3A_1899] : memref<1x5120xf32, #tpu.memory_space<vmem>>, vector<1x512xf32>
      tpu.vector_store %arg2[%swap3A_1898, %swap3A_1899], %while3A_1897#0 {strides = array<i32>} : memref<1x5120xf32, #tpu.memory_space<vmem>>, vector<1x512xf32>,
      %dot_general3A_1901 = arith.constant dense<0.000000e+00> : vector<1x2560xf32>
      %dot_general3A_1902 = tpu.matmul %while3A_1897#0, %convert_element_type3A_1862, %dot_general3A_1901 {dimension_numbers = #tpu.dot_dimension_numbers<[1], [0], [0], [1], [0, 0, 1, 1], [], []>, transpose_lhs_hint = false} : vector<1x512xf32>, vector<512x2560xf32>, vector<1x2560xf32> -> vector<1x2560xf32>
      %gt3A_1903 = arith.constant 0.000000e+00 : f32
      %gt3A_1904 = vector.broadcast %gt3A_1903 : f32 to vector<1x2560xf32>
      %gt3A_1905 = arith.cmpf ogt, %dot_general3A_1902, %gt3A_1904 : vector<1x2560xf32>
      %ge3A_1906 = arith.constant 512 : i32
      %ge3A_1907 = vector.broadcast %ge3A_1906 : i32 to vector<1x2560xi32>
      %ge3A_1908 = arith.cmpi sge, %iota3A_2, %ge3A_1907 : vector<1x2560xi32>
      %and3A_1909 = arith.andi %gt3A_1905, %ge3A_1908 : vector<1x2560xi1>
      %get3A_1910 = arith.constant 0 : index
      %get3A_1911 = arith.constant 1024 : index
      %get3A_1912 = vector.load %arg2[%get3A_1910, %get3A_1911] : memref<1x5120xf32, #tpu.memory_space<vmem>>, vector<1x2560xf32>
      %convert_element_type3A_1913 = arith.extui %and3A_1909 : vector<1x2560xi1> to vector<1x2560xi32>
      %convert_element_type3A_1914 = arith.sitofp %convert_element_type3A_1913 : vector<1x2560xi32> to vector<1x2560xf32>
      %sub3A_1915 = arith.constant 1.000000e+00 : f32
      %sub3A_1916 = vector.broadcast %sub3A_1915 : f32 to vector<1x2560xf32>
      %sub3A_1917 = arith.subf %sub3A_1916, %convert_element_type3A_1914 : vector<1x2560xf32>
      %mul3A_1918 = arith.mulf %get3A_1912, %sub3A_1917 : vector<1x2560xf32>
      %swap3A_1919 = arith.constant 0 : index
      %swap3A_1920 = arith.constant 1024 : index
      %swap3A_1921 = vector.load %arg2[%swap3A_1919, %swap3A_1920] : memref<1x5120xf32, #tpu.memory_space<vmem>>, vector<1x2560xf32>
      tpu.vector_store %arg2[%swap3A_1919, %swap3A_1920], %mul3A_1918 {strides = array<i32>} : memref<1x5120xf32, #tpu.memory_space<vmem>>, vector<1x2560xf32>,
      %get3A_1922 = arith.constant 0 : index
      %get3A_1923 = arith.constant 3584 : index
      %get3A_1924 = vector.load %arg0[%get3A_1922, %get3A_1923] : memref<8x5120xf32, #tpu.memory_space<vmem>>, vector<1x1536xf32>
      %get3A_1925 = arith.constant 1 : index
      %get3A_1926 = arith.constant 3584 : index
      %get3A_1927 = vector.load %arg0[%get3A_1925, %get3A_1926] : memref<8x5120xf32, #tpu.memory_space<vmem>>, vector<1x1536xf32>
      %get3A_1928 = arith.constant 2 : index
      %get3A_1929 = arith.constant 3584 : index
      %get3A_1930 = vector.load %arg0[%get3A_1928, %get3A_1929] : memref<8x5120xf32, #tpu.memory_space<vmem>>, vector<1x1536xf32>
      %get3A_1931 = arith.constant 3 : index
      %get3A_1932 = arith.constant 3584 : index
      %get3A_1933 = vector.load %arg0[%get3A_1931, %get3A_1932] : memref<8x5120xf32, #tpu.memory_space<vmem>>, vector<1x1536xf32>
      %get3A_1934 = arith.constant 5 : index
      %get3A_1935 = arith.constant 3584 : index
      %get3A_1936 = vector.load %arg0[%get3A_1934, %get3A_1935] : memref<8x5120xf32, #tpu.memory_space<vmem>>, vector<1x1536xf32>
      %max3A_1937 = vector.broadcast %slice3A_1812 : vector<512x1xf32> to vector<512x1536xf32>
      %max3A_1938 = vector.broadcast %get3A_1924 : vector<1x1536xf32> to vector<512x1536xf32>
      %max3A_1939 = arith.maximumf %max3A_1937, %max3A_1938 : vector<512x1536xf32>
      %max3A_1940 = vector.broadcast %slice3A_1813 : vector<512x1xf32> to vector<512x1536xf32>
      %max3A_1941 = vector.broadcast %get3A_1927 : vector<1x1536xf32> to vector<512x1536xf32>
      %max3A_1942 = arith.maximumf %max3A_1940, %max3A_1941 : vector<512x1536xf32>
      %min3A_1943 = vector.broadcast %slice3A_1814 : vector<512x1xf32> to vector<512x1536xf32>
      %min3A_1944 = vector.broadcast %get3A_1930 : vector<1x1536xf32> to vector<512x1536xf32>
      %min3A_1945 = arith.minimumf %min3A_1943, %min3A_1944 : vector<512x1536xf32>
      %min3A_1946 = vector.broadcast %slice3A_1815 : vector<512x1xf32> to vector<512x1536xf32>
      %min3A_1947 = vector.broadcast %get3A_1933 : vector<1x1536xf32> to vector<512x1536xf32>
      %min3A_1948 = arith.minimumf %min3A_1946, %min3A_1947 : vector<512x1536xf32>
      %sub3A_1949 = arith.subf %min3A_1945, %max3A_1939 : vector<512x1536xf32>
      %max3A_1950 = arith.constant 0.000000e+00 : f32
      %max3A_1951 = vector.broadcast %max3A_1950 : f32 to vector<512x1536xf32>
      %max3A_1952 = arith.maximumf %sub3A_1949, %max3A_1951 : vector<512x1536xf32>
      %sub3A_1953 = arith.subf %min3A_1948, %max3A_1942 : vector<512x1536xf32>
      %max3A_1954 = arith.constant 0.000000e+00 : f32
      %max3A_1955 = vector.broadcast %max3A_1954 : f32 to vector<512x1536xf32>
      %max3A_1956 = arith.maximumf %sub3A_1953, %max3A_1955 : vector<512x1536xf32>
      %mul3A_1957 = arith.mulf %max3A_1952, %max3A_1956 : vector<512x1536xf32>
      %add3A_1958 = vector.broadcast %slice3A_1816 : vector<512x1xf32> to vector<512x1536xf32>
      %add3A_1959 = vector.broadcast %get3A_1936 : vector<1x1536xf32> to vector<512x1536xf32>
      %add3A_1960 = arith.addf %add3A_1958, %add3A_1959 : vector<512x1536xf32>
      %sub3A_1961 = arith.subf %add3A_1960, %mul3A_1957 : vector<512x1536xf32>
      %div3A_1962 = arith.divf %mul3A_1957, %sub3A_1961 : vector<512x1536xf32>
      %gt3A_1963 = arith.constant 0.699999988 : f32
      %gt3A_1964 = vector.broadcast %gt3A_1963 : f32 to vector<512x1536xf32>
      %gt3A_1965 = arith.cmpf ogt, %div3A_1962, %gt3A_1964 : vector<512x1536xf32>
      %convert_element_type3A_1966 = arith.extui %gt3A_1965 : vector<512x1536xi1> to vector<512x1536xi32>
      %convert_element_type3A_1967 = arith.sitofp %convert_element_type3A_1966 : vector<512x1536xi32> to vector<512x1536xf32>
      %dot_general3A_1968 = arith.constant dense<0.000000e+00> : vector<1x1536xf32>
      %dot_general3A_1969 = tpu.matmul %while3A_1897#0, %convert_element_type3A_1967, %dot_general3A_1968 {dimension_numbers = #tpu.dot_dimension_numbers<[1], [0], [0], [1], [0, 0, 1, 1], [], []>, transpose_lhs_hint = false} : vector<1x512xf32>, vector<512x1536xf32>, vector<1x1536xf32> -> vector<1x1536xf32>
      %gt3A_1970 = arith.constant 0.000000e+00 : f32
      %gt3A_1971 = vector.broadcast %gt3A_1970 : f32 to vector<1x1536xf32>
      %gt3A_1972 = arith.cmpf ogt, %dot_general3A_1969, %gt3A_1971 : vector<1x1536xf32>
      %get3A_1973 = arith.constant 0 : index
      %get3A_1974 = arith.constant 3584 : index
      %get3A_1975 = vector.load %arg2[%get3A_1973, %get3A_1974] : memref<1x5120xf32, #tpu.memory_space<vmem>>, vector<1x1536xf32>
      %convert_element_type3A_1976 = arith.extui %gt3A_1972 : vector<1x1536xi1> to vector<1x1536xi32>
      %convert_element_type3A_1977 = arith.sitofp %convert_element_type3A_1976 : vector<1x1536xi32> to vector<1x1536xf32>
      %sub3A_1978 = arith.constant 1.000000e+00 : f32
      %sub3A_1979 = vector.broadcast %sub3A_1978 : f32 to vector<1x1536xf32>
      %sub3A_1980 = arith.subf %sub3A_1979, %convert_element_type3A_1977 : vector<1x1536xf32>
      %mul3A_1981 = arith.mulf %get3A_1975, %sub3A_1980 : vector<1x1536xf32>
      %swap3A_1982 = arith.constant 0 : index
      %swap3A_1983 = arith.constant 3584 : index
      %swap3A_1984 = vector.load %arg2[%swap3A_1982, %swap3A_1983] : memref<1x5120xf32, #tpu.memory_space<vmem>>, vector<1x1536xf32>
      tpu.vector_store %arg2[%swap3A_1982, %swap3A_1983], %mul3A_1981 {strides = array<i32>} : memref<1x5120xf32, #tpu.memory_space<vmem>>, vector<1x1536xf32>,
      %get3A_1985 = arith.constant 3 : index
      %get3A_1986 = arith.constant 0 : index
      %get3A_1987 = arith.constant 0 : index
      %get3A_1988 = vector.load %arg1[%get3A_1985, %get3A_1986, %get3A_1987] : memref<10x512x16xf32, #tpu.memory_space<vmem>>, vector<1x512x16xf32>
      %get3A_1989 = vector.shape_cast %get3A_1988 : vector<1x512x16xf32> to vector<512x16xf32>
      %slice3A_1990 = vector.extract_strided_slice %get3A_1989 {offsets = [0, 0], sizes = [512, 1], strides = [1, 1]} : vector<512x16xf32> to vector<512x1xf32>
      %slice3A_1991 = vector.extract_strided_slice %get3A_1989 {offsets = [0, 1], sizes = [512, 1], strides = [1, 1]} : vector<512x16xf32> to vector<512x1xf32>
      %slice3A_1992 = vector.extract_strided_slice %get3A_1989 {offsets = [0, 2], sizes = [512, 1], strides = [1, 1]} : vector<512x16xf32> to vector<512x1xf32>
      %slice3A_1993 = vector.extract_strided_slice %get3A_1989 {offsets = [0, 3], sizes = [512, 1], strides = [1, 1]} : vector<512x16xf32> to vector<512x1xf32>
      %slice3A_1994 = vector.extract_strided_slice %get3A_1989 {offsets = [0, 5], sizes = [512, 1], strides = [1, 1]} : vector<512x16xf32> to vector<512x1xf32>
      %get3A_1995 = arith.constant 0 : index
      %get3A_1996 = arith.constant 1536 : index
      %get3A_1997 = vector.load %arg0[%get3A_1995, %get3A_1996] : memref<8x5120xf32, #tpu.memory_space<vmem>>, vector<1x2560xf32>
      %get3A_1998 = arith.constant 1 : index
      %get3A_1999 = arith.constant 1536 : index
      %get3A_2000 = vector.load %arg0[%get3A_1998, %get3A_1999] : memref<8x5120xf32, #tpu.memory_space<vmem>>, vector<1x2560xf32>
      %get3A_2001 = arith.constant 2 : index
      %get3A_2002 = arith.constant 1536 : index
      %get3A_2003 = vector.load %arg0[%get3A_2001, %get3A_2002] : memref<8x5120xf32, #tpu.memory_space<vmem>>, vector<1x2560xf32>
      %get3A_2004 = arith.constant 3 : index
      %get3A_2005 = arith.constant 1536 : index
      %get3A_2006 = vector.load %arg0[%get3A_2004, %get3A_2005] : memref<8x5120xf32, #tpu.memory_space<vmem>>, vector<1x2560xf32>
      %get3A_2007 = arith.constant 5 : index
      %get3A_2008 = arith.constant 1536 : index
      %get3A_2009 = vector.load %arg0[%get3A_2007, %get3A_2008] : memref<8x5120xf32, #tpu.memory_space<vmem>>, vector<1x2560xf32>
      %max3A_2010 = vector.broadcast %slice3A_1990 : vector<512x1xf32> to vector<512x2560xf32>
      %max3A_2011 = vector.broadcast %get3A_1997 : vector<1x2560xf32> to vector<512x2560xf32>
      %max3A_2012 = arith.maximumf %max3A_2010, %max3A_2011 : vector<512x2560xf32>
      %max3A_2013 = vector.broadcast %slice3A_1991 : vector<512x1xf32> to vector<512x2560xf32>
      %max3A_2014 = vector.broadcast %get3A_2000 : vector<1x2560xf32> to vector<512x2560xf32>
      %max3A_2015 = arith.maximumf %max3A_2013, %max3A_2014 : vector<512x2560xf32>
      %min3A_2016 = vector.broadcast %slice3A_1992 : vector<512x1xf32> to vector<512x2560xf32>
      %min3A_2017 = vector.broadcast %get3A_2003 : vector<1x2560xf32> to vector<512x2560xf32>
      %min3A_2018 = arith.minimumf %min3A_2016, %min3A_2017 : vector<512x2560xf32>
      %min3A_2019 = vector.broadcast %slice3A_1993 : vector<512x1xf32> to vector<512x2560xf32>
      %min3A_2020 = vector.broadcast %get3A_2006 : vector<1x2560xf32> to vector<512x2560xf32>
      %min3A_2021 = arith.minimumf %min3A_2019, %min3A_2020 : vector<512x2560xf32>
      %sub3A_2022 = arith.subf %min3A_2018, %max3A_2012 : vector<512x2560xf32>
      %max3A_2023 = arith.constant 0.000000e+00 : f32
      %max3A_2024 = vector.broadcast %max3A_2023 : f32 to vector<512x2560xf32>
      %max3A_2025 = arith.maximumf %sub3A_2022, %max3A_2024 : vector<512x2560xf32>
      %sub3A_2026 = arith.subf %min3A_2021, %max3A_2015 : vector<512x2560xf32>
      %max3A_2027 = arith.constant 0.000000e+00 : f32
      %max3A_2028 = vector.broadcast %max3A_2027 : f32 to vector<512x2560xf32>
      %max3A_2029 = arith.maximumf %sub3A_2026, %max3A_2028 : vector<512x2560xf32>
      %mul3A_2030 = arith.mulf %max3A_2025, %max3A_2029 : vector<512x2560xf32>
      %add3A_2031 = vector.broadcast %slice3A_1994 : vector<512x1xf32> to vector<512x2560xf32>
      %add3A_2032 = vector.broadcast %get3A_2009 : vector<1x2560xf32> to vector<512x2560xf32>
      %add3A_2033 = arith.addf %add3A_2031, %add3A_2032 : vector<512x2560xf32>
      %sub3A_2034 = arith.subf %add3A_2033, %mul3A_2030 : vector<512x2560xf32>
      %div3A_2035 = arith.divf %mul3A_2030, %sub3A_2034 : vector<512x2560xf32>
      %gt3A_2036 = arith.constant 0.699999988 : f32
      %gt3A_2037 = vector.broadcast %gt3A_2036 : f32 to vector<512x2560xf32>
      %gt3A_2038 = arith.cmpf ogt, %div3A_2035, %gt3A_2037 : vector<512x2560xf32>
      %convert_element_type3A_2039 = arith.extui %gt3A_2038 : vector<512x2560xi1> to vector<512x2560xi32>
      %convert_element_type3A_2040 = arith.sitofp %convert_element_type3A_2039 : vector<512x2560xi32> to vector<512x2560xf32>
      %slice3A_2041 = vector.extract_strided_slice %convert_element_type3A_2040 {offsets = [0, 0], sizes = [512, 512], strides = [1, 1]} : vector<512x2560xf32> to vector<512x512xf32>
      %mul3A_2042 = arith.mulf %slice3A_2041, %convert_element_type3A_1 : vector<512x512xf32>
      %get3A_2043 = arith.constant 0 : index
      %get3A_2044 = arith.constant 1536 : index
      %get3A_2045 = vector.load %arg2[%get3A_2043, %get3A_2044] : memref<1x5120xf32, #tpu.memory_space<vmem>>, vector<1x512xf32>
      %dot_general3A_2046 = arith.constant dense<0.000000e+00> : vector<1x512xf32>
      %dot_general3A_2047 = tpu.matmul %get3A_2045, %mul3A_2042, %dot_general3A_2046 {dimension_numbers = #tpu.dot_dimension_numbers<[1], [0], [0], [1], [0, 0, 1, 1], [], []>, transpose_lhs_hint = false} : vector<1x512xf32>, vector<512x512xf32>, vector<1x512xf32> -> vector<1x512xf32>
      %eq3A_2048 = arith.constant 0.000000e+00 : f32
      %eq3A_2049 = vector.broadcast %eq3A_2048 : f32 to vector<1x512xf32>
      %eq3A_2050 = arith.cmpf oeq, %dot_general3A_2047, %eq3A_2049 : vector<1x512xf32>
      %convert_element_type3A_2051 = arith.extui %eq3A_2050 : vector<1x512xi1> to vector<1x512xi32>
      %convert_element_type3A_2052 = arith.sitofp %convert_element_type3A_2051 : vector<1x512xi32> to vector<1x512xf32>
      %mul3A_2053 = arith.mulf %get3A_2045, %convert_element_type3A_2052 : vector<1x512xf32>
      %dot_general3A_2054 = arith.constant dense<0.000000e+00> : vector<1x512xf32>
      %dot_general3A_2055 = tpu.matmul %mul3A_2053, %mul3A_2042, %dot_general3A_2054 {dimension_numbers = #tpu.dot_dimension_numbers<[1], [0], [0], [1], [0, 0, 1, 1], [], []>, transpose_lhs_hint = false} : vector<1x512xf32>, vector<512x512xf32>, vector<1x512xf32> -> vector<1x512xf32>
      %eq3A_2056 = arith.constant 0.000000e+00 : f32
      %eq3A_2057 = vector.broadcast %eq3A_2056 : f32 to vector<1x512xf32>
      %eq3A_2058 = arith.cmpf oeq, %dot_general3A_2055, %eq3A_2057 : vector<1x512xf32>
      %convert_element_type3A_2059 = arith.extui %eq3A_2058 : vector<1x512xi1> to vector<1x512xi32>
      %convert_element_type3A_2060 = arith.sitofp %convert_element_type3A_2059 : vector<1x512xi32> to vector<1x512xf32>
      %mul3A_2061 = arith.mulf %get3A_2045, %convert_element_type3A_2060 : vector<1x512xf32>
      %ne3A_2062 = arith.cmpf one, %mul3A_2061, %mul3A_2053 : vector<1x512xf32>
      %reduce_or3A_2063 = arith.constant 1.000000e+00 : f32
      %reduce_or3A_2064 = arith.constant 0.000000e+00 : f32
      %reduce_or3A_2065 = vector.broadcast %reduce_or3A_2063 : f32 to vector<1x512xf32>
      %reduce_or3A_2066 = vector.broadcast %reduce_or3A_2064 : f32 to vector<1x512xf32>
      %reduce_or3A_2067 = arith.select %ne3A_2062, %reduce_or3A_2065, %reduce_or3A_2066 : vector<1x512xi1>, vector<1x512xf32>
      %reduce_or3A_2068 = vector.shape_cast %reduce_or3A_2067 : vector<1x512xf32> to vector<1x1x512xf32>
      %reduce_or3A_2069 = arith.constant dense<0xFF800000> : vector<1xf32>
      %reduce_or3A_2070 = vector.multi_reduction <maximumf>, %reduce_or3A_2068, %reduce_or3A_2069 [1, 2] : vector<1x1x512xf32> to vector<1xf32>
      %reduce_or3A_2071 = vector.shape_cast %reduce_or3A_2070 : vector<1xf32> to vector<1x1x1xf32>
      %reduce_or3A_2072 = vector.extract %reduce_or3A_2071[0, 0, 0] : f32 from vector<1x1x1xf32>
      %reduce_or3A_2073 = arith.constant 0.000000e+00 : f32
      %reduce_or3A_2074 = arith.cmpf ogt, %reduce_or3A_2072, %reduce_or3A_2073 : f32
      %while3A_2075:2 = scf.while (%while3A_2919 = %mul3A_2061, %while3A_2920 = %reduce_or3A_2074) : (vector<1x512xf32>, i1) -> (vector<1x512xf32>, i1) {
        scf.condition(%while3A_2920) %while3A_2919, %while3A_2920 : vector<1x512xf32>, i1
      } do {
      ^bb0(%while3A_2919: vector<1x512xf32>, %while3A_2920: i1):
        %dot_general3A_2921 = arith.constant dense<0.000000e+00> : vector<1x512xf32>
        %dot_general3A_2922 = tpu.matmul %while3A_2919, %mul3A_2042, %dot_general3A_2921 {dimension_numbers = #tpu.dot_dimension_numbers<[1], [0], [0], [1], [0, 0, 1, 1], [], []>, transpose_lhs_hint = false} : vector<1x512xf32>, vector<512x512xf32>, vector<1x512xf32> -> vector<1x512xf32>
        %eq3A_2923 = arith.constant 0.000000e+00 : f32
        %eq3A_2924 = vector.broadcast %eq3A_2923 : f32 to vector<1x512xf32>
        %eq3A_2925 = arith.cmpf oeq, %dot_general3A_2922, %eq3A_2924 : vector<1x512xf32>
        %convert_element_type3A_2926 = arith.extui %eq3A_2925 : vector<1x512xi1> to vector<1x512xi32>
        %convert_element_type3A_2927 = arith.sitofp %convert_element_type3A_2926 : vector<1x512xi32> to vector<1x512xf32>
        %mul3A_2928 = arith.mulf %get3A_2045, %convert_element_type3A_2927 : vector<1x512xf32>
        %ne3A_2929 = arith.cmpf one, %mul3A_2928, %while3A_2919 : vector<1x512xf32>
        %reduce_or3A_2930 = arith.constant 1.000000e+00 : f32
        %reduce_or3A_2931 = arith.constant 0.000000e+00 : f32
        %reduce_or3A_2932 = vector.broadcast %reduce_or3A_2930 : f32 to vector<1x512xf32>
        %reduce_or3A_2933 = vector.broadcast %reduce_or3A_2931 : f32 to vector<1x512xf32>
        %reduce_or3A_2934 = arith.select %ne3A_2929, %reduce_or3A_2932, %reduce_or3A_2933 : vector<1x512xi1>, vector<1x512xf32>
        %reduce_or3A_2935 = vector.shape_cast %reduce_or3A_2934 : vector<1x512xf32> to vector<1x1x512xf32>
        %reduce_or3A_2936 = arith.constant dense<0xFF800000> : vector<1xf32>
        %reduce_or3A_2937 = vector.multi_reduction <maximumf>, %reduce_or3A_2935, %reduce_or3A_2936 [1, 2] : vector<1x1x512xf32> to vector<1xf32>
        %reduce_or3A_2938 = vector.shape_cast %reduce_or3A_2937 : vector<1xf32> to vector<1x1x1xf32>
        %reduce_or3A_2939 = vector.extract %reduce_or3A_2938[0, 0, 0] : f32 from vector<1x1x1xf32>
        %reduce_or3A_2940 = arith.constant 0.000000e+00 : f32
        %reduce_or3A_2941 = arith.cmpf ogt, %reduce_or3A_2939, %reduce_or3A_2940 : f32
        scf.yield %mul3A_2928, %reduce_or3A_2941 : vector<1x512xf32>, i1
      }
      %swap3A_2076 = arith.constant 0 : index
      %swap3A_2077 = arith.constant 1536 : index
      %swap3A_2078 = vector.load %arg2[%swap3A_2076, %swap3A_2077] : memref<1x5120xf32, #tpu.memory_space<vmem>>, vector<1x512xf32>
      tpu.vector_store %arg2[%swap3A_2076, %swap3A_2077], %while3A_2075#0 {strides = array<i32>} : memref<1x5120xf32, #tpu.memory_space<vmem>>, vector<1x512xf32>,
      %dot_general3A_2079 = arith.constant dense<0.000000e+00> : vector<1x2560xf32>
      %dot_general3A_2080 = tpu.matmul %while3A_2075#0, %convert_element_type3A_2040, %dot_general3A_2079 {dimension_numbers = #tpu.dot_dimension_numbers<[1], [0], [0], [1], [0, 0, 1, 1], [], []>, transpose_lhs_hint = false} : vector<1x512xf32>, vector<512x2560xf32>, vector<1x2560xf32> -> vector<1x2560xf32>
      %gt3A_2081 = arith.constant 0.000000e+00 : f32
      %gt3A_2082 = vector.broadcast %gt3A_2081 : f32 to vector<1x2560xf32>
      %gt3A_2083 = arith.cmpf ogt, %dot_general3A_2080, %gt3A_2082 : vector<1x2560xf32>
      %ge3A_2084 = arith.constant 512 : i32
      %ge3A_2085 = vector.broadcast %ge3A_2084 : i32 to vector<1x2560xi32>
      %ge3A_2086 = arith.cmpi sge, %iota3A_2, %ge3A_2085 : vector<1x2560xi32>
      %and3A_2087 = arith.andi %gt3A_2083, %ge3A_2086 : vector<1x2560xi1>
      %get3A_2088 = arith.constant 0 : index
      %get3A_2089 = arith.constant 1536 : index
      %get3A_2090 = vector.load %arg2[%get3A_2088, %get3A_2089] : memref<1x5120xf32, #tpu.memory_space<vmem>>, vector<1x2560xf32>
      %convert_element_type3A_2091 = arith.extui %and3A_2087 : vector<1x2560xi1> to vector<1x2560xi32>
      %convert_element_type3A_2092 = arith.sitofp %convert_element_type3A_2091 : vector<1x2560xi32> to vector<1x2560xf32>
      %sub3A_2093 = arith.constant 1.000000e+00 : f32
      %sub3A_2094 = vector.broadcast %sub3A_2093 : f32 to vector<1x2560xf32>
      %sub3A_2095 = arith.subf %sub3A_2094, %convert_element_type3A_2092 : vector<1x2560xf32>
      %mul3A_2096 = arith.mulf %get3A_2090, %sub3A_2095 : vector<1x2560xf32>
      %swap3A_2097 = arith.constant 0 : index
      %swap3A_2098 = arith.constant 1536 : index
      %swap3A_2099 = vector.load %arg2[%swap3A_2097, %swap3A_2098] : memref<1x5120xf32, #tpu.memory_space<vmem>>, vector<1x2560xf32>
      tpu.vector_store %arg2[%swap3A_2097, %swap3A_2098], %mul3A_2096 {strides = array<i32>} : memref<1x5120xf32, #tpu.memory_space<vmem>>, vector<1x2560xf32>,
      %get3A_2100 = arith.constant 0 : index
      %get3A_2101 = arith.constant 4096 : index
      %get3A_2102 = vector.load %arg0[%get3A_2100, %get3A_2101] : memref<8x5120xf32, #tpu.memory_space<vmem>>, vector<1x1024xf32>
      %get3A_2103 = arith.constant 1 : index
      %get3A_2104 = arith.constant 4096 : index
      %get3A_2105 = vector.load %arg0[%get3A_2103, %get3A_2104] : memref<8x5120xf32, #tpu.memory_space<vmem>>, vector<1x1024xf32>
      %get3A_2106 = arith.constant 2 : index
      %get3A_2107 = arith.constant 4096 : index
      %get3A_2108 = vector.load %arg0[%get3A_2106, %get3A_2107] : memref<8x5120xf32, #tpu.memory_space<vmem>>, vector<1x1024xf32>
      %get3A_2109 = arith.constant 3 : index
      %get3A_2110 = arith.constant 4096 : index
      %get3A_2111 = vector.load %arg0[%get3A_2109, %get3A_2110] : memref<8x5120xf32, #tpu.memory_space<vmem>>, vector<1x1024xf32>
      %get3A_2112 = arith.constant 5 : index
      %get3A_2113 = arith.constant 4096 : index
      %get3A_2114 = vector.load %arg0[%get3A_2112, %get3A_2113] : memref<8x5120xf32, #tpu.memory_space<vmem>>, vector<1x1024xf32>
      %max3A_2115 = vector.broadcast %slice3A_1990 : vector<512x1xf32> to vector<512x1024xf32>
      %max3A_2116 = vector.broadcast %get3A_2102 : vector<1x1024xf32> to vector<512x1024xf32>
      %max3A_2117 = arith.maximumf %max3A_2115, %max3A_2116 : vector<512x1024xf32>
      %max3A_2118 = vector.broadcast %slice3A_1991 : vector<512x1xf32> to vector<512x1024xf32>
      %max3A_2119 = vector.broadcast %get3A_2105 : vector<1x1024xf32> to vector<512x1024xf32>
      %max3A_2120 = arith.maximumf %max3A_2118, %max3A_2119 : vector<512x1024xf32>
      %min3A_2121 = vector.broadcast %slice3A_1992 : vector<512x1xf32> to vector<512x1024xf32>
      %min3A_2122 = vector.broadcast %get3A_2108 : vector<1x1024xf32> to vector<512x1024xf32>
      %min3A_2123 = arith.minimumf %min3A_2121, %min3A_2122 : vector<512x1024xf32>
      %min3A_2124 = vector.broadcast %slice3A_1993 : vector<512x1xf32> to vector<512x1024xf32>
      %min3A_2125 = vector.broadcast %get3A_2111 : vector<1x1024xf32> to vector<512x1024xf32>
      %min3A_2126 = arith.minimumf %min3A_2124, %min3A_2125 : vector<512x1024xf32>
      %sub3A_2127 = arith.subf %min3A_2123, %max3A_2117 : vector<512x1024xf32>
      %max3A_2128 = arith.constant 0.000000e+00 : f32
      %max3A_2129 = vector.broadcast %max3A_2128 : f32 to vector<512x1024xf32>
      %max3A_2130 = arith.maximumf %sub3A_2127, %max3A_2129 : vector<512x1024xf32>
      %sub3A_2131 = arith.subf %min3A_2126, %max3A_2120 : vector<512x1024xf32>
      %max3A_2132 = arith.constant 0.000000e+00 : f32
      %max3A_2133 = vector.broadcast %max3A_2132 : f32 to vector<512x1024xf32>
      %max3A_2134 = arith.maximumf %sub3A_2131, %max3A_2133 : vector<512x1024xf32>
      %mul3A_2135 = arith.mulf %max3A_2130, %max3A_2134 : vector<512x1024xf32>
      %add3A_2136 = vector.broadcast %slice3A_1994 : vector<512x1xf32> to vector<512x1024xf32>
      %add3A_2137 = vector.broadcast %get3A_2114 : vector<1x1024xf32> to vector<512x1024xf32>
      %add3A_2138 = arith.addf %add3A_2136, %add3A_2137 : vector<512x1024xf32>
      %sub3A_2139 = arith.subf %add3A_2138, %mul3A_2135 : vector<512x1024xf32>
      %div3A_2140 = arith.divf %mul3A_2135, %sub3A_2139 : vector<512x1024xf32>
      %gt3A_2141 = arith.constant 0.699999988 : f32
      %gt3A_2142 = vector.broadcast %gt3A_2141 : f32 to vector<512x1024xf32>
      %gt3A_2143 = arith.cmpf ogt, %div3A_2140, %gt3A_2142 : vector<512x1024xf32>
      %convert_element_type3A_2144 = arith.extui %gt3A_2143 : vector<512x1024xi1> to vector<512x1024xi32>
      %convert_element_type3A_2145 = arith.sitofp %convert_element_type3A_2144 : vector<512x1024xi32> to vector<512x1024xf32>
      %dot_general3A_2146 = arith.constant dense<0.000000e+00> : vector<1x1024xf32>
      %dot_general3A_2147 = tpu.matmul %while3A_2075#0, %convert_element_type3A_2145, %dot_general3A_2146 {dimension_numbers = #tpu.dot_dimension_numbers<[1], [0], [0], [1], [0, 0, 1, 1], [], []>, transpose_lhs_hint = false} : vector<1x512xf32>, vector<512x1024xf32>, vector<1x1024xf32> -> vector<1x1024xf32>
      %gt3A_2148 = arith.constant 0.000000e+00 : f32
      %gt3A_2149 = vector.broadcast %gt3A_2148 : f32 to vector<1x1024xf32>
      %gt3A_2150 = arith.cmpf ogt, %dot_general3A_2147, %gt3A_2149 : vector<1x1024xf32>
      %get3A_2151 = arith.constant 0 : index
      %get3A_2152 = arith.constant 4096 : index
      %get3A_2153 = vector.load %arg2[%get3A_2151, %get3A_2152] : memref<1x5120xf32, #tpu.memory_space<vmem>>, vector<1x1024xf32>
      %convert_element_type3A_2154 = arith.extui %gt3A_2150 : vector<1x1024xi1> to vector<1x1024xi32>
      %convert_element_type3A_2155 = arith.sitofp %convert_element_type3A_2154 : vector<1x1024xi32> to vector<1x1024xf32>
      %sub3A_2156 = arith.constant 1.000000e+00 : f32
      %sub3A_2157 = vector.broadcast %sub3A_2156 : f32 to vector<1x1024xf32>
      %sub3A_2158 = arith.subf %sub3A_2157, %convert_element_type3A_2155 : vector<1x1024xf32>
      %mul3A_2159 = arith.mulf %get3A_2153, %sub3A_2158 : vector<1x1024xf32>
      %swap3A_2160 = arith.constant 0 : index
      %swap3A_2161 = arith.constant 4096 : index
      %swap3A_2162 = vector.load %arg2[%swap3A_2160, %swap3A_2161] : memref<1x5120xf32, #tpu.memory_space<vmem>>, vector<1x1024xf32>
      tpu.vector_store %arg2[%swap3A_2160, %swap3A_2161], %mul3A_2159 {strides = array<i32>} : memref<1x5120xf32, #tpu.memory_space<vmem>>, vector<1x1024xf32>,
      %get3A_2163 = arith.constant 4 : index
      %get3A_2164 = arith.constant 0 : index
      %get3A_2165 = arith.constant 0 : index
      %get3A_2166 = vector.load %arg1[%get3A_2163, %get3A_2164, %get3A_2165] : memref<10x512x16xf32, #tpu.memory_space<vmem>>, vector<1x512x16xf32>
      %get3A_2167 = vector.shape_cast %get3A_2166 : vector<1x512x16xf32> to vector<512x16xf32>
      %slice3A_2168 = vector.extract_strided_slice %get3A_2167 {offsets = [0, 0], sizes = [512, 1], strides = [1, 1]} : vector<512x16xf32> to vector<512x1xf32>
      %slice3A_2169 = vector.extract_strided_slice %get3A_2167 {offsets = [0, 1], sizes = [512, 1], strides = [1, 1]} : vector<512x16xf32> to vector<512x1xf32>
      %slice3A_2170 = vector.extract_strided_slice %get3A_2167 {offsets = [0, 2], sizes = [512, 1], strides = [1, 1]} : vector<512x16xf32> to vector<512x1xf32>
      %slice3A_2171 = vector.extract_strided_slice %get3A_2167 {offsets = [0, 3], sizes = [512, 1], strides = [1, 1]} : vector<512x16xf32> to vector<512x1xf32>
      %slice3A_2172 = vector.extract_strided_slice %get3A_2167 {offsets = [0, 5], sizes = [512, 1], strides = [1, 1]} : vector<512x16xf32> to vector<512x1xf32>
      %get3A_2173 = arith.constant 0 : index
      %get3A_2174 = arith.constant 2048 : index
      %get3A_2175 = vector.load %arg0[%get3A_2173, %get3A_2174] : memref<8x5120xf32, #tpu.memory_space<vmem>>, vector<1x2560xf32>
      %get3A_2176 = arith.constant 1 : index
      %get3A_2177 = arith.constant 2048 : index
      %get3A_2178 = vector.load %arg0[%get3A_2176, %get3A_2177] : memref<8x5120xf32, #tpu.memory_space<vmem>>, vector<1x2560xf32>
      %get3A_2179 = arith.constant 2 : index
      %get3A_2180 = arith.constant 2048 : index
      %get3A_2181 = vector.load %arg0[%get3A_2179, %get3A_2180] : memref<8x5120xf32, #tpu.memory_space<vmem>>, vector<1x2560xf32>
      %get3A_2182 = arith.constant 3 : index
      %get3A_2183 = arith.constant 2048 : index
      %get3A_2184 = vector.load %arg0[%get3A_2182, %get3A_2183] : memref<8x5120xf32, #tpu.memory_space<vmem>>, vector<1x2560xf32>
      %get3A_2185 = arith.constant 5 : index
      %get3A_2186 = arith.constant 2048 : index
      %get3A_2187 = vector.load %arg0[%get3A_2185, %get3A_2186] : memref<8x5120xf32, #tpu.memory_space<vmem>>, vector<1x2560xf32>
      %max3A_2188 = vector.broadcast %slice3A_2168 : vector<512x1xf32> to vector<512x2560xf32>
      %max3A_2189 = vector.broadcast %get3A_2175 : vector<1x2560xf32> to vector<512x2560xf32>
      %max3A_2190 = arith.maximumf %max3A_2188, %max3A_2189 : vector<512x2560xf32>
      %max3A_2191 = vector.broadcast %slice3A_2169 : vector<512x1xf32> to vector<512x2560xf32>
      %max3A_2192 = vector.broadcast %get3A_2178 : vector<1x2560xf32> to vector<512x2560xf32>
      %max3A_2193 = arith.maximumf %max3A_2191, %max3A_2192 : vector<512x2560xf32>
      %min3A_2194 = vector.broadcast %slice3A_2170 : vector<512x1xf32> to vector<512x2560xf32>
      %min3A_2195 = vector.broadcast %get3A_2181 : vector<1x2560xf32> to vector<512x2560xf32>
      %min3A_2196 = arith.minimumf %min3A_2194, %min3A_2195 : vector<512x2560xf32>
      %min3A_2197 = vector.broadcast %slice3A_2171 : vector<512x1xf32> to vector<512x2560xf32>
      %min3A_2198 = vector.broadcast %get3A_2184 : vector<1x2560xf32> to vector<512x2560xf32>
      %min3A_2199 = arith.minimumf %min3A_2197, %min3A_2198 : vector<512x2560xf32>
      %sub3A_2200 = arith.subf %min3A_2196, %max3A_2190 : vector<512x2560xf32>
      %max3A_2201 = arith.constant 0.000000e+00 : f32
      %max3A_2202 = vector.broadcast %max3A_2201 : f32 to vector<512x2560xf32>
      %max3A_2203 = arith.maximumf %sub3A_2200, %max3A_2202 : vector<512x2560xf32>
      %sub3A_2204 = arith.subf %min3A_2199, %max3A_2193 : vector<512x2560xf32>
      %max3A_2205 = arith.constant 0.000000e+00 : f32
      %max3A_2206 = vector.broadcast %max3A_2205 : f32 to vector<512x2560xf32>
      %max3A_2207 = arith.maximumf %sub3A_2204, %max3A_2206 : vector<512x2560xf32>
      %mul3A_2208 = arith.mulf %max3A_2203, %max3A_2207 : vector<512x2560xf32>
      %add3A_2209 = vector.broadcast %slice3A_2172 : vector<512x1xf32> to vector<512x2560xf32>
      %add3A_2210 = vector.broadcast %get3A_2187 : vector<1x2560xf32> to vector<512x2560xf32>
      %add3A_2211 = arith.addf %add3A_2209, %add3A_2210 : vector<512x2560xf32>
      %sub3A_2212 = arith.subf %add3A_2211, %mul3A_2208 : vector<512x2560xf32>
      %div3A_2213 = arith.divf %mul3A_2208, %sub3A_2212 : vector<512x2560xf32>
      %gt3A_2214 = arith.constant 0.699999988 : f32
      %gt3A_2215 = vector.broadcast %gt3A_2214 : f32 to vector<512x2560xf32>
      %gt3A_2216 = arith.cmpf ogt, %div3A_2213, %gt3A_2215 : vector<512x2560xf32>
      %convert_element_type3A_2217 = arith.extui %gt3A_2216 : vector<512x2560xi1> to vector<512x2560xi32>
      %convert_element_type3A_2218 = arith.sitofp %convert_element_type3A_2217 : vector<512x2560xi32> to vector<512x2560xf32>
      %slice3A_2219 = vector.extract_strided_slice %convert_element_type3A_2218 {offsets = [0, 0], sizes = [512, 512], strides = [1, 1]} : vector<512x2560xf32> to vector<512x512xf32>
      %mul3A_2220 = arith.mulf %slice3A_2219, %convert_element_type3A_1 : vector<512x512xf32>
      %get3A_2221 = arith.constant 0 : index
      %get3A_2222 = arith.constant 2048 : index
      %get3A_2223 = vector.load %arg2[%get3A_2221, %get3A_2222] : memref<1x5120xf32, #tpu.memory_space<vmem>>, vector<1x512xf32>
      %dot_general3A_2224 = arith.constant dense<0.000000e+00> : vector<1x512xf32>
      %dot_general3A_2225 = tpu.matmul %get3A_2223, %mul3A_2220, %dot_general3A_2224 {dimension_numbers = #tpu.dot_dimension_numbers<[1], [0], [0], [1], [0, 0, 1, 1], [], []>, transpose_lhs_hint = false} : vector<1x512xf32>, vector<512x512xf32>, vector<1x512xf32> -> vector<1x512xf32>
      %eq3A_2226 = arith.constant 0.000000e+00 : f32
      %eq3A_2227 = vector.broadcast %eq3A_2226 : f32 to vector<1x512xf32>
      %eq3A_2228 = arith.cmpf oeq, %dot_general3A_2225, %eq3A_2227 : vector<1x512xf32>
      %convert_element_type3A_2229 = arith.extui %eq3A_2228 : vector<1x512xi1> to vector<1x512xi32>
      %convert_element_type3A_2230 = arith.sitofp %convert_element_type3A_2229 : vector<1x512xi32> to vector<1x512xf32>
      %mul3A_2231 = arith.mulf %get3A_2223, %convert_element_type3A_2230 : vector<1x512xf32>
      %dot_general3A_2232 = arith.constant dense<0.000000e+00> : vector<1x512xf32>
      %dot_general3A_2233 = tpu.matmul %mul3A_2231, %mul3A_2220, %dot_general3A_2232 {dimension_numbers = #tpu.dot_dimension_numbers<[1], [0], [0], [1], [0, 0, 1, 1], [], []>, transpose_lhs_hint = false} : vector<1x512xf32>, vector<512x512xf32>, vector<1x512xf32> -> vector<1x512xf32>
      %eq3A_2234 = arith.constant 0.000000e+00 : f32
      %eq3A_2235 = vector.broadcast %eq3A_2234 : f32 to vector<1x512xf32>
      %eq3A_2236 = arith.cmpf oeq, %dot_general3A_2233, %eq3A_2235 : vector<1x512xf32>
      %convert_element_type3A_2237 = arith.extui %eq3A_2236 : vector<1x512xi1> to vector<1x512xi32>
      %convert_element_type3A_2238 = arith.sitofp %convert_element_type3A_2237 : vector<1x512xi32> to vector<1x512xf32>
      %mul3A_2239 = arith.mulf %get3A_2223, %convert_element_type3A_2238 : vector<1x512xf32>
      %ne3A_2240 = arith.cmpf one, %mul3A_2239, %mul3A_2231 : vector<1x512xf32>
      %reduce_or3A_2241 = arith.constant 1.000000e+00 : f32
      %reduce_or3A_2242 = arith.constant 0.000000e+00 : f32
      %reduce_or3A_2243 = vector.broadcast %reduce_or3A_2241 : f32 to vector<1x512xf32>
      %reduce_or3A_2244 = vector.broadcast %reduce_or3A_2242 : f32 to vector<1x512xf32>
      %reduce_or3A_2245 = arith.select %ne3A_2240, %reduce_or3A_2243, %reduce_or3A_2244 : vector<1x512xi1>, vector<1x512xf32>
      %reduce_or3A_2246 = vector.shape_cast %reduce_or3A_2245 : vector<1x512xf32> to vector<1x1x512xf32>
      %reduce_or3A_2247 = arith.constant dense<0xFF800000> : vector<1xf32>
      %reduce_or3A_2248 = vector.multi_reduction <maximumf>, %reduce_or3A_2246, %reduce_or3A_2247 [1, 2] : vector<1x1x512xf32> to vector<1xf32>
      %reduce_or3A_2249 = vector.shape_cast %reduce_or3A_2248 : vector<1xf32> to vector<1x1x1xf32>
      %reduce_or3A_2250 = vector.extract %reduce_or3A_2249[0, 0, 0] : f32 from vector<1x1x1xf32>
      %reduce_or3A_2251 = arith.constant 0.000000e+00 : f32
      %reduce_or3A_2252 = arith.cmpf ogt, %reduce_or3A_2250, %reduce_or3A_2251 : f32
      %while3A_2253:2 = scf.while (%while3A_2919 = %mul3A_2239, %while3A_2920 = %reduce_or3A_2252) : (vector<1x512xf32>, i1) -> (vector<1x512xf32>, i1) {
        scf.condition(%while3A_2920) %while3A_2919, %while3A_2920 : vector<1x512xf32>, i1
      } do {
      ^bb0(%while3A_2919: vector<1x512xf32>, %while3A_2920: i1):
        %dot_general3A_2921 = arith.constant dense<0.000000e+00> : vector<1x512xf32>
        %dot_general3A_2922 = tpu.matmul %while3A_2919, %mul3A_2220, %dot_general3A_2921 {dimension_numbers = #tpu.dot_dimension_numbers<[1], [0], [0], [1], [0, 0, 1, 1], [], []>, transpose_lhs_hint = false} : vector<1x512xf32>, vector<512x512xf32>, vector<1x512xf32> -> vector<1x512xf32>
        %eq3A_2923 = arith.constant 0.000000e+00 : f32
        %eq3A_2924 = vector.broadcast %eq3A_2923 : f32 to vector<1x512xf32>
        %eq3A_2925 = arith.cmpf oeq, %dot_general3A_2922, %eq3A_2924 : vector<1x512xf32>
        %convert_element_type3A_2926 = arith.extui %eq3A_2925 : vector<1x512xi1> to vector<1x512xi32>
        %convert_element_type3A_2927 = arith.sitofp %convert_element_type3A_2926 : vector<1x512xi32> to vector<1x512xf32>
        %mul3A_2928 = arith.mulf %get3A_2223, %convert_element_type3A_2927 : vector<1x512xf32>
        %ne3A_2929 = arith.cmpf one, %mul3A_2928, %while3A_2919 : vector<1x512xf32>
        %reduce_or3A_2930 = arith.constant 1.000000e+00 : f32
        %reduce_or3A_2931 = arith.constant 0.000000e+00 : f32
        %reduce_or3A_2932 = vector.broadcast %reduce_or3A_2930 : f32 to vector<1x512xf32>
        %reduce_or3A_2933 = vector.broadcast %reduce_or3A_2931 : f32 to vector<1x512xf32>
        %reduce_or3A_2934 = arith.select %ne3A_2929, %reduce_or3A_2932, %reduce_or3A_2933 : vector<1x512xi1>, vector<1x512xf32>
        %reduce_or3A_2935 = vector.shape_cast %reduce_or3A_2934 : vector<1x512xf32> to vector<1x1x512xf32>
        %reduce_or3A_2936 = arith.constant dense<0xFF800000> : vector<1xf32>
        %reduce_or3A_2937 = vector.multi_reduction <maximumf>, %reduce_or3A_2935, %reduce_or3A_2936 [1, 2] : vector<1x1x512xf32> to vector<1xf32>
        %reduce_or3A_2938 = vector.shape_cast %reduce_or3A_2937 : vector<1xf32> to vector<1x1x1xf32>
        %reduce_or3A_2939 = vector.extract %reduce_or3A_2938[0, 0, 0] : f32 from vector<1x1x1xf32>
        %reduce_or3A_2940 = arith.constant 0.000000e+00 : f32
        %reduce_or3A_2941 = arith.cmpf ogt, %reduce_or3A_2939, %reduce_or3A_2940 : f32
        scf.yield %mul3A_2928, %reduce_or3A_2941 : vector<1x512xf32>, i1
      }
      %swap3A_2254 = arith.constant 0 : index
      %swap3A_2255 = arith.constant 2048 : index
      %swap3A_2256 = vector.load %arg2[%swap3A_2254, %swap3A_2255] : memref<1x5120xf32, #tpu.memory_space<vmem>>, vector<1x512xf32>
      tpu.vector_store %arg2[%swap3A_2254, %swap3A_2255], %while3A_2253#0 {strides = array<i32>} : memref<1x5120xf32, #tpu.memory_space<vmem>>, vector<1x512xf32>,
      %dot_general3A_2257 = arith.constant dense<0.000000e+00> : vector<1x2560xf32>
      %dot_general3A_2258 = tpu.matmul %while3A_2253#0, %convert_element_type3A_2218, %dot_general3A_2257 {dimension_numbers = #tpu.dot_dimension_numbers<[1], [0], [0], [1], [0, 0, 1, 1], [], []>, transpose_lhs_hint = false} : vector<1x512xf32>, vector<512x2560xf32>, vector<1x2560xf32> -> vector<1x2560xf32>
      %gt3A_2259 = arith.constant 0.000000e+00 : f32
      %gt3A_2260 = vector.broadcast %gt3A_2259 : f32 to vector<1x2560xf32>
      %gt3A_2261 = arith.cmpf ogt, %dot_general3A_2258, %gt3A_2260 : vector<1x2560xf32>
      %ge3A_2262 = arith.constant 512 : i32
      %ge3A_2263 = vector.broadcast %ge3A_2262 : i32 to vector<1x2560xi32>
      %ge3A_2264 = arith.cmpi sge, %iota3A_2, %ge3A_2263 : vector<1x2560xi32>
      %and3A_2265 = arith.andi %gt3A_2261, %ge3A_2264 : vector<1x2560xi1>
      %get3A_2266 = arith.constant 0 : index
      %get3A_2267 = arith.constant 2048 : index
      %get3A_2268 = vector.load %arg2[%get3A_2266, %get3A_2267] : memref<1x5120xf32, #tpu.memory_space<vmem>>, vector<1x2560xf32>
      %convert_element_type3A_2269 = arith.extui %and3A_2265 : vector<1x2560xi1> to vector<1x2560xi32>
      %convert_element_type3A_2270 = arith.sitofp %convert_element_type3A_2269 : vector<1x2560xi32> to vector<1x2560xf32>
      %sub3A_2271 = arith.constant 1.000000e+00 : f32
      %sub3A_2272 = vector.broadcast %sub3A_2271 : f32 to vector<1x2560xf32>
      %sub3A_2273 = arith.subf %sub3A_2272, %convert_element_type3A_2270 : vector<1x2560xf32>
      %mul3A_2274 = arith.mulf %get3A_2268, %sub3A_2273 : vector<1x2560xf32>
      %swap3A_2275 = arith.constant 0 : index
      %swap3A_2276 = arith.constant 2048 : index
      %swap3A_2277 = vector.load %arg2[%swap3A_2275, %swap3A_2276] : memref<1x5120xf32, #tpu.memory_space<vmem>>, vector<1x2560xf32>
      tpu.vector_store %arg2[%swap3A_2275, %swap3A_2276], %mul3A_2274 {strides = array<i32>} : memref<1x5120xf32, #tpu.memory_space<vmem>>, vector<1x2560xf32>,
      %get3A_2278 = arith.constant 0 : index
      %get3A_2279 = arith.constant 4608 : index
      %get3A_2280 = vector.load %arg0[%get3A_2278, %get3A_2279] : memref<8x5120xf32, #tpu.memory_space<vmem>>, vector<1x512xf32>
      %get3A_2281 = arith.constant 1 : index
      %get3A_2282 = arith.constant 4608 : index
      %get3A_2283 = vector.load %arg0[%get3A_2281, %get3A_2282] : memref<8x5120xf32, #tpu.memory_space<vmem>>, vector<1x512xf32>
      %get3A_2284 = arith.constant 2 : index
      %get3A_2285 = arith.constant 4608 : index
      %get3A_2286 = vector.load %arg0[%get3A_2284, %get3A_2285] : memref<8x5120xf32, #tpu.memory_space<vmem>>, vector<1x512xf32>
      %get3A_2287 = arith.constant 3 : index
      %get3A_2288 = arith.constant 4608 : index
      %get3A_2289 = vector.load %arg0[%get3A_2287, %get3A_2288] : memref<8x5120xf32, #tpu.memory_space<vmem>>, vector<1x512xf32>
      %get3A_2290 = arith.constant 5 : index
      %get3A_2291 = arith.constant 4608 : index
      %get3A_2292 = vector.load %arg0[%get3A_2290, %get3A_2291] : memref<8x5120xf32, #tpu.memory_space<vmem>>, vector<1x512xf32>
      %max3A_2293 = vector.broadcast %slice3A_2168 : vector<512x1xf32> to vector<512x512xf32>
      %max3A_2294 = vector.broadcast %get3A_2280 : vector<1x512xf32> to vector<512x512xf32>
      %max3A_2295 = arith.maximumf %max3A_2293, %max3A_2294 : vector<512x512xf32>
      %max3A_2296 = vector.broadcast %slice3A_2169 : vector<512x1xf32> to vector<512x512xf32>
      %max3A_2297 = vector.broadcast %get3A_2283 : vector<1x512xf32> to vector<512x512xf32>
      %max3A_2298 = arith.maximumf %max3A_2296, %max3A_2297 : vector<512x512xf32>
      %min3A_2299 = vector.broadcast %slice3A_2170 : vector<512x1xf32> to vector<512x512xf32>
      %min3A_2300 = vector.broadcast %get3A_2286 : vector<1x512xf32> to vector<512x512xf32>
      %min3A_2301 = arith.minimumf %min3A_2299, %min3A_2300 : vector<512x512xf32>
      %min3A_2302 = vector.broadcast %slice3A_2171 : vector<512x1xf32> to vector<512x512xf32>
      %min3A_2303 = vector.broadcast %get3A_2289 : vector<1x512xf32> to vector<512x512xf32>
      %min3A_2304 = arith.minimumf %min3A_2302, %min3A_2303 : vector<512x512xf32>
      %sub3A_2305 = arith.subf %min3A_2301, %max3A_2295 : vector<512x512xf32>
      %max3A_2306 = arith.constant 0.000000e+00 : f32
      %max3A_2307 = vector.broadcast %max3A_2306 : f32 to vector<512x512xf32>
      %max3A_2308 = arith.maximumf %sub3A_2305, %max3A_2307 : vector<512x512xf32>
      %sub3A_2309 = arith.subf %min3A_2304, %max3A_2298 : vector<512x512xf32>
      %max3A_2310 = arith.constant 0.000000e+00 : f32
      %max3A_2311 = vector.broadcast %max3A_2310 : f32 to vector<512x512xf32>
      %max3A_2312 = arith.maximumf %sub3A_2309, %max3A_2311 : vector<512x512xf32>
      %mul3A_2313 = arith.mulf %max3A_2308, %max3A_2312 : vector<512x512xf32>
      %add3A_2314 = vector.broadcast %slice3A_2172 : vector<512x1xf32> to vector<512x512xf32>
      %add3A_2315 = vector.broadcast %get3A_2292 : vector<1x512xf32> to vector<512x512xf32>
      %add3A_2316 = arith.addf %add3A_2314, %add3A_2315 : vector<512x512xf32>
      %sub3A_2317 = arith.subf %add3A_2316, %mul3A_2313 : vector<512x512xf32>
      %div3A_2318 = arith.divf %mul3A_2313, %sub3A_2317 : vector<512x512xf32>
      %gt3A_2319 = arith.constant 0.699999988 : f32
      %gt3A_2320 = vector.broadcast %gt3A_2319 : f32 to vector<512x512xf32>
      %gt3A_2321 = arith.cmpf ogt, %div3A_2318, %gt3A_2320 : vector<512x512xf32>
      %convert_element_type3A_2322 = arith.extui %gt3A_2321 : vector<512x512xi1> to vector<512x512xi32>
      %convert_element_type3A_2323 = arith.sitofp %convert_element_type3A_2322 : vector<512x512xi32> to vector<512x512xf32>
      %dot_general3A_2324 = arith.constant dense<0.000000e+00> : vector<1x512xf32>
      %dot_general3A_2325 = tpu.matmul %while3A_2253#0, %convert_element_type3A_2323, %dot_general3A_2324 {dimension_numbers = #tpu.dot_dimension_numbers<[1], [0], [0], [1], [0, 0, 1, 1], [], []>, transpose_lhs_hint = false} : vector<1x512xf32>, vector<512x512xf32>, vector<1x512xf32> -> vector<1x512xf32>
      %gt3A_2326 = arith.constant 0.000000e+00 : f32
      %gt3A_2327 = vector.broadcast %gt3A_2326 : f32 to vector<1x512xf32>
      %gt3A_2328 = arith.cmpf ogt, %dot_general3A_2325, %gt3A_2327 : vector<1x512xf32>
      %get3A_2329 = arith.constant 0 : index
      %get3A_2330 = arith.constant 4608 : index
      %get3A_2331 = vector.load %arg2[%get3A_2329, %get3A_2330] : memref<1x5120xf32, #tpu.memory_space<vmem>>, vector<1x512xf32>
      %convert_element_type3A_2332 = arith.extui %gt3A_2328 : vector<1x512xi1> to vector<1x512xi32>
      %convert_element_type3A_2333 = arith.sitofp %convert_element_type3A_2332 : vector<1x512xi32> to vector<1x512xf32>
      %sub3A_2334 = arith.constant 1.000000e+00 : f32
      %sub3A_2335 = vector.broadcast %sub3A_2334 : f32 to vector<1x512xf32>
      %sub3A_2336 = arith.subf %sub3A_2335, %convert_element_type3A_2333 : vector<1x512xf32>
      %mul3A_2337 = arith.mulf %get3A_2331, %sub3A_2336 : vector<1x512xf32>
      %swap3A_2338 = arith.constant 0 : index
      %swap3A_2339 = arith.constant 4608 : index
      %swap3A_2340 = vector.load %arg2[%swap3A_2338, %swap3A_2339] : memref<1x5120xf32, #tpu.memory_space<vmem>>, vector<1x512xf32>
      tpu.vector_store %arg2[%swap3A_2338, %swap3A_2339], %mul3A_2337 {strides = array<i32>} : memref<1x5120xf32, #tpu.memory_space<vmem>>, vector<1x512xf32>,
      %get3A_2341 = arith.constant 5 : index
      %get3A_2342 = arith.constant 0 : index
      %get3A_2343 = arith.constant 0 : index
      %get3A_2344 = vector.load %arg1[%get3A_2341, %get3A_2342, %get3A_2343] : memref<10x512x16xf32, #tpu.memory_space<vmem>>, vector<1x512x16xf32>
      %get3A_2345 = vector.shape_cast %get3A_2344 : vector<1x512x16xf32> to vector<512x16xf32>
      %slice3A_2346 = vector.extract_strided_slice %get3A_2345 {offsets = [0, 0], sizes = [512, 1], strides = [1, 1]} : vector<512x16xf32> to vector<512x1xf32>
      %slice3A_2347 = vector.extract_strided_slice %get3A_2345 {offsets = [0, 1], sizes = [512, 1], strides = [1, 1]} : vector<512x16xf32> to vector<512x1xf32>
      %slice3A_2348 = vector.extract_strided_slice %get3A_2345 {offsets = [0, 2], sizes = [512, 1], strides = [1, 1]} : vector<512x16xf32> to vector<512x1xf32>
      %slice3A_2349 = vector.extract_strided_slice %get3A_2345 {offsets = [0, 3], sizes = [512, 1], strides = [1, 1]} : vector<512x16xf32> to vector<512x1xf32>
      %slice3A_2350 = vector.extract_strided_slice %get3A_2345 {offsets = [0, 5], sizes = [512, 1], strides = [1, 1]} : vector<512x16xf32> to vector<512x1xf32>
      %get3A_2351 = arith.constant 0 : index
      %get3A_2352 = arith.constant 2560 : index
      %get3A_2353 = vector.load %arg0[%get3A_2351, %get3A_2352] : memref<8x5120xf32, #tpu.memory_space<vmem>>, vector<1x2560xf32>
      %get3A_2354 = arith.constant 1 : index
      %get3A_2355 = arith.constant 2560 : index
      %get3A_2356 = vector.load %arg0[%get3A_2354, %get3A_2355] : memref<8x5120xf32, #tpu.memory_space<vmem>>, vector<1x2560xf32>
      %get3A_2357 = arith.constant 2 : index
      %get3A_2358 = arith.constant 2560 : index
      %get3A_2359 = vector.load %arg0[%get3A_2357, %get3A_2358] : memref<8x5120xf32, #tpu.memory_space<vmem>>, vector<1x2560xf32>
      %get3A_2360 = arith.constant 3 : index
      %get3A_2361 = arith.constant 2560 : index
      %get3A_2362 = vector.load %arg0[%get3A_2360, %get3A_2361] : memref<8x5120xf32, #tpu.memory_space<vmem>>, vector<1x2560xf32>
      %get3A_2363 = arith.constant 5 : index
      %get3A_2364 = arith.constant 2560 : index
      %get3A_2365 = vector.load %arg0[%get3A_2363, %get3A_2364] : memref<8x5120xf32, #tpu.memory_space<vmem>>, vector<1x2560xf32>
      %max3A_2366 = vector.broadcast %slice3A_2346 : vector<512x1xf32> to vector<512x2560xf32>
      %max3A_2367 = vector.broadcast %get3A_2353 : vector<1x2560xf32> to vector<512x2560xf32>
      %max3A_2368 = arith.maximumf %max3A_2366, %max3A_2367 : vector<512x2560xf32>
      %max3A_2369 = vector.broadcast %slice3A_2347 : vector<512x1xf32> to vector<512x2560xf32>
      %max3A_2370 = vector.broadcast %get3A_2356 : vector<1x2560xf32> to vector<512x2560xf32>
      %max3A_2371 = arith.maximumf %max3A_2369, %max3A_2370 : vector<512x2560xf32>
      %min3A_2372 = vector.broadcast %slice3A_2348 : vector<512x1xf32> to vector<512x2560xf32>
      %min3A_2373 = vector.broadcast %get3A_2359 : vector<1x2560xf32> to vector<512x2560xf32>
      %min3A_2374 = arith.minimumf %min3A_2372, %min3A_2373 : vector<512x2560xf32>
      %min3A_2375 = vector.broadcast %slice3A_2349 : vector<512x1xf32> to vector<512x2560xf32>
      %min3A_2376 = vector.broadcast %get3A_2362 : vector<1x2560xf32> to vector<512x2560xf32>
      %min3A_2377 = arith.minimumf %min3A_2375, %min3A_2376 : vector<512x2560xf32>
      %sub3A_2378 = arith.subf %min3A_2374, %max3A_2368 : vector<512x2560xf32>
      %max3A_2379 = arith.constant 0.000000e+00 : f32
      %max3A_2380 = vector.broadcast %max3A_2379 : f32 to vector<512x2560xf32>
      %max3A_2381 = arith.maximumf %sub3A_2378, %max3A_2380 : vector<512x2560xf32>
      %sub3A_2382 = arith.subf %min3A_2377, %max3A_2371 : vector<512x2560xf32>
      %max3A_2383 = arith.constant 0.000000e+00 : f32
      %max3A_2384 = vector.broadcast %max3A_2383 : f32 to vector<512x2560xf32>
      %max3A_2385 = arith.maximumf %sub3A_2382, %max3A_2384 : vector<512x2560xf32>
      %mul3A_2386 = arith.mulf %max3A_2381, %max3A_2385 : vector<512x2560xf32>
      %add3A_2387 = vector.broadcast %slice3A_2350 : vector<512x1xf32> to vector<512x2560xf32>
      %add3A_2388 = vector.broadcast %get3A_2365 : vector<1x2560xf32> to vector<512x2560xf32>
      %add3A_2389 = arith.addf %add3A_2387, %add3A_2388 : vector<512x2560xf32>
      %sub3A_2390 = arith.subf %add3A_2389, %mul3A_2386 : vector<512x2560xf32>
      %div3A_2391 = arith.divf %mul3A_2386, %sub3A_2390 : vector<512x2560xf32>
      %gt3A_2392 = arith.constant 0.699999988 : f32
      %gt3A_2393 = vector.broadcast %gt3A_2392 : f32 to vector<512x2560xf32>
      %gt3A_2394 = arith.cmpf ogt, %div3A_2391, %gt3A_2393 : vector<512x2560xf32>
      %convert_element_type3A_2395 = arith.extui %gt3A_2394 : vector<512x2560xi1> to vector<512x2560xi32>
      %convert_element_type3A_2396 = arith.sitofp %convert_element_type3A_2395 : vector<512x2560xi32> to vector<512x2560xf32>
      %slice3A_2397 = vector.extract_strided_slice %convert_element_type3A_2396 {offsets = [0, 0], sizes = [512, 512], strides = [1, 1]} : vector<512x2560xf32> to vector<512x512xf32>
      %mul3A_2398 = arith.mulf %slice3A_2397, %convert_element_type3A_1 : vector<512x512xf32>
      %get3A_2399 = arith.constant 0 : index
      %get3A_2400 = arith.constant 2560 : index
      %get3A_2401 = vector.load %arg2[%get3A_2399, %get3A_2400] : memref<1x5120xf32, #tpu.memory_space<vmem>>, vector<1x512xf32>
      %dot_general3A_2402 = arith.constant dense<0.000000e+00> : vector<1x512xf32>
      %dot_general3A_2403 = tpu.matmul %get3A_2401, %mul3A_2398, %dot_general3A_2402 {dimension_numbers = #tpu.dot_dimension_numbers<[1], [0], [0], [1], [0, 0, 1, 1], [], []>, transpose_lhs_hint = false} : vector<1x512xf32>, vector<512x512xf32>, vector<1x512xf32> -> vector<1x512xf32>
      %eq3A_2404 = arith.constant 0.000000e+00 : f32
      %eq3A_2405 = vector.broadcast %eq3A_2404 : f32 to vector<1x512xf32>
      %eq3A_2406 = arith.cmpf oeq, %dot_general3A_2403, %eq3A_2405 : vector<1x512xf32>
      %convert_element_type3A_2407 = arith.extui %eq3A_2406 : vector<1x512xi1> to vector<1x512xi32>
      %convert_element_type3A_2408 = arith.sitofp %convert_element_type3A_2407 : vector<1x512xi32> to vector<1x512xf32>
      %mul3A_2409 = arith.mulf %get3A_2401, %convert_element_type3A_2408 : vector<1x512xf32>
      %dot_general3A_2410 = arith.constant dense<0.000000e+00> : vector<1x512xf32>
      %dot_general3A_2411 = tpu.matmul %mul3A_2409, %mul3A_2398, %dot_general3A_2410 {dimension_numbers = #tpu.dot_dimension_numbers<[1], [0], [0], [1], [0, 0, 1, 1], [], []>, transpose_lhs_hint = false} : vector<1x512xf32>, vector<512x512xf32>, vector<1x512xf32> -> vector<1x512xf32>
      %eq3A_2412 = arith.constant 0.000000e+00 : f32
      %eq3A_2413 = vector.broadcast %eq3A_2412 : f32 to vector<1x512xf32>
      %eq3A_2414 = arith.cmpf oeq, %dot_general3A_2411, %eq3A_2413 : vector<1x512xf32>
      %convert_element_type3A_2415 = arith.extui %eq3A_2414 : vector<1x512xi1> to vector<1x512xi32>
      %convert_element_type3A_2416 = arith.sitofp %convert_element_type3A_2415 : vector<1x512xi32> to vector<1x512xf32>
      %mul3A_2417 = arith.mulf %get3A_2401, %convert_element_type3A_2416 : vector<1x512xf32>
      %ne3A_2418 = arith.cmpf one, %mul3A_2417, %mul3A_2409 : vector<1x512xf32>
      %reduce_or3A_2419 = arith.constant 1.000000e+00 : f32
      %reduce_or3A_2420 = arith.constant 0.000000e+00 : f32
      %reduce_or3A_2421 = vector.broadcast %reduce_or3A_2419 : f32 to vector<1x512xf32>
      %reduce_or3A_2422 = vector.broadcast %reduce_or3A_2420 : f32 to vector<1x512xf32>
      %reduce_or3A_2423 = arith.select %ne3A_2418, %reduce_or3A_2421, %reduce_or3A_2422 : vector<1x512xi1>, vector<1x512xf32>
      %reduce_or3A_2424 = vector.shape_cast %reduce_or3A_2423 : vector<1x512xf32> to vector<1x1x512xf32>
      %reduce_or3A_2425 = arith.constant dense<0xFF800000> : vector<1xf32>
      %reduce_or3A_2426 = vector.multi_reduction <maximumf>, %reduce_or3A_2424, %reduce_or3A_2425 [1, 2] : vector<1x1x512xf32> to vector<1xf32>
      %reduce_or3A_2427 = vector.shape_cast %reduce_or3A_2426 : vector<1xf32> to vector<1x1x1xf32>
      %reduce_or3A_2428 = vector.extract %reduce_or3A_2427[0, 0, 0] : f32 from vector<1x1x1xf32>
      %reduce_or3A_2429 = arith.constant 0.000000e+00 : f32
      %reduce_or3A_2430 = arith.cmpf ogt, %reduce_or3A_2428, %reduce_or3A_2429 : f32
      %while3A_2431:2 = scf.while (%while3A_2919 = %mul3A_2417, %while3A_2920 = %reduce_or3A_2430) : (vector<1x512xf32>, i1) -> (vector<1x512xf32>, i1) {
        scf.condition(%while3A_2920) %while3A_2919, %while3A_2920 : vector<1x512xf32>, i1
      } do {
      ^bb0(%while3A_2919: vector<1x512xf32>, %while3A_2920: i1):
        %dot_general3A_2921 = arith.constant dense<0.000000e+00> : vector<1x512xf32>
        %dot_general3A_2922 = tpu.matmul %while3A_2919, %mul3A_2398, %dot_general3A_2921 {dimension_numbers = #tpu.dot_dimension_numbers<[1], [0], [0], [1], [0, 0, 1, 1], [], []>, transpose_lhs_hint = false} : vector<1x512xf32>, vector<512x512xf32>, vector<1x512xf32> -> vector<1x512xf32>
        %eq3A_2923 = arith.constant 0.000000e+00 : f32
        %eq3A_2924 = vector.broadcast %eq3A_2923 : f32 to vector<1x512xf32>
        %eq3A_2925 = arith.cmpf oeq, %dot_general3A_2922, %eq3A_2924 : vector<1x512xf32>
        %convert_element_type3A_2926 = arith.extui %eq3A_2925 : vector<1x512xi1> to vector<1x512xi32>
        %convert_element_type3A_2927 = arith.sitofp %convert_element_type3A_2926 : vector<1x512xi32> to vector<1x512xf32>
        %mul3A_2928 = arith.mulf %get3A_2401, %convert_element_type3A_2927 : vector<1x512xf32>
        %ne3A_2929 = arith.cmpf one, %mul3A_2928, %while3A_2919 : vector<1x512xf32>
        %reduce_or3A_2930 = arith.constant 1.000000e+00 : f32
        %reduce_or3A_2931 = arith.constant 0.000000e+00 : f32
        %reduce_or3A_2932 = vector.broadcast %reduce_or3A_2930 : f32 to vector<1x512xf32>
        %reduce_or3A_2933 = vector.broadcast %reduce_or3A_2931 : f32 to vector<1x512xf32>
        %reduce_or3A_2934 = arith.select %ne3A_2929, %reduce_or3A_2932, %reduce_or3A_2933 : vector<1x512xi1>, vector<1x512xf32>
        %reduce_or3A_2935 = vector.shape_cast %reduce_or3A_2934 : vector<1x512xf32> to vector<1x1x512xf32>
        %reduce_or3A_2936 = arith.constant dense<0xFF800000> : vector<1xf32>
        %reduce_or3A_2937 = vector.multi_reduction <maximumf>, %reduce_or3A_2935, %reduce_or3A_2936 [1, 2] : vector<1x1x512xf32> to vector<1xf32>
        %reduce_or3A_2938 = vector.shape_cast %reduce_or3A_2937 : vector<1xf32> to vector<1x1x1xf32>
        %reduce_or3A_2939 = vector.extract %reduce_or3A_2938[0, 0, 0] : f32 from vector<1x1x1xf32>
        %reduce_or3A_2940 = arith.constant 0.000000e+00 : f32
        %reduce_or3A_2941 = arith.cmpf ogt, %reduce_or3A_2939, %reduce_or3A_2940 : f32
        scf.yield %mul3A_2928, %reduce_or3A_2941 : vector<1x512xf32>, i1
      }
      %swap3A_2432 = arith.constant 0 : index
      %swap3A_2433 = arith.constant 2560 : index
      %swap3A_2434 = vector.load %arg2[%swap3A_2432, %swap3A_2433] : memref<1x5120xf32, #tpu.memory_space<vmem>>, vector<1x512xf32>
      tpu.vector_store %arg2[%swap3A_2432, %swap3A_2433], %while3A_2431#0 {strides = array<i32>} : memref<1x5120xf32, #tpu.memory_space<vmem>>, vector<1x512xf32>,
      %dot_general3A_2435 = arith.constant dense<0.000000e+00> : vector<1x2560xf32>
      %dot_general3A_2436 = tpu.matmul %while3A_2431#0, %convert_element_type3A_2396, %dot_general3A_2435 {dimension_numbers = #tpu.dot_dimension_numbers<[1], [0], [0], [1], [0, 0, 1, 1], [], []>, transpose_lhs_hint = false} : vector<1x512xf32>, vector<512x2560xf32>, vector<1x2560xf32> -> vector<1x2560xf32>
      %gt3A_2437 = arith.constant 0.000000e+00 : f32
      %gt3A_2438 = vector.broadcast %gt3A_2437 : f32 to vector<1x2560xf32>
      %gt3A_2439 = arith.cmpf ogt, %dot_general3A_2436, %gt3A_2438 : vector<1x2560xf32>
      %ge3A_2440 = arith.constant 512 : i32
      %ge3A_2441 = vector.broadcast %ge3A_2440 : i32 to vector<1x2560xi32>
      %ge3A_2442 = arith.cmpi sge, %iota3A_2, %ge3A_2441 : vector<1x2560xi32>
      %and3A_2443 = arith.andi %gt3A_2439, %ge3A_2442 : vector<1x2560xi1>
      %get3A_2444 = arith.constant 0 : index
      %get3A_2445 = arith.constant 2560 : index
      %get3A_2446 = vector.load %arg2[%get3A_2444, %get3A_2445] : memref<1x5120xf32, #tpu.memory_space<vmem>>, vector<1x2560xf32>
      %convert_element_type3A_2447 = arith.extui %and3A_2443 : vector<1x2560xi1> to vector<1x2560xi32>
      %convert_element_type3A_2448 = arith.sitofp %convert_element_type3A_2447 : vector<1x2560xi32> to vector<1x2560xf32>
      %sub3A_2449 = arith.constant 1.000000e+00 : f32
      %sub3A_2450 = vector.broadcast %sub3A_2449 : f32 to vector<1x2560xf32>
      %sub3A_2451 = arith.subf %sub3A_2450, %convert_element_type3A_2448 : vector<1x2560xf32>
      %mul3A_2452 = arith.mulf %get3A_2446, %sub3A_2451 : vector<1x2560xf32>
      %swap3A_2453 = arith.constant 0 : index
      %swap3A_2454 = arith.constant 2560 : index
      %swap3A_2455 = vector.load %arg2[%swap3A_2453, %swap3A_2454] : memref<1x5120xf32, #tpu.memory_space<vmem>>, vector<1x2560xf32>
      tpu.vector_store %arg2[%swap3A_2453, %swap3A_2454], %mul3A_2452 {strides = array<i32>} : memref<1x5120xf32, #tpu.memory_space<vmem>>, vector<1x2560xf32>,
      %get3A_2456 = arith.constant 6 : index
      %get3A_2457 = arith.constant 0 : index
      %get3A_2458 = arith.constant 0 : index
      %get3A_2459 = vector.load %arg1[%get3A_2456, %get3A_2457, %get3A_2458] : memref<10x512x16xf32, #tpu.memory_space<vmem>>, vector<1x512x16xf32>
      %get3A_2460 = vector.shape_cast %get3A_2459 : vector<1x512x16xf32> to vector<512x16xf32>
      %slice3A_2461 = vector.extract_strided_slice %get3A_2460 {offsets = [0, 0], sizes = [512, 1], strides = [1, 1]} : vector<512x16xf32> to vector<512x1xf32>
      %slice3A_2462 = vector.extract_strided_slice %get3A_2460 {offsets = [0, 1], sizes = [512, 1], strides = [1, 1]} : vector<512x16xf32> to vector<512x1xf32>
      %slice3A_2463 = vector.extract_strided_slice %get3A_2460 {offsets = [0, 2], sizes = [512, 1], strides = [1, 1]} : vector<512x16xf32> to vector<512x1xf32>
      %slice3A_2464 = vector.extract_strided_slice %get3A_2460 {offsets = [0, 3], sizes = [512, 1], strides = [1, 1]} : vector<512x16xf32> to vector<512x1xf32>
      %slice3A_2465 = vector.extract_strided_slice %get3A_2460 {offsets = [0, 5], sizes = [512, 1], strides = [1, 1]} : vector<512x16xf32> to vector<512x1xf32>
      %get3A_2466 = arith.constant 0 : index
      %get3A_2467 = arith.constant 3072 : index
      %get3A_2468 = vector.load %arg0[%get3A_2466, %get3A_2467] : memref<8x5120xf32, #tpu.memory_space<vmem>>, vector<1x2048xf32>
      %get3A_2469 = arith.constant 1 : index
      %get3A_2470 = arith.constant 3072 : index
      %get3A_2471 = vector.load %arg0[%get3A_2469, %get3A_2470] : memref<8x5120xf32, #tpu.memory_space<vmem>>, vector<1x2048xf32>
      %get3A_2472 = arith.constant 2 : index
      %get3A_2473 = arith.constant 3072 : index
      %get3A_2474 = vector.load %arg0[%get3A_2472, %get3A_2473] : memref<8x5120xf32, #tpu.memory_space<vmem>>, vector<1x2048xf32>
      %get3A_2475 = arith.constant 3 : index
      %get3A_2476 = arith.constant 3072 : index
      %get3A_2477 = vector.load %arg0[%get3A_2475, %get3A_2476] : memref<8x5120xf32, #tpu.memory_space<vmem>>, vector<1x2048xf32>
      %get3A_2478 = arith.constant 5 : index
      %get3A_2479 = arith.constant 3072 : index
      %get3A_2480 = vector.load %arg0[%get3A_2478, %get3A_2479] : memref<8x5120xf32, #tpu.memory_space<vmem>>, vector<1x2048xf32>
      %max3A_2481 = vector.broadcast %slice3A_2461 : vector<512x1xf32> to vector<512x2048xf32>
      %max3A_2482 = vector.broadcast %get3A_2468 : vector<1x2048xf32> to vector<512x2048xf32>
      %max3A_2483 = arith.maximumf %max3A_2481, %max3A_2482 : vector<512x2048xf32>
      %max3A_2484 = vector.broadcast %slice3A_2462 : vector<512x1xf32> to vector<512x2048xf32>
      %max3A_2485 = vector.broadcast %get3A_2471 : vector<1x2048xf32> to vector<512x2048xf32>
      %max3A_2486 = arith.maximumf %max3A_2484, %max3A_2485 : vector<512x2048xf32>
      %min3A_2487 = vector.broadcast %slice3A_2463 : vector<512x1xf32> to vector<512x2048xf32>
      %min3A_2488 = vector.broadcast %get3A_2474 : vector<1x2048xf32> to vector<512x2048xf32>
      %min3A_2489 = arith.minimumf %min3A_2487, %min3A_2488 : vector<512x2048xf32>
      %min3A_2490 = vector.broadcast %slice3A_2464 : vector<512x1xf32> to vector<512x2048xf32>
      %min3A_2491 = vector.broadcast %get3A_2477 : vector<1x2048xf32> to vector<512x2048xf32>
      %min3A_2492 = arith.minimumf %min3A_2490, %min3A_2491 : vector<512x2048xf32>
      %sub3A_2493 = arith.subf %min3A_2489, %max3A_2483 : vector<512x2048xf32>
      %max3A_2494 = arith.constant 0.000000e+00 : f32
      %max3A_2495 = vector.broadcast %max3A_2494 : f32 to vector<512x2048xf32>
      %max3A_2496 = arith.maximumf %sub3A_2493, %max3A_2495 : vector<512x2048xf32>
      %sub3A_2497 = arith.subf %min3A_2492, %max3A_2486 : vector<512x2048xf32>
      %max3A_2498 = arith.constant 0.000000e+00 : f32
      %max3A_2499 = vector.broadcast %max3A_2498 : f32 to vector<512x2048xf32>
      %max3A_2500 = arith.maximumf %sub3A_2497, %max3A_2499 : vector<512x2048xf32>
      %mul3A_2501 = arith.mulf %max3A_2496, %max3A_2500 : vector<512x2048xf32>
      %add3A_2502 = vector.broadcast %slice3A_2465 : vector<512x1xf32> to vector<512x2048xf32>
      %add3A_2503 = vector.broadcast %get3A_2480 : vector<1x2048xf32> to vector<512x2048xf32>
      %add3A_2504 = arith.addf %add3A_2502, %add3A_2503 : vector<512x2048xf32>
      %sub3A_2505 = arith.subf %add3A_2504, %mul3A_2501 : vector<512x2048xf32>
      %div3A_2506 = arith.divf %mul3A_2501, %sub3A_2505 : vector<512x2048xf32>
      %gt3A_2507 = arith.constant 0.699999988 : f32
      %gt3A_2508 = vector.broadcast %gt3A_2507 : f32 to vector<512x2048xf32>
      %gt3A_2509 = arith.cmpf ogt, %div3A_2506, %gt3A_2508 : vector<512x2048xf32>
      %convert_element_type3A_2510 = arith.extui %gt3A_2509 : vector<512x2048xi1> to vector<512x2048xi32>
      %convert_element_type3A_2511 = arith.sitofp %convert_element_type3A_2510 : vector<512x2048xi32> to vector<512x2048xf32>
      %slice3A_2512 = vector.extract_strided_slice %convert_element_type3A_2511 {offsets = [0, 0], sizes = [512, 512], strides = [1, 1]} : vector<512x2048xf32> to vector<512x512xf32>
      %mul3A_2513 = arith.mulf %slice3A_2512, %convert_element_type3A_1 : vector<512x512xf32>
      %get3A_2514 = arith.constant 0 : index
      %get3A_2515 = arith.constant 3072 : index
      %get3A_2516 = vector.load %arg2[%get3A_2514, %get3A_2515] : memref<1x5120xf32, #tpu.memory_space<vmem>>, vector<1x512xf32>
      %dot_general3A_2517 = arith.constant dense<0.000000e+00> : vector<1x512xf32>
      %dot_general3A_2518 = tpu.matmul %get3A_2516, %mul3A_2513, %dot_general3A_2517 {dimension_numbers = #tpu.dot_dimension_numbers<[1], [0], [0], [1], [0, 0, 1, 1], [], []>, transpose_lhs_hint = false} : vector<1x512xf32>, vector<512x512xf32>, vector<1x512xf32> -> vector<1x512xf32>
      %eq3A_2519 = arith.constant 0.000000e+00 : f32
      %eq3A_2520 = vector.broadcast %eq3A_2519 : f32 to vector<1x512xf32>
      %eq3A_2521 = arith.cmpf oeq, %dot_general3A_2518, %eq3A_2520 : vector<1x512xf32>
      %convert_element_type3A_2522 = arith.extui %eq3A_2521 : vector<1x512xi1> to vector<1x512xi32>
      %convert_element_type3A_2523 = arith.sitofp %convert_element_type3A_2522 : vector<1x512xi32> to vector<1x512xf32>
      %mul3A_2524 = arith.mulf %get3A_2516, %convert_element_type3A_2523 : vector<1x512xf32>
      %dot_general3A_2525 = arith.constant dense<0.000000e+00> : vector<1x512xf32>
      %dot_general3A_2526 = tpu.matmul %mul3A_2524, %mul3A_2513, %dot_general3A_2525 {dimension_numbers = #tpu.dot_dimension_numbers<[1], [0], [0], [1], [0, 0, 1, 1], [], []>, transpose_lhs_hint = false} : vector<1x512xf32>, vector<512x512xf32>, vector<1x512xf32> -> vector<1x512xf32>
      %eq3A_2527 = arith.constant 0.000000e+00 : f32
      %eq3A_2528 = vector.broadcast %eq3A_2527 : f32 to vector<1x512xf32>
      %eq3A_2529 = arith.cmpf oeq, %dot_general3A_2526, %eq3A_2528 : vector<1x512xf32>
      %convert_element_type3A_2530 = arith.extui %eq3A_2529 : vector<1x512xi1> to vector<1x512xi32>
      %convert_element_type3A_2531 = arith.sitofp %convert_element_type3A_2530 : vector<1x512xi32> to vector<1x512xf32>
      %mul3A_2532 = arith.mulf %get3A_2516, %convert_element_type3A_2531 : vector<1x512xf32>
      %ne3A_2533 = arith.cmpf one, %mul3A_2532, %mul3A_2524 : vector<1x512xf32>
      %reduce_or3A_2534 = arith.constant 1.000000e+00 : f32
      %reduce_or3A_2535 = arith.constant 0.000000e+00 : f32
      %reduce_or3A_2536 = vector.broadcast %reduce_or3A_2534 : f32 to vector<1x512xf32>
      %reduce_or3A_2537 = vector.broadcast %reduce_or3A_2535 : f32 to vector<1x512xf32>
      %reduce_or3A_2538 = arith.select %ne3A_2533, %reduce_or3A_2536, %reduce_or3A_2537 : vector<1x512xi1>, vector<1x512xf32>
      %reduce_or3A_2539 = vector.shape_cast %reduce_or3A_2538 : vector<1x512xf32> to vector<1x1x512xf32>
      %reduce_or3A_2540 = arith.constant dense<0xFF800000> : vector<1xf32>
      %reduce_or3A_2541 = vector.multi_reduction <maximumf>, %reduce_or3A_2539, %reduce_or3A_2540 [1, 2] : vector<1x1x512xf32> to vector<1xf32>
      %reduce_or3A_2542 = vector.shape_cast %reduce_or3A_2541 : vector<1xf32> to vector<1x1x1xf32>
      %reduce_or3A_2543 = vector.extract %reduce_or3A_2542[0, 0, 0] : f32 from vector<1x1x1xf32>
      %reduce_or3A_2544 = arith.constant 0.000000e+00 : f32
      %reduce_or3A_2545 = arith.cmpf ogt, %reduce_or3A_2543, %reduce_or3A_2544 : f32
      %while3A_2546:2 = scf.while (%while3A_2919 = %mul3A_2532, %while3A_2920 = %reduce_or3A_2545) : (vector<1x512xf32>, i1) -> (vector<1x512xf32>, i1) {
        scf.condition(%while3A_2920) %while3A_2919, %while3A_2920 : vector<1x512xf32>, i1
      } do {
      ^bb0(%while3A_2919: vector<1x512xf32>, %while3A_2920: i1):
        %dot_general3A_2921 = arith.constant dense<0.000000e+00> : vector<1x512xf32>
        %dot_general3A_2922 = tpu.matmul %while3A_2919, %mul3A_2513, %dot_general3A_2921 {dimension_numbers = #tpu.dot_dimension_numbers<[1], [0], [0], [1], [0, 0, 1, 1], [], []>, transpose_lhs_hint = false} : vector<1x512xf32>, vector<512x512xf32>, vector<1x512xf32> -> vector<1x512xf32>
        %eq3A_2923 = arith.constant 0.000000e+00 : f32
        %eq3A_2924 = vector.broadcast %eq3A_2923 : f32 to vector<1x512xf32>
        %eq3A_2925 = arith.cmpf oeq, %dot_general3A_2922, %eq3A_2924 : vector<1x512xf32>
        %convert_element_type3A_2926 = arith.extui %eq3A_2925 : vector<1x512xi1> to vector<1x512xi32>
        %convert_element_type3A_2927 = arith.sitofp %convert_element_type3A_2926 : vector<1x512xi32> to vector<1x512xf32>
        %mul3A_2928 = arith.mulf %get3A_2516, %convert_element_type3A_2927 : vector<1x512xf32>
        %ne3A_2929 = arith.cmpf one, %mul3A_2928, %while3A_2919 : vector<1x512xf32>
        %reduce_or3A_2930 = arith.constant 1.000000e+00 : f32
        %reduce_or3A_2931 = arith.constant 0.000000e+00 : f32
        %reduce_or3A_2932 = vector.broadcast %reduce_or3A_2930 : f32 to vector<1x512xf32>
        %reduce_or3A_2933 = vector.broadcast %reduce_or3A_2931 : f32 to vector<1x512xf32>
        %reduce_or3A_2934 = arith.select %ne3A_2929, %reduce_or3A_2932, %reduce_or3A_2933 : vector<1x512xi1>, vector<1x512xf32>
        %reduce_or3A_2935 = vector.shape_cast %reduce_or3A_2934 : vector<1x512xf32> to vector<1x1x512xf32>
        %reduce_or3A_2936 = arith.constant dense<0xFF800000> : vector<1xf32>
        %reduce_or3A_2937 = vector.multi_reduction <maximumf>, %reduce_or3A_2935, %reduce_or3A_2936 [1, 2] : vector<1x1x512xf32> to vector<1xf32>
        %reduce_or3A_2938 = vector.shape_cast %reduce_or3A_2937 : vector<1xf32> to vector<1x1x1xf32>
        %reduce_or3A_2939 = vector.extract %reduce_or3A_2938[0, 0, 0] : f32 from vector<1x1x1xf32>
        %reduce_or3A_2940 = arith.constant 0.000000e+00 : f32
        %reduce_or3A_2941 = arith.cmpf ogt, %reduce_or3A_2939, %reduce_or3A_2940 : f32
        scf.yield %mul3A_2928, %reduce_or3A_2941 : vector<1x512xf32>, i1
      }
      %swap3A_2547 = arith.constant 0 : index
      %swap3A_2548 = arith.constant 3072 : index
      %swap3A_2549 = vector.load %arg2[%swap3A_2547, %swap3A_2548] : memref<1x5120xf32, #tpu.memory_space<vmem>>, vector<1x512xf32>
      tpu.vector_store %arg2[%swap3A_2547, %swap3A_2548], %while3A_2546#0 {strides = array<i32>} : memref<1x5120xf32, #tpu.memory_space<vmem>>, vector<1x512xf32>,
      %dot_general3A_2550 = arith.constant dense<0.000000e+00> : vector<1x2048xf32>
      %dot_general3A_2551 = tpu.matmul %while3A_2546#0, %convert_element_type3A_2511, %dot_general3A_2550 {dimension_numbers = #tpu.dot_dimension_numbers<[1], [0], [0], [1], [0, 0, 1, 1], [], []>, transpose_lhs_hint = false} : vector<1x512xf32>, vector<512x2048xf32>, vector<1x2048xf32> -> vector<1x2048xf32>
      %gt3A_2552 = arith.constant 0.000000e+00 : f32
      %gt3A_2553 = vector.broadcast %gt3A_2552 : f32 to vector<1x2048xf32>
      %gt3A_2554 = arith.cmpf ogt, %dot_general3A_2551, %gt3A_2553 : vector<1x2048xf32>
      %slice3A_2555 = vector.extract_strided_slice %iota3A_2 {offsets = [0, 0], sizes = [1, 2048], strides = [1, 1]} : vector<1x2560xi32> to vector<1x2048xi32>
      %ge3A_2556 = arith.constant 512 : i32
      %ge3A_2557 = vector.broadcast %ge3A_2556 : i32 to vector<1x2048xi32>
      %ge3A_2558 = arith.cmpi sge, %slice3A_2555, %ge3A_2557 : vector<1x2048xi32>
      %and3A_2559 = arith.andi %gt3A_2554, %ge3A_2558 : vector<1x2048xi1>
      %get3A_2560 = arith.constant 0 : index
      %get3A_2561 = arith.constant 3072 : index
      %get3A_2562 = vector.load %arg2[%get3A_2560, %get3A_2561] : memref<1x5120xf32, #tpu.memory_space<vmem>>, vector<1x2048xf32>
      %convert_element_type3A_2563 = arith.extui %and3A_2559 : vector<1x2048xi1> to vector<1x2048xi32>
      %convert_element_type3A_2564 = arith.sitofp %convert_element_type3A_2563 : vector<1x2048xi32> to vector<1x2048xf32>
      %sub3A_2565 = arith.constant 1.000000e+00 : f32
      %sub3A_2566 = vector.broadcast %sub3A_2565 : f32 to vector<1x2048xf32>
      %sub3A_2567 = arith.subf %sub3A_2566, %convert_element_type3A_2564 : vector<1x2048xf32>
      %mul3A_2568 = arith.mulf %get3A_2562, %sub3A_2567 : vector<1x2048xf32>
      %swap3A_2569 = arith.constant 0 : index
      %swap3A_2570 = arith.constant 3072 : index
      %swap3A_2571 = vector.load %arg2[%swap3A_2569, %swap3A_2570] : memref<1x5120xf32, #tpu.memory_space<vmem>>, vector<1x2048xf32>
      tpu.vector_store %arg2[%swap3A_2569, %swap3A_2570], %mul3A_2568 {strides = array<i32>} : memref<1x5120xf32, #tpu.memory_space<vmem>>, vector<1x2048xf32>,
      %get3A_2572 = arith.constant 7 : index
      %get3A_2573 = arith.constant 0 : index
      %get3A_2574 = arith.constant 0 : index
      %get3A_2575 = vector.load %arg1[%get3A_2572, %get3A_2573, %get3A_2574] : memref<10x512x16xf32, #tpu.memory_space<vmem>>, vector<1x512x16xf32>
      %get3A_2576 = vector.shape_cast %get3A_2575 : vector<1x512x16xf32> to vector<512x16xf32>
      %slice3A_2577 = vector.extract_strided_slice %get3A_2576 {offsets = [0, 0], sizes = [512, 1], strides = [1, 1]} : vector<512x16xf32> to vector<512x1xf32>
      %slice3A_2578 = vector.extract_strided_slice %get3A_2576 {offsets = [0, 1], sizes = [512, 1], strides = [1, 1]} : vector<512x16xf32> to vector<512x1xf32>
      %slice3A_2579 = vector.extract_strided_slice %get3A_2576 {offsets = [0, 2], sizes = [512, 1], strides = [1, 1]} : vector<512x16xf32> to vector<512x1xf32>
      %slice3A_2580 = vector.extract_strided_slice %get3A_2576 {offsets = [0, 3], sizes = [512, 1], strides = [1, 1]} : vector<512x16xf32> to vector<512x1xf32>
      %slice3A_2581 = vector.extract_strided_slice %get3A_2576 {offsets = [0, 5], sizes = [512, 1], strides = [1, 1]} : vector<512x16xf32> to vector<512x1xf32>
      %get3A_2582 = arith.constant 0 : index
      %get3A_2583 = arith.constant 3584 : index
      %get3A_2584 = vector.load %arg0[%get3A_2582, %get3A_2583] : memref<8x5120xf32, #tpu.memory_space<vmem>>, vector<1x1536xf32>
      %get3A_2585 = arith.constant 1 : index
      %get3A_2586 = arith.constant 3584 : index
      %get3A_2587 = vector.load %arg0[%get3A_2585, %get3A_2586] : memref<8x5120xf32, #tpu.memory_space<vmem>>, vector<1x1536xf32>
      %get3A_2588 = arith.constant 2 : index
      %get3A_2589 = arith.constant 3584 : index
      %get3A_2590 = vector.load %arg0[%get3A_2588, %get3A_2589] : memref<8x5120xf32, #tpu.memory_space<vmem>>, vector<1x1536xf32>
      %get3A_2591 = arith.constant 3 : index
      %get3A_2592 = arith.constant 3584 : index
      %get3A_2593 = vector.load %arg0[%get3A_2591, %get3A_2592] : memref<8x5120xf32, #tpu.memory_space<vmem>>, vector<1x1536xf32>
      %get3A_2594 = arith.constant 5 : index
      %get3A_2595 = arith.constant 3584 : index
      %get3A_2596 = vector.load %arg0[%get3A_2594, %get3A_2595] : memref<8x5120xf32, #tpu.memory_space<vmem>>, vector<1x1536xf32>
      %max3A_2597 = vector.broadcast %slice3A_2577 : vector<512x1xf32> to vector<512x1536xf32>
      %max3A_2598 = vector.broadcast %get3A_2584 : vector<1x1536xf32> to vector<512x1536xf32>
      %max3A_2599 = arith.maximumf %max3A_2597, %max3A_2598 : vector<512x1536xf32>
      %max3A_2600 = vector.broadcast %slice3A_2578 : vector<512x1xf32> to vector<512x1536xf32>
      %max3A_2601 = vector.broadcast %get3A_2587 : vector<1x1536xf32> to vector<512x1536xf32>
      %max3A_2602 = arith.maximumf %max3A_2600, %max3A_2601 : vector<512x1536xf32>
      %min3A_2603 = vector.broadcast %slice3A_2579 : vector<512x1xf32> to vector<512x1536xf32>
      %min3A_2604 = vector.broadcast %get3A_2590 : vector<1x1536xf32> to vector<512x1536xf32>
      %min3A_2605 = arith.minimumf %min3A_2603, %min3A_2604 : vector<512x1536xf32>
      %min3A_2606 = vector.broadcast %slice3A_2580 : vector<512x1xf32> to vector<512x1536xf32>
      %min3A_2607 = vector.broadcast %get3A_2593 : vector<1x1536xf32> to vector<512x1536xf32>
      %min3A_2608 = arith.minimumf %min3A_2606, %min3A_2607 : vector<512x1536xf32>
      %sub3A_2609 = arith.subf %min3A_2605, %max3A_2599 : vector<512x1536xf32>
      %max3A_2610 = arith.constant 0.000000e+00 : f32
      %max3A_2611 = vector.broadcast %max3A_2610 : f32 to vector<512x1536xf32>
      %max3A_2612 = arith.maximumf %sub3A_2609, %max3A_2611 : vector<512x1536xf32>
      %sub3A_2613 = arith.subf %min3A_2608, %max3A_2602 : vector<512x1536xf32>
      %max3A_2614 = arith.constant 0.000000e+00 : f32
      %max3A_2615 = vector.broadcast %max3A_2614 : f32 to vector<512x1536xf32>
      %max3A_2616 = arith.maximumf %sub3A_2613, %max3A_2615 : vector<512x1536xf32>
      %mul3A_2617 = arith.mulf %max3A_2612, %max3A_2616 : vector<512x1536xf32>
      %add3A_2618 = vector.broadcast %slice3A_2581 : vector<512x1xf32> to vector<512x1536xf32>
      %add3A_2619 = vector.broadcast %get3A_2596 : vector<1x1536xf32> to vector<512x1536xf32>
      %add3A_2620 = arith.addf %add3A_2618, %add3A_2619 : vector<512x1536xf32>
      %sub3A_2621 = arith.subf %add3A_2620, %mul3A_2617 : vector<512x1536xf32>
      %div3A_2622 = arith.divf %mul3A_2617, %sub3A_2621 : vector<512x1536xf32>
      %gt3A_2623 = arith.constant 0.699999988 : f32
      %gt3A_2624 = vector.broadcast %gt3A_2623 : f32 to vector<512x1536xf32>
      %gt3A_2625 = arith.cmpf ogt, %div3A_2622, %gt3A_2624 : vector<512x1536xf32>
      %convert_element_type3A_2626 = arith.extui %gt3A_2625 : vector<512x1536xi1> to vector<512x1536xi32>
      %convert_element_type3A_2627 = arith.sitofp %convert_element_type3A_2626 : vector<512x1536xi32> to vector<512x1536xf32>
      %slice3A_2628 = vector.extract_strided_slice %convert_element_type3A_2627 {offsets = [0, 0], sizes = [512, 512], strides = [1, 1]} : vector<512x1536xf32> to vector<512x512xf32>
      %mul3A_2629 = arith.mulf %slice3A_2628, %convert_element_type3A_1 : vector<512x512xf32>
      %get3A_2630 = arith.constant 0 : index
      %get3A_2631 = arith.constant 3584 : index
      %get3A_2632 = vector.load %arg2[%get3A_2630, %get3A_2631] : memref<1x5120xf32, #tpu.memory_space<vmem>>, vector<1x512xf32>
      %dot_general3A_2633 = arith.constant dense<0.000000e+00> : vector<1x512xf32>
      %dot_general3A_2634 = tpu.matmul %get3A_2632, %mul3A_2629, %dot_general3A_2633 {dimension_numbers = #tpu.dot_dimension_numbers<[1], [0], [0], [1], [0, 0, 1, 1], [], []>, transpose_lhs_hint = false} : vector<1x512xf32>, vector<512x512xf32>, vector<1x512xf32> -> vector<1x512xf32>
      %eq3A_2635 = arith.constant 0.000000e+00 : f32
      %eq3A_2636 = vector.broadcast %eq3A_2635 : f32 to vector<1x512xf32>
      %eq3A_2637 = arith.cmpf oeq, %dot_general3A_2634, %eq3A_2636 : vector<1x512xf32>
      %convert_element_type3A_2638 = arith.extui %eq3A_2637 : vector<1x512xi1> to vector<1x512xi32>
      %convert_element_type3A_2639 = arith.sitofp %convert_element_type3A_2638 : vector<1x512xi32> to vector<1x512xf32>
      %mul3A_2640 = arith.mulf %get3A_2632, %convert_element_type3A_2639 : vector<1x512xf32>
      %dot_general3A_2641 = arith.constant dense<0.000000e+00> : vector<1x512xf32>
      %dot_general3A_2642 = tpu.matmul %mul3A_2640, %mul3A_2629, %dot_general3A_2641 {dimension_numbers = #tpu.dot_dimension_numbers<[1], [0], [0], [1], [0, 0, 1, 1], [], []>, transpose_lhs_hint = false} : vector<1x512xf32>, vector<512x512xf32>, vector<1x512xf32> -> vector<1x512xf32>
      %eq3A_2643 = arith.constant 0.000000e+00 : f32
      %eq3A_2644 = vector.broadcast %eq3A_2643 : f32 to vector<1x512xf32>
      %eq3A_2645 = arith.cmpf oeq, %dot_general3A_2642, %eq3A_2644 : vector<1x512xf32>
      %convert_element_type3A_2646 = arith.extui %eq3A_2645 : vector<1x512xi1> to vector<1x512xi32>
      %convert_element_type3A_2647 = arith.sitofp %convert_element_type3A_2646 : vector<1x512xi32> to vector<1x512xf32>
      %mul3A_2648 = arith.mulf %get3A_2632, %convert_element_type3A_2647 : vector<1x512xf32>
      %ne3A_2649 = arith.cmpf one, %mul3A_2648, %mul3A_2640 : vector<1x512xf32>
      %reduce_or3A_2650 = arith.constant 1.000000e+00 : f32
      %reduce_or3A_2651 = arith.constant 0.000000e+00 : f32
      %reduce_or3A_2652 = vector.broadcast %reduce_or3A_2650 : f32 to vector<1x512xf32>
      %reduce_or3A_2653 = vector.broadcast %reduce_or3A_2651 : f32 to vector<1x512xf32>
      %reduce_or3A_2654 = arith.select %ne3A_2649, %reduce_or3A_2652, %reduce_or3A_2653 : vector<1x512xi1>, vector<1x512xf32>
      %reduce_or3A_2655 = vector.shape_cast %reduce_or3A_2654 : vector<1x512xf32> to vector<1x1x512xf32>
      %reduce_or3A_2656 = arith.constant dense<0xFF800000> : vector<1xf32>
      %reduce_or3A_2657 = vector.multi_reduction <maximumf>, %reduce_or3A_2655, %reduce_or3A_2656 [1, 2] : vector<1x1x512xf32> to vector<1xf32>
      %reduce_or3A_2658 = vector.shape_cast %reduce_or3A_2657 : vector<1xf32> to vector<1x1x1xf32>
      %reduce_or3A_2659 = vector.extract %reduce_or3A_2658[0, 0, 0] : f32 from vector<1x1x1xf32>
      %reduce_or3A_2660 = arith.constant 0.000000e+00 : f32
      %reduce_or3A_2661 = arith.cmpf ogt, %reduce_or3A_2659, %reduce_or3A_2660 : f32
      %while3A_2662:2 = scf.while (%while3A_2919 = %mul3A_2648, %while3A_2920 = %reduce_or3A_2661) : (vector<1x512xf32>, i1) -> (vector<1x512xf32>, i1) {
        scf.condition(%while3A_2920) %while3A_2919, %while3A_2920 : vector<1x512xf32>, i1
      } do {
      ^bb0(%while3A_2919: vector<1x512xf32>, %while3A_2920: i1):
        %dot_general3A_2921 = arith.constant dense<0.000000e+00> : vector<1x512xf32>
        %dot_general3A_2922 = tpu.matmul %while3A_2919, %mul3A_2629, %dot_general3A_2921 {dimension_numbers = #tpu.dot_dimension_numbers<[1], [0], [0], [1], [0, 0, 1, 1], [], []>, transpose_lhs_hint = false} : vector<1x512xf32>, vector<512x512xf32>, vector<1x512xf32> -> vector<1x512xf32>
        %eq3A_2923 = arith.constant 0.000000e+00 : f32
        %eq3A_2924 = vector.broadcast %eq3A_2923 : f32 to vector<1x512xf32>
        %eq3A_2925 = arith.cmpf oeq, %dot_general3A_2922, %eq3A_2924 : vector<1x512xf32>
        %convert_element_type3A_2926 = arith.extui %eq3A_2925 : vector<1x512xi1> to vector<1x512xi32>
        %convert_element_type3A_2927 = arith.sitofp %convert_element_type3A_2926 : vector<1x512xi32> to vector<1x512xf32>
        %mul3A_2928 = arith.mulf %get3A_2632, %convert_element_type3A_2927 : vector<1x512xf32>
        %ne3A_2929 = arith.cmpf one, %mul3A_2928, %while3A_2919 : vector<1x512xf32>
        %reduce_or3A_2930 = arith.constant 1.000000e+00 : f32
        %reduce_or3A_2931 = arith.constant 0.000000e+00 : f32
        %reduce_or3A_2932 = vector.broadcast %reduce_or3A_2930 : f32 to vector<1x512xf32>
        %reduce_or3A_2933 = vector.broadcast %reduce_or3A_2931 : f32 to vector<1x512xf32>
        %reduce_or3A_2934 = arith.select %ne3A_2929, %reduce_or3A_2932, %reduce_or3A_2933 : vector<1x512xi1>, vector<1x512xf32>
        %reduce_or3A_2935 = vector.shape_cast %reduce_or3A_2934 : vector<1x512xf32> to vector<1x1x512xf32>
        %reduce_or3A_2936 = arith.constant dense<0xFF800000> : vector<1xf32>
        %reduce_or3A_2937 = vector.multi_reduction <maximumf>, %reduce_or3A_2935, %reduce_or3A_2936 [1, 2] : vector<1x1x512xf32> to vector<1xf32>
        %reduce_or3A_2938 = vector.shape_cast %reduce_or3A_2937 : vector<1xf32> to vector<1x1x1xf32>
        %reduce_or3A_2939 = vector.extract %reduce_or3A_2938[0, 0, 0] : f32 from vector<1x1x1xf32>
        %reduce_or3A_2940 = arith.constant 0.000000e+00 : f32
        %reduce_or3A_2941 = arith.cmpf ogt, %reduce_or3A_2939, %reduce_or3A_2940 : f32
        scf.yield %mul3A_2928, %reduce_or3A_2941 : vector<1x512xf32>, i1
      }
      %swap3A_2663 = arith.constant 0 : index
      %swap3A_2664 = arith.constant 3584 : index
      %swap3A_2665 = vector.load %arg2[%swap3A_2663, %swap3A_2664] : memref<1x5120xf32, #tpu.memory_space<vmem>>, vector<1x512xf32>
      tpu.vector_store %arg2[%swap3A_2663, %swap3A_2664], %while3A_2662#0 {strides = array<i32>} : memref<1x5120xf32, #tpu.memory_space<vmem>>, vector<1x512xf32>,
      %dot_general3A_2666 = arith.constant dense<0.000000e+00> : vector<1x1536xf32>
      %dot_general3A_2667 = tpu.matmul %while3A_2662#0, %convert_element_type3A_2627, %dot_general3A_2666 {dimension_numbers = #tpu.dot_dimension_numbers<[1], [0], [0], [1], [0, 0, 1, 1], [], []>, transpose_lhs_hint = false} : vector<1x512xf32>, vector<512x1536xf32>, vector<1x1536xf32> -> vector<1x1536xf32>
      %gt3A_2668 = arith.constant 0.000000e+00 : f32
      %gt3A_2669 = vector.broadcast %gt3A_2668 : f32 to vector<1x1536xf32>
      %gt3A_2670 = arith.cmpf ogt, %dot_general3A_2667, %gt3A_2669 : vector<1x1536xf32>
      %slice3A_2671 = vector.extract_strided_slice %iota3A_2 {offsets = [0, 0], sizes = [1, 1536], strides = [1, 1]} : vector<1x2560xi32> to vector<1x1536xi32>
      %ge3A_2672 = arith.constant 512 : i32
      %ge3A_2673 = vector.broadcast %ge3A_2672 : i32 to vector<1x1536xi32>
      %ge3A_2674 = arith.cmpi sge, %slice3A_2671, %ge3A_2673 : vector<1x1536xi32>
      %and3A_2675 = arith.andi %gt3A_2670, %ge3A_2674 : vector<1x1536xi1>
      %get3A_2676 = arith.constant 0 : index
      %get3A_2677 = arith.constant 3584 : index
      %get3A_2678 = vector.load %arg2[%get3A_2676, %get3A_2677] : memref<1x5120xf32, #tpu.memory_space<vmem>>, vector<1x1536xf32>
      %convert_element_type3A_2679 = arith.extui %and3A_2675 : vector<1x1536xi1> to vector<1x1536xi32>
      %convert_element_type3A_2680 = arith.sitofp %convert_element_type3A_2679 : vector<1x1536xi32> to vector<1x1536xf32>
      %sub3A_2681 = arith.constant 1.000000e+00 : f32
      %sub3A_2682 = vector.broadcast %sub3A_2681 : f32 to vector<1x1536xf32>
      %sub3A_2683 = arith.subf %sub3A_2682, %convert_element_type3A_2680 : vector<1x1536xf32>
      %mul3A_2684 = arith.mulf %get3A_2678, %sub3A_2683 : vector<1x1536xf32>
      %swap3A_2685 = arith.constant 0 : index
      %swap3A_2686 = arith.constant 3584 : index
      %swap3A_2687 = vector.load %arg2[%swap3A_2685, %swap3A_2686] : memref<1x5120xf32, #tpu.memory_space<vmem>>, vector<1x1536xf32>
      tpu.vector_store %arg2[%swap3A_2685, %swap3A_2686], %mul3A_2684 {strides = array<i32>} : memref<1x5120xf32, #tpu.memory_space<vmem>>, vector<1x1536xf32>,
      %get3A_2688 = arith.constant 8 : index
      %get3A_2689 = arith.constant 0 : index
      %get3A_2690 = arith.constant 0 : index
      %get3A_2691 = vector.load %arg1[%get3A_2688, %get3A_2689, %get3A_2690] : memref<10x512x16xf32, #tpu.memory_space<vmem>>, vector<1x512x16xf32>
      %get3A_2692 = vector.shape_cast %get3A_2691 : vector<1x512x16xf32> to vector<512x16xf32>
      %slice3A_2693 = vector.extract_strided_slice %get3A_2692 {offsets = [0, 0], sizes = [512, 1], strides = [1, 1]} : vector<512x16xf32> to vector<512x1xf32>
      %slice3A_2694 = vector.extract_strided_slice %get3A_2692 {offsets = [0, 1], sizes = [512, 1], strides = [1, 1]} : vector<512x16xf32> to vector<512x1xf32>
      %slice3A_2695 = vector.extract_strided_slice %get3A_2692 {offsets = [0, 2], sizes = [512, 1], strides = [1, 1]} : vector<512x16xf32> to vector<512x1xf32>
      %slice3A_2696 = vector.extract_strided_slice %get3A_2692 {offsets = [0, 3], sizes = [512, 1], strides = [1, 1]} : vector<512x16xf32> to vector<512x1xf32>
      %slice3A_2697 = vector.extract_strided_slice %get3A_2692 {offsets = [0, 5], sizes = [512, 1], strides = [1, 1]} : vector<512x16xf32> to vector<512x1xf32>
      %get3A_2698 = arith.constant 0 : index
      %get3A_2699 = arith.constant 4096 : index
      %get3A_2700 = vector.load %arg0[%get3A_2698, %get3A_2699] : memref<8x5120xf32, #tpu.memory_space<vmem>>, vector<1x1024xf32>
      %get3A_2701 = arith.constant 1 : index
      %get3A_2702 = arith.constant 4096 : index
      %get3A_2703 = vector.load %arg0[%get3A_2701, %get3A_2702] : memref<8x5120xf32, #tpu.memory_space<vmem>>, vector<1x1024xf32>
      %get3A_2704 = arith.constant 2 : index
      %get3A_2705 = arith.constant 4096 : index
      %get3A_2706 = vector.load %arg0[%get3A_2704, %get3A_2705] : memref<8x5120xf32, #tpu.memory_space<vmem>>, vector<1x1024xf32>
      %get3A_2707 = arith.constant 3 : index
      %get3A_2708 = arith.constant 4096 : index
      %get3A_2709 = vector.load %arg0[%get3A_2707, %get3A_2708] : memref<8x5120xf32, #tpu.memory_space<vmem>>, vector<1x1024xf32>
      %get3A_2710 = arith.constant 5 : index
      %get3A_2711 = arith.constant 4096 : index
      %get3A_2712 = vector.load %arg0[%get3A_2710, %get3A_2711] : memref<8x5120xf32, #tpu.memory_space<vmem>>, vector<1x1024xf32>
      %max3A_2713 = vector.broadcast %slice3A_2693 : vector<512x1xf32> to vector<512x1024xf32>
      %max3A_2714 = vector.broadcast %get3A_2700 : vector<1x1024xf32> to vector<512x1024xf32>
      %max3A_2715 = arith.maximumf %max3A_2713, %max3A_2714 : vector<512x1024xf32>
      %max3A_2716 = vector.broadcast %slice3A_2694 : vector<512x1xf32> to vector<512x1024xf32>
      %max3A_2717 = vector.broadcast %get3A_2703 : vector<1x1024xf32> to vector<512x1024xf32>
      %max3A_2718 = arith.maximumf %max3A_2716, %max3A_2717 : vector<512x1024xf32>
      %min3A_2719 = vector.broadcast %slice3A_2695 : vector<512x1xf32> to vector<512x1024xf32>
      %min3A_2720 = vector.broadcast %get3A_2706 : vector<1x1024xf32> to vector<512x1024xf32>
      %min3A_2721 = arith.minimumf %min3A_2719, %min3A_2720 : vector<512x1024xf32>
      %min3A_2722 = vector.broadcast %slice3A_2696 : vector<512x1xf32> to vector<512x1024xf32>
      %min3A_2723 = vector.broadcast %get3A_2709 : vector<1x1024xf32> to vector<512x1024xf32>
      %min3A_2724 = arith.minimumf %min3A_2722, %min3A_2723 : vector<512x1024xf32>
      %sub3A_2725 = arith.subf %min3A_2721, %max3A_2715 : vector<512x1024xf32>
      %max3A_2726 = arith.constant 0.000000e+00 : f32
      %max3A_2727 = vector.broadcast %max3A_2726 : f32 to vector<512x1024xf32>
      %max3A_2728 = arith.maximumf %sub3A_2725, %max3A_2727 : vector<512x1024xf32>
      %sub3A_2729 = arith.subf %min3A_2724, %max3A_2718 : vector<512x1024xf32>
      %max3A_2730 = arith.constant 0.000000e+00 : f32
      %max3A_2731 = vector.broadcast %max3A_2730 : f32 to vector<512x1024xf32>
      %max3A_2732 = arith.maximumf %sub3A_2729, %max3A_2731 : vector<512x1024xf32>
      %mul3A_2733 = arith.mulf %max3A_2728, %max3A_2732 : vector<512x1024xf32>
      %add3A_2734 = vector.broadcast %slice3A_2697 : vector<512x1xf32> to vector<512x1024xf32>
      %add3A_2735 = vector.broadcast %get3A_2712 : vector<1x1024xf32> to vector<512x1024xf32>
      %add3A_2736 = arith.addf %add3A_2734, %add3A_2735 : vector<512x1024xf32>
      %sub3A_2737 = arith.subf %add3A_2736, %mul3A_2733 : vector<512x1024xf32>
      %div3A_2738 = arith.divf %mul3A_2733, %sub3A_2737 : vector<512x1024xf32>
      %gt3A_2739 = arith.constant 0.699999988 : f32
      %gt3A_2740 = vector.broadcast %gt3A_2739 : f32 to vector<512x1024xf32>
      %gt3A_2741 = arith.cmpf ogt, %div3A_2738, %gt3A_2740 : vector<512x1024xf32>
      %convert_element_type3A_2742 = arith.extui %gt3A_2741 : vector<512x1024xi1> to vector<512x1024xi32>
      %convert_element_type3A_2743 = arith.sitofp %convert_element_type3A_2742 : vector<512x1024xi32> to vector<512x1024xf32>
      %slice3A_2744 = vector.extract_strided_slice %convert_element_type3A_2743 {offsets = [0, 0], sizes = [512, 512], strides = [1, 1]} : vector<512x1024xf32> to vector<512x512xf32>
      %mul3A_2745 = arith.mulf %slice3A_2744, %convert_element_type3A_1 : vector<512x512xf32>
      %get3A_2746 = arith.constant 0 : index
      %get3A_2747 = arith.constant 4096 : index
      %get3A_2748 = vector.load %arg2[%get3A_2746, %get3A_2747] : memref<1x5120xf32, #tpu.memory_space<vmem>>, vector<1x512xf32>
      %dot_general3A_2749 = arith.constant dense<0.000000e+00> : vector<1x512xf32>
      %dot_general3A_2750 = tpu.matmul %get3A_2748, %mul3A_2745, %dot_general3A_2749 {dimension_numbers = #tpu.dot_dimension_numbers<[1], [0], [0], [1], [0, 0, 1, 1], [], []>, transpose_lhs_hint = false} : vector<1x512xf32>, vector<512x512xf32>, vector<1x512xf32> -> vector<1x512xf32>
      %eq3A_2751 = arith.constant 0.000000e+00 : f32
      %eq3A_2752 = vector.broadcast %eq3A_2751 : f32 to vector<1x512xf32>
      %eq3A_2753 = arith.cmpf oeq, %dot_general3A_2750, %eq3A_2752 : vector<1x512xf32>
      %convert_element_type3A_2754 = arith.extui %eq3A_2753 : vector<1x512xi1> to vector<1x512xi32>
      %convert_element_type3A_2755 = arith.sitofp %convert_element_type3A_2754 : vector<1x512xi32> to vector<1x512xf32>
      %mul3A_2756 = arith.mulf %get3A_2748, %convert_element_type3A_2755 : vector<1x512xf32>
      %dot_general3A_2757 = arith.constant dense<0.000000e+00> : vector<1x512xf32>
      %dot_general3A_2758 = tpu.matmul %mul3A_2756, %mul3A_2745, %dot_general3A_2757 {dimension_numbers = #tpu.dot_dimension_numbers<[1], [0], [0], [1], [0, 0, 1, 1], [], []>, transpose_lhs_hint = false} : vector<1x512xf32>, vector<512x512xf32>, vector<1x512xf32> -> vector<1x512xf32>
      %eq3A_2759 = arith.constant 0.000000e+00 : f32
      %eq3A_2760 = vector.broadcast %eq3A_2759 : f32 to vector<1x512xf32>
      %eq3A_2761 = arith.cmpf oeq, %dot_general3A_2758, %eq3A_2760 : vector<1x512xf32>
      %convert_element_type3A_2762 = arith.extui %eq3A_2761 : vector<1x512xi1> to vector<1x512xi32>
      %convert_element_type3A_2763 = arith.sitofp %convert_element_type3A_2762 : vector<1x512xi32> to vector<1x512xf32>
      %mul3A_2764 = arith.mulf %get3A_2748, %convert_element_type3A_2763 : vector<1x512xf32>
      %ne3A_2765 = arith.cmpf one, %mul3A_2764, %mul3A_2756 : vector<1x512xf32>
      %reduce_or3A_2766 = arith.constant 1.000000e+00 : f32
      %reduce_or3A_2767 = arith.constant 0.000000e+00 : f32
      %reduce_or3A_2768 = vector.broadcast %reduce_or3A_2766 : f32 to vector<1x512xf32>
      %reduce_or3A_2769 = vector.broadcast %reduce_or3A_2767 : f32 to vector<1x512xf32>
      %reduce_or3A_2770 = arith.select %ne3A_2765, %reduce_or3A_2768, %reduce_or3A_2769 : vector<1x512xi1>, vector<1x512xf32>
      %reduce_or3A_2771 = vector.shape_cast %reduce_or3A_2770 : vector<1x512xf32> to vector<1x1x512xf32>
      %reduce_or3A_2772 = arith.constant dense<0xFF800000> : vector<1xf32>
      %reduce_or3A_2773 = vector.multi_reduction <maximumf>, %reduce_or3A_2771, %reduce_or3A_2772 [1, 2] : vector<1x1x512xf32> to vector<1xf32>
      %reduce_or3A_2774 = vector.shape_cast %reduce_or3A_2773 : vector<1xf32> to vector<1x1x1xf32>
      %reduce_or3A_2775 = vector.extract %reduce_or3A_2774[0, 0, 0] : f32 from vector<1x1x1xf32>
      %reduce_or3A_2776 = arith.constant 0.000000e+00 : f32
      %reduce_or3A_2777 = arith.cmpf ogt, %reduce_or3A_2775, %reduce_or3A_2776 : f32
      %while3A_2778:2 = scf.while (%while3A_2919 = %mul3A_2764, %while3A_2920 = %reduce_or3A_2777) : (vector<1x512xf32>, i1) -> (vector<1x512xf32>, i1) {
        scf.condition(%while3A_2920) %while3A_2919, %while3A_2920 : vector<1x512xf32>, i1
      } do {
      ^bb0(%while3A_2919: vector<1x512xf32>, %while3A_2920: i1):
        %dot_general3A_2921 = arith.constant dense<0.000000e+00> : vector<1x512xf32>
        %dot_general3A_2922 = tpu.matmul %while3A_2919, %mul3A_2745, %dot_general3A_2921 {dimension_numbers = #tpu.dot_dimension_numbers<[1], [0], [0], [1], [0, 0, 1, 1], [], []>, transpose_lhs_hint = false} : vector<1x512xf32>, vector<512x512xf32>, vector<1x512xf32> -> vector<1x512xf32>
        %eq3A_2923 = arith.constant 0.000000e+00 : f32
        %eq3A_2924 = vector.broadcast %eq3A_2923 : f32 to vector<1x512xf32>
        %eq3A_2925 = arith.cmpf oeq, %dot_general3A_2922, %eq3A_2924 : vector<1x512xf32>
        %convert_element_type3A_2926 = arith.extui %eq3A_2925 : vector<1x512xi1> to vector<1x512xi32>
        %convert_element_type3A_2927 = arith.sitofp %convert_element_type3A_2926 : vector<1x512xi32> to vector<1x512xf32>
        %mul3A_2928 = arith.mulf %get3A_2748, %convert_element_type3A_2927 : vector<1x512xf32>
        %ne3A_2929 = arith.cmpf one, %mul3A_2928, %while3A_2919 : vector<1x512xf32>
        %reduce_or3A_2930 = arith.constant 1.000000e+00 : f32
        %reduce_or3A_2931 = arith.constant 0.000000e+00 : f32
        %reduce_or3A_2932 = vector.broadcast %reduce_or3A_2930 : f32 to vector<1x512xf32>
        %reduce_or3A_2933 = vector.broadcast %reduce_or3A_2931 : f32 to vector<1x512xf32>
        %reduce_or3A_2934 = arith.select %ne3A_2929, %reduce_or3A_2932, %reduce_or3A_2933 : vector<1x512xi1>, vector<1x512xf32>
        %reduce_or3A_2935 = vector.shape_cast %reduce_or3A_2934 : vector<1x512xf32> to vector<1x1x512xf32>
        %reduce_or3A_2936 = arith.constant dense<0xFF800000> : vector<1xf32>
        %reduce_or3A_2937 = vector.multi_reduction <maximumf>, %reduce_or3A_2935, %reduce_or3A_2936 [1, 2] : vector<1x1x512xf32> to vector<1xf32>
        %reduce_or3A_2938 = vector.shape_cast %reduce_or3A_2937 : vector<1xf32> to vector<1x1x1xf32>
        %reduce_or3A_2939 = vector.extract %reduce_or3A_2938[0, 0, 0] : f32 from vector<1x1x1xf32>
        %reduce_or3A_2940 = arith.constant 0.000000e+00 : f32
        %reduce_or3A_2941 = arith.cmpf ogt, %reduce_or3A_2939, %reduce_or3A_2940 : f32
        scf.yield %mul3A_2928, %reduce_or3A_2941 : vector<1x512xf32>, i1
      }
      %swap3A_2779 = arith.constant 0 : index
      %swap3A_2780 = arith.constant 4096 : index
      %swap3A_2781 = vector.load %arg2[%swap3A_2779, %swap3A_2780] : memref<1x5120xf32, #tpu.memory_space<vmem>>, vector<1x512xf32>
      tpu.vector_store %arg2[%swap3A_2779, %swap3A_2780], %while3A_2778#0 {strides = array<i32>} : memref<1x5120xf32, #tpu.memory_space<vmem>>, vector<1x512xf32>,
      %dot_general3A_2782 = arith.constant dense<0.000000e+00> : vector<1x1024xf32>
      %dot_general3A_2783 = tpu.matmul %while3A_2778#0, %convert_element_type3A_2743, %dot_general3A_2782 {dimension_numbers = #tpu.dot_dimension_numbers<[1], [0], [0], [1], [0, 0, 1, 1], [], []>, transpose_lhs_hint = false} : vector<1x512xf32>, vector<512x1024xf32>, vector<1x1024xf32> -> vector<1x1024xf32>
      %gt3A_2784 = arith.constant 0.000000e+00 : f32
      %gt3A_2785 = vector.broadcast %gt3A_2784 : f32 to vector<1x1024xf32>
      %gt3A_2786 = arith.cmpf ogt, %dot_general3A_2783, %gt3A_2785 : vector<1x1024xf32>
      %slice3A_2787 = vector.extract_strided_slice %iota3A_2 {offsets = [0, 0], sizes = [1, 1024], strides = [1, 1]} : vector<1x2560xi32> to vector<1x1024xi32>
      %ge3A_2788 = arith.constant 512 : i32
      %ge3A_2789 = vector.broadcast %ge3A_2788 : i32 to vector<1x1024xi32>
      %ge3A_2790 = arith.cmpi sge, %slice3A_2787, %ge3A_2789 : vector<1x1024xi32>
      %and3A_2791 = arith.andi %gt3A_2786, %ge3A_2790 : vector<1x1024xi1>
      %get3A_2792 = arith.constant 0 : index
      %get3A_2793 = arith.constant 4096 : index
      %get3A_2794 = vector.load %arg2[%get3A_2792, %get3A_2793] : memref<1x5120xf32, #tpu.memory_space<vmem>>, vector<1x1024xf32>
      %convert_element_type3A_2795 = arith.extui %and3A_2791 : vector<1x1024xi1> to vector<1x1024xi32>
      %convert_element_type3A_2796 = arith.sitofp %convert_element_type3A_2795 : vector<1x1024xi32> to vector<1x1024xf32>
      %sub3A_2797 = arith.constant 1.000000e+00 : f32
      %sub3A_2798 = vector.broadcast %sub3A_2797 : f32 to vector<1x1024xf32>
      %sub3A_2799 = arith.subf %sub3A_2798, %convert_element_type3A_2796 : vector<1x1024xf32>
      %mul3A_2800 = arith.mulf %get3A_2794, %sub3A_2799 : vector<1x1024xf32>
      %swap3A_2801 = arith.constant 0 : index
      %swap3A_2802 = arith.constant 4096 : index
      %swap3A_2803 = vector.load %arg2[%swap3A_2801, %swap3A_2802] : memref<1x5120xf32, #tpu.memory_space<vmem>>, vector<1x1024xf32>
      tpu.vector_store %arg2[%swap3A_2801, %swap3A_2802], %mul3A_2800 {strides = array<i32>} : memref<1x5120xf32, #tpu.memory_space<vmem>>, vector<1x1024xf32>,
      %get3A_2804 = arith.constant 9 : index
      %get3A_2805 = arith.constant 0 : index
      %get3A_2806 = arith.constant 0 : index
      %get3A_2807 = vector.load %arg1[%get3A_2804, %get3A_2805, %get3A_2806] : memref<10x512x16xf32, #tpu.memory_space<vmem>>, vector<1x512x16xf32>
      %get3A_2808 = vector.shape_cast %get3A_2807 : vector<1x512x16xf32> to vector<512x16xf32>
      %slice3A_2809 = vector.extract_strided_slice %get3A_2808 {offsets = [0, 0], sizes = [512, 1], strides = [1, 1]} : vector<512x16xf32> to vector<512x1xf32>
      %slice3A_2810 = vector.extract_strided_slice %get3A_2808 {offsets = [0, 1], sizes = [512, 1], strides = [1, 1]} : vector<512x16xf32> to vector<512x1xf32>
      %slice3A_2811 = vector.extract_strided_slice %get3A_2808 {offsets = [0, 2], sizes = [512, 1], strides = [1, 1]} : vector<512x16xf32> to vector<512x1xf32>
      %slice3A_2812 = vector.extract_strided_slice %get3A_2808 {offsets = [0, 3], sizes = [512, 1], strides = [1, 1]} : vector<512x16xf32> to vector<512x1xf32>
      %slice3A_2813 = vector.extract_strided_slice %get3A_2808 {offsets = [0, 5], sizes = [512, 1], strides = [1, 1]} : vector<512x16xf32> to vector<512x1xf32>
      %get3A_2814 = arith.constant 0 : index
      %get3A_2815 = arith.constant 4608 : index
      %get3A_2816 = vector.load %arg0[%get3A_2814, %get3A_2815] : memref<8x5120xf32, #tpu.memory_space<vmem>>, vector<1x512xf32>
      %get3A_2817 = arith.constant 1 : index
      %get3A_2818 = arith.constant 4608 : index
      %get3A_2819 = vector.load %arg0[%get3A_2817, %get3A_2818] : memref<8x5120xf32, #tpu.memory_space<vmem>>, vector<1x512xf32>
      %get3A_2820 = arith.constant 2 : index
      %get3A_2821 = arith.constant 4608 : index
      %get3A_2822 = vector.load %arg0[%get3A_2820, %get3A_2821] : memref<8x5120xf32, #tpu.memory_space<vmem>>, vector<1x512xf32>
      %get3A_2823 = arith.constant 3 : index
      %get3A_2824 = arith.constant 4608 : index
      %get3A_2825 = vector.load %arg0[%get3A_2823, %get3A_2824] : memref<8x5120xf32, #tpu.memory_space<vmem>>, vector<1x512xf32>
      %get3A_2826 = arith.constant 5 : index
      %get3A_2827 = arith.constant 4608 : index
      %get3A_2828 = vector.load %arg0[%get3A_2826, %get3A_2827] : memref<8x5120xf32, #tpu.memory_space<vmem>>, vector<1x512xf32>
      %max3A_2829 = vector.broadcast %slice3A_2809 : vector<512x1xf32> to vector<512x512xf32>
      %max3A_2830 = vector.broadcast %get3A_2816 : vector<1x512xf32> to vector<512x512xf32>
      %max3A_2831 = arith.maximumf %max3A_2829, %max3A_2830 : vector<512x512xf32>
      %max3A_2832 = vector.broadcast %slice3A_2810 : vector<512x1xf32> to vector<512x512xf32>
      %max3A_2833 = vector.broadcast %get3A_2819 : vector<1x512xf32> to vector<512x512xf32>
      %max3A_2834 = arith.maximumf %max3A_2832, %max3A_2833 : vector<512x512xf32>
      %min3A_2835 = vector.broadcast %slice3A_2811 : vector<512x1xf32> to vector<512x512xf32>
      %min3A_2836 = vector.broadcast %get3A_2822 : vector<1x512xf32> to vector<512x512xf32>
      %min3A_2837 = arith.minimumf %min3A_2835, %min3A_2836 : vector<512x512xf32>
      %min3A_2838 = vector.broadcast %slice3A_2812 : vector<512x1xf32> to vector<512x512xf32>
      %min3A_2839 = vector.broadcast %get3A_2825 : vector<1x512xf32> to vector<512x512xf32>
      %min3A_2840 = arith.minimumf %min3A_2838, %min3A_2839 : vector<512x512xf32>
      %sub3A_2841 = arith.subf %min3A_2837, %max3A_2831 : vector<512x512xf32>
      %max3A_2842 = arith.constant 0.000000e+00 : f32
      %max3A_2843 = vector.broadcast %max3A_2842 : f32 to vector<512x512xf32>
      %max3A_2844 = arith.maximumf %sub3A_2841, %max3A_2843 : vector<512x512xf32>
      %sub3A_2845 = arith.subf %min3A_2840, %max3A_2834 : vector<512x512xf32>
      %max3A_2846 = arith.constant 0.000000e+00 : f32
      %max3A_2847 = vector.broadcast %max3A_2846 : f32 to vector<512x512xf32>
      %max3A_2848 = arith.maximumf %sub3A_2845, %max3A_2847 : vector<512x512xf32>
      %mul3A_2849 = arith.mulf %max3A_2844, %max3A_2848 : vector<512x512xf32>
      %add3A_2850 = vector.broadcast %slice3A_2813 : vector<512x1xf32> to vector<512x512xf32>
      %add3A_2851 = vector.broadcast %get3A_2828 : vector<1x512xf32> to vector<512x512xf32>
      %add3A_2852 = arith.addf %add3A_2850, %add3A_2851 : vector<512x512xf32>
      %sub3A_2853 = arith.subf %add3A_2852, %mul3A_2849 : vector<512x512xf32>
      %div3A_2854 = arith.divf %mul3A_2849, %sub3A_2853 : vector<512x512xf32>
      %gt3A_2855 = arith.constant 0.699999988 : f32
      %gt3A_2856 = vector.broadcast %gt3A_2855 : f32 to vector<512x512xf32>
      %gt3A_2857 = arith.cmpf ogt, %div3A_2854, %gt3A_2856 : vector<512x512xf32>
      %convert_element_type3A_2858 = arith.extui %gt3A_2857 : vector<512x512xi1> to vector<512x512xi32>
      %convert_element_type3A_2859 = arith.sitofp %convert_element_type3A_2858 : vector<512x512xi32> to vector<512x512xf32>
      %mul3A_2860 = arith.mulf %convert_element_type3A_2859, %convert_element_type3A_1 : vector<512x512xf32>
      %get3A_2861 = arith.constant 0 : index
      %get3A_2862 = arith.constant 4608 : index
      %get3A_2863 = vector.load %arg2[%get3A_2861, %get3A_2862] : memref<1x5120xf32, #tpu.memory_space<vmem>>, vector<1x512xf32>
      %dot_general3A_2864 = arith.constant dense<0.000000e+00> : vector<1x512xf32>
      %dot_general3A_2865 = tpu.matmul %get3A_2863, %mul3A_2860, %dot_general3A_2864 {dimension_numbers = #tpu.dot_dimension_numbers<[1], [0], [0], [1], [0, 0, 1, 1], [], []>, transpose_lhs_hint = false} : vector<1x512xf32>, vector<512x512xf32>, vector<1x512xf32> -> vector<1x512xf32>
      %eq3A_2866 = arith.constant 0.000000e+00 : f32
      %eq3A_2867 = vector.broadcast %eq3A_2866 : f32 to vector<1x512xf32>
      %eq3A_2868 = arith.cmpf oeq, %dot_general3A_2865, %eq3A_2867 : vector<1x512xf32>
      %convert_element_type3A_2869 = arith.extui %eq3A_2868 : vector<1x512xi1> to vector<1x512xi32>
      %convert_element_type3A_2870 = arith.sitofp %convert_element_type3A_2869 : vector<1x512xi32> to vector<1x512xf32>
      %mul3A_2871 = arith.mulf %get3A_2863, %convert_element_type3A_2870 : vector<1x512xf32>
      %dot_general3A_2872 = arith.constant dense<0.000000e+00> : vector<1x512xf32>
      %dot_general3A_2873 = tpu.matmul %mul3A_2871, %mul3A_2860, %dot_general3A_2872 {dimension_numbers = #tpu.dot_dimension_numbers<[1], [0], [0], [1], [0, 0, 1, 1], [], []>, transpose_lhs_hint = false} : vector<1x512xf32>, vector<512x512xf32>, vector<1x512xf32> -> vector<1x512xf32>
      %eq3A_2874 = arith.constant 0.000000e+00 : f32
      %eq3A_2875 = vector.broadcast %eq3A_2874 : f32 to vector<1x512xf32>
      %eq3A_2876 = arith.cmpf oeq, %dot_general3A_2873, %eq3A_2875 : vector<1x512xf32>
      %convert_element_type3A_2877 = arith.extui %eq3A_2876 : vector<1x512xi1> to vector<1x512xi32>
      %convert_element_type3A_2878 = arith.sitofp %convert_element_type3A_2877 : vector<1x512xi32> to vector<1x512xf32>
      %mul3A_2879 = arith.mulf %get3A_2863, %convert_element_type3A_2878 : vector<1x512xf32>
      %ne3A_2880 = arith.cmpf one, %mul3A_2879, %mul3A_2871 : vector<1x512xf32>
      %reduce_or3A_2881 = arith.constant 1.000000e+00 : f32
      %reduce_or3A_2882 = arith.constant 0.000000e+00 : f32
      %reduce_or3A_2883 = vector.broadcast %reduce_or3A_2881 : f32 to vector<1x512xf32>
      %reduce_or3A_2884 = vector.broadcast %reduce_or3A_2882 : f32 to vector<1x512xf32>
      %reduce_or3A_2885 = arith.select %ne3A_2880, %reduce_or3A_2883, %reduce_or3A_2884 : vector<1x512xi1>, vector<1x512xf32>
      %reduce_or3A_2886 = vector.shape_cast %reduce_or3A_2885 : vector<1x512xf32> to vector<1x1x512xf32>
      %reduce_or3A_2887 = arith.constant dense<0xFF800000> : vector<1xf32>
      %reduce_or3A_2888 = vector.multi_reduction <maximumf>, %reduce_or3A_2886, %reduce_or3A_2887 [1, 2] : vector<1x1x512xf32> to vector<1xf32>
      %reduce_or3A_2889 = vector.shape_cast %reduce_or3A_2888 : vector<1xf32> to vector<1x1x1xf32>
      %reduce_or3A_2890 = vector.extract %reduce_or3A_2889[0, 0, 0] : f32 from vector<1x1x1xf32>
      %reduce_or3A_2891 = arith.constant 0.000000e+00 : f32
      %reduce_or3A_2892 = arith.cmpf ogt, %reduce_or3A_2890, %reduce_or3A_2891 : f32
      %while3A_2893:2 = scf.while (%while3A_2919 = %mul3A_2879, %while3A_2920 = %reduce_or3A_2892) : (vector<1x512xf32>, i1) -> (vector<1x512xf32>, i1) {
        scf.condition(%while3A_2920) %while3A_2919, %while3A_2920 : vector<1x512xf32>, i1
      } do {
      ^bb0(%while3A_2919: vector<1x512xf32>, %while3A_2920: i1):
        %dot_general3A_2921 = arith.constant dense<0.000000e+00> : vector<1x512xf32>
        %dot_general3A_2922 = tpu.matmul %while3A_2919, %mul3A_2860, %dot_general3A_2921 {dimension_numbers = #tpu.dot_dimension_numbers<[1], [0], [0], [1], [0, 0, 1, 1], [], []>, transpose_lhs_hint = false} : vector<1x512xf32>, vector<512x512xf32>, vector<1x512xf32> -> vector<1x512xf32>
        %eq3A_2923 = arith.constant 0.000000e+00 : f32
        %eq3A_2924 = vector.broadcast %eq3A_2923 : f32 to vector<1x512xf32>
        %eq3A_2925 = arith.cmpf oeq, %dot_general3A_2922, %eq3A_2924 : vector<1x512xf32>
        %convert_element_type3A_2926 = arith.extui %eq3A_2925 : vector<1x512xi1> to vector<1x512xi32>
        %convert_element_type3A_2927 = arith.sitofp %convert_element_type3A_2926 : vector<1x512xi32> to vector<1x512xf32>
        %mul3A_2928 = arith.mulf %get3A_2863, %convert_element_type3A_2927 : vector<1x512xf32>
        %ne3A_2929 = arith.cmpf one, %mul3A_2928, %while3A_2919 : vector<1x512xf32>
        %reduce_or3A_2930 = arith.constant 1.000000e+00 : f32
        %reduce_or3A_2931 = arith.constant 0.000000e+00 : f32
        %reduce_or3A_2932 = vector.broadcast %reduce_or3A_2930 : f32 to vector<1x512xf32>
        %reduce_or3A_2933 = vector.broadcast %reduce_or3A_2931 : f32 to vector<1x512xf32>
        %reduce_or3A_2934 = arith.select %ne3A_2929, %reduce_or3A_2932, %reduce_or3A_2933 : vector<1x512xi1>, vector<1x512xf32>
        %reduce_or3A_2935 = vector.shape_cast %reduce_or3A_2934 : vector<1x512xf32> to vector<1x1x512xf32>
        %reduce_or3A_2936 = arith.constant dense<0xFF800000> : vector<1xf32>
        %reduce_or3A_2937 = vector.multi_reduction <maximumf>, %reduce_or3A_2935, %reduce_or3A_2936 [1, 2] : vector<1x1x512xf32> to vector<1xf32>
        %reduce_or3A_2938 = vector.shape_cast %reduce_or3A_2937 : vector<1xf32> to vector<1x1x1xf32>
        %reduce_or3A_2939 = vector.extract %reduce_or3A_2938[0, 0, 0] : f32 from vector<1x1x1xf32>
        %reduce_or3A_2940 = arith.constant 0.000000e+00 : f32
        %reduce_or3A_2941 = arith.cmpf ogt, %reduce_or3A_2939, %reduce_or3A_2940 : f32
        scf.yield %mul3A_2928, %reduce_or3A_2941 : vector<1x512xf32>, i1
      }
      %swap3A_2894 = arith.constant 0 : index
      %swap3A_2895 = arith.constant 4608 : index
      %swap3A_2896 = vector.load %arg2[%swap3A_2894, %swap3A_2895] : memref<1x5120xf32, #tpu.memory_space<vmem>>, vector<1x512xf32>
      tpu.vector_store %arg2[%swap3A_2894, %swap3A_2895], %while3A_2893#0 {strides = array<i32>} : memref<1x5120xf32, #tpu.memory_space<vmem>>, vector<1x512xf32>,
      %dot_general3A_2897 = arith.constant dense<0.000000e+00> : vector<1x512xf32>
      %dot_general3A_2898 = tpu.matmul %while3A_2893#0, %convert_element_type3A_2859, %dot_general3A_2897 {dimension_numbers = #tpu.dot_dimension_numbers<[1], [0], [0], [1], [0, 0, 1, 1], [], []>, transpose_lhs_hint = false} : vector<1x512xf32>, vector<512x512xf32>, vector<1x512xf32> -> vector<1x512xf32>
      %gt3A_2899 = arith.constant 0.000000e+00 : f32
      %gt3A_2900 = vector.broadcast %gt3A_2899 : f32 to vector<1x512xf32>
      %gt3A_2901 = arith.cmpf ogt, %dot_general3A_2898, %gt3A_2900 : vector<1x512xf32>
      %slice3A_2902 = vector.extract_strided_slice %iota3A_2 {offsets = [0, 0], sizes = [1, 512], strides = [1, 1]} : vector<1x2560xi32> to vector<1x512xi32>
      %ge3A_2903 = arith.constant 512 : i32
      %ge3A_2904 = vector.broadcast %ge3A_2903 : i32 to vector<1x512xi32>
      %ge3A_2905 = arith.cmpi sge, %slice3A_2902, %ge3A_2904 : vector<1x512xi32>
      %and3A_2906 = arith.andi %gt3A_2901, %ge3A_2905 : vector<1x512xi1>
      %get3A_2907 = arith.constant 0 : index
      %get3A_2908 = arith.constant 4608 : index
      %get3A_2909 = vector.load %arg2[%get3A_2907, %get3A_2908] : memref<1x5120xf32, #tpu.memory_space<vmem>>, vector<1x512xf32>
      %convert_element_type3A_2910 = arith.extui %and3A_2906 : vector<1x512xi1> to vector<1x512xi32>
      %convert_element_type3A_2911 = arith.sitofp %convert_element_type3A_2910 : vector<1x512xi32> to vector<1x512xf32>
      %sub3A_2912 = arith.constant 1.000000e+00 : f32
      %sub3A_2913 = vector.broadcast %sub3A_2912 : f32 to vector<1x512xf32>
      %sub3A_2914 = arith.subf %sub3A_2913, %convert_element_type3A_2911 : vector<1x512xf32>
      %mul3A_2915 = arith.mulf %get3A_2909, %sub3A_2914 : vector<1x512xf32>
      %swap3A_2916 = arith.constant 0 : index
      %swap3A_2917 = arith.constant 4608 : index
      %swap3A_2918 = vector.load %arg2[%swap3A_2916, %swap3A_2917] : memref<1x5120xf32, #tpu.memory_space<vmem>>, vector<1x512xf32>
      tpu.vector_store %arg2[%swap3A_2916, %swap3A_2917], %mul3A_2915 {strides = array<i32>} : memref<1x5120xf32, #tpu.memory_space<vmem>>, vector<1x512xf32>,
    } else {
    }
    return
  }
}

</mosaic_0001>

<sc_bundles>
// kernel: kernel.4.cloned.1.call-start
scs
__scs_entry_jumppad:
0x0: {  	(pc) =	sbr.rel $0x88, $3  }
0x1: {  	(tag) =	ssettag $0x0;
	lr =	simm.s32 $0x1  }
0x2: {  	[smem:$0x3F9F] =	sst lr;
	_ =	strace $0xD0000000  }
0x3: {  	_ = 	snop  }
0x4: {  	_ = 	snop  }
0x5: {  	_ = 	snop  }
0x6: {  	_ = 	snop  }
0x7: {  	_ = 	snop  }
__scs_overlays_trampoline_lowered:
0x8: {  	[smem:$0x3FAE] =	sst s0  }
0x9: {  	[smem:$0x3FAF] =	sst s1  }
0xa: {  	[smem:$0x3FB0] =	sst s2  }
0xb: {  	[smem:$0x3FB1] =	sst s3  }
0xc: {  	[smem:$0x3FB2] =	sst s4  }
0xd: {  	[smem:$0x3FB3] =	sst s5  }
0xe: {  	[smem:$0x3FB4] =	sst s6  }
0xf: {  	[smem:$0x3FB5] =	sst s7  }
0x10: {  	[smem:$0x3FB6] =	sst s8  }
0x11: {  	[smem:$0x3FB7] =	sst s9;
	s0 =	simm.s32 @!p0 $0x0  }
0x12: {  	s1 =	sld [smem:$0x3F9D];
	s0 =	simm.s32 @p0 $0x1  }
0x13: {  	[smem:$0x3FB8] =	sst s0;
	s0 =	simm.s32 @!p1 $0x0  }
0x14: {  	s2 =	sld [smem:$0x3F9C];
	s0 =	simm.s32 @p1 $0x1  }
0x15: {  	[smem:$0x3FB9] =	sst s0;
	s0 =	simm.s32 @!p2 $0x0  }
0x16: {  	s3 =	sld [smem:$0x3FDB];
	s0 =	simm.s32 @p2 $0x1  }
0x17: {  	s4 =	simm.s32 $0x1BF5;
	[smem:$0x3FBB] =	sst s0  }
0x18: {  	s0 =	sld [smem:$0x3F9E];
	_ =	swait.ge [sflag:s4], $0x0  }
0x19: {  	s7 =	sld [smem:$0x3F9F]  }
0x1a: {  	s8 =	sadd.s32 $0xFFFFE003, lr  }
0x1b: {  	s9 =	sadd.s32 $0xFFFFFEF7, lr;
	s5 =	simm.s32 $0xFFFFFFFF;
	p2 =	slt.u32 s8, $0xFFFFF086  }
0x1c: {  	p1 =	slt.u32 s9, $0xF7A;
	s5 =	simm.s32 @!p2 $0x0  }
0x1d: {  	s5 =	simm.s32 @p1 $0x1;
	p0 =	seq.s32 s7, s2  }
0x1e: {  	s7 =	smul.u32 @!p0 $0xF7A, s2;
	p2 =	seq.s32 @!p0 s5, $0x0  }
0x1f: {  	s9 =	smul.u32 $0xF7A, s1;
	s8 =	simm.s32 @!p0 $0x1BF5;
	p2 =	por !p2, p0  }
0x20: {  	[sflag:s8] =	ssyncset.s32 @!p0 $0xFFFFF086;
	s6 =	sadd.s32 @!p0 s3, s7;
	s7 =	simm.s32 @!p0 $0x108  }
0x21: {  	s3 =	sadd.s32 s3, s9;
	s6 =	sadd.s32 @!p0 $0x88, s6;
	s7 =	simm.s32 @p2 $0x1082  }
0x22: {  	[simem:s7], [sflag:s8] =	dma.local @!p0 [hbm:s6], $0xF7A  }
0x23: {  	s9 =	sor.u32 $0xD0000000, s2;
	s6 =	simm.s32 $0x108;
	_ =	swait.ge @!p0 [sflag:s8], $0x0  }
0x24: {  	s3 =	sadd.s32 $0x88, s3;
	s6 =	simm.s32 @!p1 $0x1082;
	[sflag:s4] =	ssyncset.s32 $0xFFFFF086  }
0x25: {  	[simem:s6], [sflag:s4] =	dma.local [hbm:s3], $0xF7A  }
0x26: {  	[smem:$0x3F9F] =	sst s1;
	(tag) =	ssettag s2;
	_ =	strace s9  }
0x27: {  	s1 =	sld [smem:$0x3FAF]  }
0x28: {  	s2 =	sld [smem:$0x3FB0]  }
0x29: {  	s4 =	sld [smem:$0x3FB2]  }
0x2a: {  	p0 =	seq.s32 s5, $0x0;
	s5 =	sld [smem:$0x3FB3]  }
0x2b: {  	s6 =	sld [smem:$0x3FB4]  }
0x2c: {  	s7 =	sld [smem:$0x3FB5]  }
0x2d: {  	s3 =	simm.s32 $0x108;
	s8 =	sld [smem:$0x3FB6]  }
0x2e: {  	s3 =	simm.s32 @!p0 $0x1082;
	s9 =	sld [smem:$0x3FB7]  }
0x2f: {  	lr =	sadd.s32 s0, s3;
	s0 =	sld [smem:$0x3FAE]  }
0x30: {  	s3 =	sld [smem:$0x3FB1]  }
0x31: {  	[smem:$0x3FBA] =	sst s10  }
0x32: {  	s10 =	sld [smem:$0x3FB8];
	_ =	sdelay $0x3  }
0x33: {  	p0 =	seq.s32 s10, $0x1;
	s10 =	sld [smem:$0x3FBA];
	_ =	sdelay $0x3  }
0x34: {  	[smem:$0x3FBA] =	sst s10  }
0x35: {  	s10 =	sld [smem:$0x3FB9];
	_ =	sdelay $0x3  }
0x36: {  	p1 =	seq.s32 s10, $0x1;
	s10 =	sld [smem:$0x3FBA];
	_ =	sdelay $0x3  }
0x37: {  	[smem:$0x3FBA] =	sst s10  }
0x38: {  	s10 =	sld [smem:$0x3FBB]  }
0x39: {  	_ = 	snop;
	(pc) =	sbr.ind lr, $3  }
0x3a: {  	_ = 	snop  }
0x3b: {  	_ = 	snop  }
0x3c: {  	p2 =	seq.s32 s10, $0x1;
	s10 =	sld [smem:$0x3FBA]  }
0x3d: {  	_ =	shalt  }
0x3e: {  	_ =	shalt  }
0x3f: {  	_ =	shalt  }
0x40: {  	_ =	shalt  }
0x41: {  	_ =	shalt  }
0x42: {  	_ =	shalt  }
0x43: {  	_ =	shalt  }
0x44: {  	_ =	shalt  }
0x45: {  	_ =	shalt  }
0x46: {  	_ =	shalt  }
0x47: {  	_ =	shalt  }
0x48: {  	_ =	shalt  }
0x49: {  	_ =	shalt  }
0x4a: {  	_ =	shalt  }
0x4b: {  	_ =	shalt  }
0x4c: {  	_ =	shalt  }
0x4d: {  	_ =	shalt  }
0x4e: {  	_ =	shalt  }
0x4f: {  	_ =	shalt  }
0x50: {  	_ =	shalt  }
0x51: {  	_ =	shalt  }
0x52: {  	_ =	shalt  }
0x53: {  	_ =	shalt  }
0x54: {  	_ =	shalt  }
0x55: {  	_ =	shalt  }
0x56: {  	_ =	shalt  }
0x57: {  	_ =	shalt  }
0x58: {  	_ =	shalt  }
0x59: {  	_ =	shalt  }
0x5a: {  	_ =	shalt  }
0x5b: {  	_ =	shalt  }
0x5c: {  	_ =	shalt  }
0x5d: {  	_ =	shalt  }
0x5e: {  	_ =	shalt  }
0x5f: {  	_ =	shalt  }
0x60: {  	_ =	shalt  }
0x61: {  	_ =	shalt  }
0x62: {  	_ =	shalt  }
0x63: {  	_ =	shalt  }
0x64: {  	_ =	shalt  }
0x65: {  	_ =	shalt  }
0x66: {  	_ =	shalt  }
0x67: {  	_ =	shalt  }
0x68: {  	_ =	shalt  }
0x69: {  	_ =	shalt  }
0x6a: {  	_ =	shalt  }
0x6b: {  	_ =	shalt  }
0x6c: {  	_ =	shalt  }
0x6d: {  	_ =	shalt  }
0x6e: {  	_ =	shalt  }
0x6f: {  	_ =	shalt  }
0x70: {  	_ =	shalt  }
0x71: {  	_ =	shalt  }
0x72: {  	_ =	shalt  }
0x73: {  	_ =	shalt  }
0x74: {  	_ =	shalt  }
0x75: {  	_ =	shalt  }
0x76: {  	_ =	shalt  }
0x77: {  	_ =	shalt  }
0x78: {  	_ =	shalt  }
0x79: {  	_ =	shalt  }
0x7a: {  	_ =	shalt  }
0x7b: {  	_ =	shalt  }
0x7c: {  	_ =	shalt  }
0x7d: {  	_ =	shalt  }
0x7e: {  	_ =	shalt  }
0x7f: {  	_ =	shalt  }
0x80: {  	_ =	shalt  }
0x81: {  	_ =	shalt  }
0x82: {  	_ =	shalt  }
0x83: {  	_ =	shalt  }
0x84: {  	_ =	shalt  }
0x85: {  	_ =	shalt  }
0x86: {  	_ =	shalt  }
0x87: {  	_ =	shalt  }
.Lfunc_end0:
.L_simem_size_0:
called_computation_lowered:
.L_overlay_start_0:
0x88: {  	s2 =	sld [smem:$0x3FD9]  }
0x89: {  	s3 =	sld [smem:$0x3FFE];
	_ =	sdelay $0x1  }
0x8a: {  	s1 =	srdreg.scid  }
0x8b: {  	s0 =	sand.u32 $0x1, s1  }
0x8c: {  	s17 =	sshll.u32 s0, $0xA;
	s2 =	sadd.s32 s3, s2  }
0x8d: {  	s2 =	sadd.s32 s2, s17  }
0x8e: {  	[smem:$0x3FC6] =	sst s2  }
0x8f: {  	_ = 	snop  }
0x90: {  	s2 =	sld [smem:$0x3FD0];
	(tm) =	ssettm $0x1  }
0x91: {  	s18 =	sld [smem:$0x3FFB];
	_ =	sdelay $0x3  }
0x92: {  	_ =	strace s18  }
0x93: {  	s3 =	sld [smem:$0x3FFC];
	_ =	sdelay $0x3  }
0x94: {  	_ =	strace s3  }
0x95: {  	s3 =	sld [smem:$0x3FFD];
	_ =	sdelay $0x3  }
0x96: {  	_ =	strace s3  }
0x97: {  	_ =	strace $0x8FFFFFFF  }
0x98: {  	s19 =	sld [smem:$0x3FDB];
	_ =	sdelay $0x1  }
0x99: {  	s4 =	simm.s32 $_scs_section_size  }
0x9a: {  	s5 =	simm.s32 $_size__tile_overlayer_lowered;
	s6 =	simm.s32 $_tile_overlayer_lowered  }
0x9b: {  	s22 =	simm.s32 $0x1BFF;
	s21 =	sshll.u32 s6, $0x1;
	s3 =	sadd.s32 s4, s19  }
0x9c: {  	s7 =	simm.s32 $0x0;
	s20 =	sshll.u32 s5, $0x1;
	s5 =	sadd.s32 s21, s3  }
0x9d: {  	[timem:s7], [sflag:s22] =	dma.local [hbm:s5], s20  }
0x9e: {  	_ =	swait.ge [sflag:s22], s20  }
0x9f: {  	s4 =	ssub.s32 $0x0, s20;
	[sflag:s22] =	ssyncset.done $0x0  }
0xa0: {  	[sflag:s22] =	ssyncadd.s32 s4;
	_ =	sdelay $0x1  }
0xa1: {  	s23 =	simm.s32 $0x1B8B  }
0xa2: {  	_ =	swait.ge [sflag:s23], $0x1  }
0xa3: {  	[sflag:s23] =	ssyncset.done $0x0  }
0xa4: {  	s25 =	simm.s32 $0x1B8E;
	s24 =	sld [smem:$0x3FFE];
	[sflag:s23] =	ssyncadd.s32 $0xFFFFFFFF  }
0xa5: {  	s26 =	simm.s32 $execute0_lowered;
	[smem:$0x3FD2] =	sst s25  }
0xa6: {  	s5 =	sshll.u32 s26, $0x1;
	_ =	strace $0x80000046;
	[dreg:$0x1] =	wrdreg $0xFFFFFFFF  }
0xa7: {  	s28 =	simm.s32 $_size_execute0_lowered;
	s3 =	sadd.s32 s3, s5;
	[dreg:$0x0] =	wrdreg $0x0  }
0xa8: {  	s5 =	sshll.u32 s28, $0x1;
	[dreg:$0x2] =	wrdreg s3  }
0xa9: {  	[dreg:$0x3] =	wrdreg s5  }
0xaa: {  	[dreg:$0x4] =	wrdreg $0xC0  }
0xab: {  	_ =	task [dreg:s7], $0x5FFFF  }
0xac: {  	[dreg:$0x1] =	wrdreg $0xFFFFFFFF  }
0xad: {  	[dreg:$0x0] =	wrdreg $0x60  }
0xae: {  	[dreg:$0x2] =	wrdreg s24  }
0xaf: {  	[dreg:$0x3] =	wrdreg s2  }
0xb0: {  	[dreg:$0x4] =	wrdreg $0x9  }
0xb1: {  	_ =	task.clear_ibuf [dreg:s7], $0x5FFFF;
	_ =	strace $0x90000046  }
0xb2: {  	s29 =	simm.s32 $0x9;
	_ =	strace $0x80000048  }
0xb3: {  	_ =	swait.ge [sflag:s29], $0x1  }
0xb4: {  	[sflag:s29] =	ssyncadd.s32 $0xFFFFFFFF  }
0xb5: {  	_ =	strace $0x90000048  }
0xb6: {  	_ =	sfence  }
0xb7: {  	s30 =	sld [smem:$0x0];
	_ =	sdelay $0x2  }
0xb8: {  	s31 =	sshll.u32 s1, $0xD;
	s1 =	sshrl.u32 s1, $0x2  }
0xb9: {  	s3 =	sand.u32 $0x4000, s31;
	s1 =	sadd.s32 s1, s30  }
0xba: {  	s0 =	sor.u32 s3, s0;
	s1 =	sshll.u32 s1, $0x11  }
0xbb: {  	s0 =	sor.u32 s1, s0  }
0xbc: {  	s0 =	sadd.s32 $0x8F2B, s0  }
0xbd: {  	[sflag:s0] =	ssyncadd.remote.s32 $0x1  }
0xbe: {  	_ =	sfence.sel $0xFFFF  }
0xbf: {  	[dreg:$0x0] =	wrdreg $0xFFFFFFFF;
	(pc) =	sbr.abs _section_cstart, $3  }
0xc0: {  	[dreg:$0x1] =	wrdreg $0xFFFFFFFF  }
0xc1: {  	_ =	task.clear_ibuf [dreg:s7], $0x2FFFF;
	_ =	strace $0x9FFFFFFF  }
0xc2: {  	(tm) =	ssettm $0x7FFFFFFF  }
0xc3: {  	_ =	shalt  }
tec
execute0_lowered:
.L_overlay_start_1:
0x0: {  	(tag) =	ssettag $0x1  }
0x1: {  	s1 =	srdreg.scid;
	s0 =	stileid.u32  }
0x2: {  	s2 =	rddreg [dreg:$0x0];
	s6 =	sand.u32 $0x1, s1;
	s31 =	sshll.u32 s0, $0x1  }
0x3: {  	s4 =	rddreg [dreg:$0x1];
	s3 =	simm.s32 $0x0;
	s7 =	sor.u32 s6, s31  }
0x4: {  	[smem:$0x7FF] =	sst s3;
	s5 =	smul.u32 $0x14, s7  }
0x5: {  	s1 =	rddreg [dreg:$0x2];
	_ =	strace $0x80000047  }
0x6: {  	s9 =	ssub.s32 $0x2, s6;
	s5 =	sadd.s32 s4, s5;
	s4 =	simm.s32 $0x2  }
0x7: {  	[tilespmem:s3], [sflag:$0x2] =	stream.linear.gather [hbm4b:s5+s3], $0xA0, $0x38;
	[tilespmem:$0xAA0] =	vst v63  }
0x8: {  	s6 =	simm.s32 $0xA0;
	s10 =	sshrl.u32 s9, $0x1;
	_ =	swait.ge [sflag:s4], $0xA0  }
0x9: {  	s8 =	smul.u32 $0x140, s7;
	s9 =	ssub.s32 s9, s10;
	[sflag:s4] =	ssyncset.done $0x0  }
0xa: {  	s7 =	simm.s32 $0x1;
	s9 =	smax.u32 s9, $0x1;
	[sflag:s4] =	ssyncadd.s32 $0xFFFFFF60  }
0xb: {  	[tilespmem:s6], [sflag:$0x1] =	stream.indirect.gather [hbm4b:s2+s6], $0x10, s3, s6, $0xb8;
	[tilespmem:$0xAA0] =	vst v63  }
0xc: {  	p0 =	sne.s32 s9, $0x1;
	_ =	swait.ge [sflag:s7], $0xA00  }
.Ltmp0:
0xd: {  	s8 =	sadd.s32 s8, s2;
	[sflag:s7] =	ssyncset.done $0x0;
	(pc) =	sbr.rel @!p0 .LBB2_2-.Ltmp0, $4  }
0xe: {  	s8 =	sadd.s32 $0x2800, s8;
	[sflag:s7] =	ssyncadd.s32 $0xFFFFF600  }
0xf: {  	[hbm4b:s8+s3] =	stream.linear.scatter [tilespmem:s6], [sflag:$0x2], $0xA00, $0x38;
	[tilespmem:$0xAA0] =	vst v63  }
0x10: {  	_ =	swait.ge [sflag:s4], $0xA00  }
0x11: {  	s9 =	sadd.s32 $0xFFFFFFFF, s9;
	[sflag:s4] =	ssyncset.done $0x0  }
.LBB2_1:
0x12: {  	p0 =	sne.s32 s9, $0x1;
	s9 =	sadd.s32 $0xFFFFFFFF, s9;
	[sflag:s4] =	ssyncadd.s32 $0xFFFFF600  }
0x13: {  	[tilespmem:s3], [sflag:$0x2] =	stream.linear.gather [hbm4b:s5+s3], $0xA0, $0x38;
	[tilespmem:$0xAA0] =	vst v63  }
0x14: {  	_ =	swait.ge [sflag:s4], $0xA0  }
0x15: {  	[sflag:s4] =	ssyncset.done $0x0  }
0x16: {  	[sflag:s4] =	ssyncadd.s32 $0xFFFFFF60  }
0x17: {  	[tilespmem:s6], [sflag:$0x1] =	stream.indirect.gather [hbm4b:s2+s6], $0x10, s3, s6, $0xb8;
	[tilespmem:$0xAA0] =	vst v63  }
0x18: {  	_ =	swait.ge [sflag:s7], $0xA00  }
.Ltmp1:
0x19: {  	[sflag:s7] =	ssyncset.done $0x0;
	(pc) =	sbr.rel @p0 .LBB2_1-.Ltmp1, $4  }
0x1a: {  	[sflag:s7] =	ssyncadd.s32 $0xFFFFF600  }
0x1b: {  	[hbm4b:s8+s3] =	stream.linear.scatter [tilespmem:s6], [sflag:$0x2], $0xA00, $0x38;
	[tilespmem:$0xAA0] =	vst v63  }
0x1c: {  	_ =	swait.ge [sflag:s4], $0xA00  }
0x1d: {  	[sflag:s4] =	ssyncset.done $0x0  }
.LBB2_2:
0x1e: {  	[sflag:s4] =	ssyncadd.s32 $0xFFFFF600  }
0x1f: {  	_ =	sfence.sel $0x180000  }
0x20: {  	[bflag:$0x0] =	sbarrier.arrive $0xFFFF  }
0x21: {  	p0 =	sne.s32 s0, $0x0;
	_ =	strace $0x90000047  }
0x22: {  	s0 =	sadd.s32 @!p0 $0x100000, s1;
	[bflag:$0x2] =	sbarrier.arrive $0xFFFF  }
0x23: {  	[sflag:s0] =	ssyncadd.tile.s32 @!p0 $0x1;
	_ =	shalt  }
.Lfunc_end2:
_tile_overlayer_lowered:
.L_overlay_start_2:
0x24: {  	(tag) =	ssettag $0x2  }
0x25: {  	s0 =	rddreg [dreg:$0x0];
	s2 =	stileid.u32  }
0x26: {  	s1 =	rddreg [dreg:$0x1];
	p0 =	sne.s32 s2, $0x0  }
0x27: {  	s3 =	rddreg [dreg:$0x2];
	[bflag:$0x3] =	sbarrier.arrive $0xFFFF;
	s2 =	simm.s32 @!p0 $0x1C02  }
0x28: {  	[timem:s3], [sflag:s2] =	dma.local @!p0 [hbm:s0], s1  }
0x29: {  	s0 =	simm.s32 @!p0 $0x2  }
0x2a: {  	_ =	swait.ge @!p0 [sflag:s0], s1  }
0x2b: {  	s1 =	ssub.s32 @!p0 $0x0, s1;
	[sflag:s0] =	ssyncset.done @!p0 $0x0  }
0x2c: {  	[sflag:s0] =	ssyncadd.s32 @!p0 s1  }
0x2d: {  	[bflag:$0x3] =	sbarrier.arrive $0xFFFF  }
0x2e: {  	_ =	shalt  }

</sc_bundles>
